<compile_context>
chip_gen: v7x
topology: tpu7x:2x2x1
jax: 0.10.2.dev20260603
libtpu: 0.0.44.dev20260713+nightly
codegen_flags: <defaults>
</compile_context>

<pallas_src>
import functools

import jax
import jax.numpy as jnp
from jax import lax
from jax.experimental import pallas as pl
from jax.experimental.pallas import tpu as pltpu
from jax.experimental.pallas import tpu_sc as plsc

NC = 2
NS = 16
CH = 128
NIDX = 8
NROW = 4
DH = 72


def _sc_segment_sum(xs, edges, zeros, n_pad, cpt):
    rps = n_pad // NS

    mesh = plsc.VectorSubcoreMesh(core_axis_name="c", subcore_axis_name="s")

    @functools.partial(
        pl.kernel,
        out_type=jax.ShapeDtypeStruct((NC * n_pad, 128), jnp.float32),
        mesh=mesh,
        scratch_types=[
            pltpu.VMEM((NIDX, 2, CH), jnp.int32),
            pltpu.VMEM((NROW, CH, DH), jnp.float32),
            pltpu.VMEM_SHARED((n_pad, DH), jnp.float32),
            pltpu.VMEM_SHARED((n_pad, DH), jnp.float32),
            pltpu.SemaphoreType.DMA,
            pltpu.SemaphoreType.DMA,
            pltpu.SemaphoreType.DMA,
            pltpu.SemaphoreType.DMA,
            pltpu.SemaphoreType.DMA,
            pltpu.SemaphoreType.DMA,
            pltpu.SemaphoreType.DMA,
            pltpu.SemaphoreType.DMA,
            pltpu.SemaphoreType.DMA,
            pltpu.SemaphoreType.DMA,
            pltpu.SemaphoreType.DMA,
            pltpu.SemaphoreType.DMA,
        ],
        compiler_params=pltpu.CompilerParams(use_tc_tiling_on_sc=False),
    )
    def sc_kernel(xs_hbm, edges_hbm, zeros_hbm, out_hbm,
                  idx_v, rows_v, tab_sh, acc_sh,
                  i0, i1, i2, i3, i4, i5, i6, i7, g0, g1, g2, g3):
        isem = (i0, i1, i2, i3, i4, i5, i6, i7)
        gsem = (g0, g1, g2, g3)
        cid = lax.axis_index("c")
        sid = lax.axis_index("s")
        base = sid * cpt
        rows = pl.ds(sid * rps, rps)
        crows = pl.ds(cid * n_pad + sid * rps, rps)

        def idx_load(c, slot):
            return pltpu.make_async_copy(
                edges_hbm.at[pl.ds(2 * (base + c), 2)],
                idx_v.at[slot], isem[slot])

        def gather(c_slot, r_slot):
            return pltpu.make_async_copy(tab_sh.at[idx_v.at[c_slot, 0]],
                                         rows_v.at[r_slot], gsem[r_slot])

        cols = pl.ds(0, DH)
        pltpu.sync_copy(xs_hbm.at[crows, cols], tab_sh.at[rows])
        pltpu.sync_copy(zeros_hbm.at[rows, cols], acc_sh.at[rows])
        plsc.subcore_barrier()

        for s in range(NIDX):
            idx_load(s, s).start()
        for bn in range(NROW):
            idx_load(bn, bn).wait()
            gather(bn, bn).start()

        def step(j, bn, refill):
            gather(bn, bn % NROW).wait()
            pltpu.sync_copy(rows_v.at[bn % NROW],
                            acc_sh.at[idx_v.at[bn, 1]], add=True)
            if refill:
                idx_load(j + bn + NIDX, bn).start()
            if bn < NROW or refill:
                idx_load(j + bn + NROW, (bn + NROW) % NIDX).wait()
                gather((bn + NROW) % NIDX, bn % NROW).start()

        @pl.loop(0, cpt - NIDX, step=NIDX)
        def _(j):
            for bn in range(NIDX):
                step(j, bn, refill=True)

        for bn in range(NIDX):
            step(cpt - NIDX, bn, refill=False)

        plsc.subcore_barrier()
        pltpu.sync_copy(acc_sh.at[rows], out_hbm.at[crows, cols])

    return sc_kernel(xs, edges, zeros)


def _tc_combine(x, s0, s1, W, b2, n, d, blk):
    h = d // 2

    def body(x_ref, s0_ref, s1_ref, w_ref, b_ref, o_ref):
        deg = s0_ref[:, h:h + 1]
        xw = jnp.dot(x_ref[...], w_ref[:d, :], preferred_element_type=jnp.float32)
        sw = (jnp.dot(s0_ref[:, :h], w_ref[d:d + h, :],
                      preferred_element_type=jnp.float32)
              + jnp.dot(s1_ref[:, :h], w_ref[d + h:, :],
                        preferred_element_type=jnp.float32))
        o_ref[...] = deg * (xw + b_ref[...]) + sw

    return pl.pallas_call(
        body,
        grid=(n // blk,),
        in_specs=[
            pl.BlockSpec((blk, d), lambda i: (i, 0)),
            pl.BlockSpec((blk, d), lambda i: (i, 0)),
            pl.BlockSpec((blk, d), lambda i: (i, 0)),
            pl.BlockSpec((2 * d, d), lambda i: (0, 0)),
            pl.BlockSpec((1, d), lambda i: (0, 0)),
        ],
        out_specs=pl.BlockSpec((blk, d), lambda i: (i, 0)),
        out_shape=jax.ShapeDtypeStruct((n, d), jnp.float32),
    )(x, s0, s1, W, b2)


def kernel(x, edge_index, W, b):
    n, d = x.shape
    e = edge_index.shape[1]
    h = d // 2

    cpt = -(-e // (CH * NS))
    cpt = -(-cpt // NIDX) * NIDX
    e_pad = NS * cpt * CH
    n_pad = -(-n // (NS * 8)) * (NS * 8)

    xs = jnp.zeros((NC * n_pad, d), jnp.float32)
    xs = xs.at[:n, :h].set(x[:, :h]).at[:n, h].set(1.0)
    xs = xs.at[n_pad:n_pad + n, :h].set(x[:, h:])
    src = jnp.concatenate(
        [edge_index[0], jnp.zeros((e_pad - e,), jnp.int32)]).reshape(-1, CH)
    dst = jnp.concatenate(
        [edge_index[1], jnp.full((e_pad - e,), n, jnp.int32)]).reshape(-1, CH)
    edges = jnp.stack([src, dst], axis=1).reshape(-1, CH)
    zeros = jnp.zeros((n_pad, d), jnp.float32)

    parts = _sc_segment_sum(xs, edges, zeros, n_pad, cpt)

    blk = 1000 if n % 1000 == 0 else 8
    return _tc_combine(x, parts[:n], parts[n_pad:n_pad + n], W,
                       b.reshape(1, d), n, d, blk)

# --- scband reference (transcript-rebuilt; emitter-appended) ---
"""Pipeline reference for scband-sirconv-base-2645699854683 (READ-ONLY COPY).

The authoritative reference and input builder live on the scoring server;
editing this copy changes nothing except your own understanding.
"""

import jax, jax.numpy as jnp
import numpy as np

N = 10000
E = 320000
D = 128

def setup_inputs(seed: int = 0):
    key = jax.random.key(seed)
    k1, k2, k3 = jax.random.split(key, 3)
    x = jax.random.normal(k1, (N, D), dtype=jnp.float32)
    edge_index = jax.random.randint(k2, (2, E), 0, N, dtype=jnp.int32)
    # message_func = nn.Linear(2*D, D): weight W [2D, D] (already transposed for x @ W), bias b [D]
    W = jax.random.normal(k3, (2 * D, D), dtype=jnp.float32) * (1.0 / np.sqrt(2 * D))
    b = jnp.zeros((D,), dtype=jnp.float32)
    return {"x": x, "edge_index": edge_index, "W": W, "b": b}

def reference(x, edge_index, W, b):
    src = edge_index[0]
    dst = edge_index[1]
    n = x.shape[0]
    # agg_type == 'sum' -> norm is all ones (the 'sym' branch with deg^-0.5 is not taken)
    norm = jnp.ones((n, 1), dtype=x.dtype)
    # DGL message_func: cat(edges.dst['eq'], edges.src['ek']) then g(.), scaled by norm_src*norm_dst
    msg = jnp.concatenate([jnp.take(x, dst, axis=0), jnp.take(x, src, axis=0)], axis=-1)
    m = jnp.take(norm, src, axis=0) * jnp.take(norm, dst, axis=0) * (msg @ W + b)
    # fn.sum('m', 'ft'): scatter-add messages to destination nodes
    out = jax.ops.segment_sum(m, dst, num_segments=n)
    return out

if __name__ == "__main__":
    import jax
    _d = setup_inputs()
    print(jax.jit(kernel)(*tuple(_d.values())))

</pallas_src>

<mosaic_0001>
#map = affine_map<(d0, d1) -> (0, 0)>
module attributes {stable_mosaic.version = 14 : i64} {
  func.func @sc_kernel(%arg0: i32, %arg1: i32, %arg2: memref<20224x128xf32, #tpu.memory_space<hbm>>, %arg3: memref<5120x128xi32, #tpu.memory_space<hbm>>, %arg4: memref<10112x128xf32, #tpu.memory_space<hbm>>, %arg5: memref<20224x128xf32, #tpu.memory_space<hbm>>, %arg6: memref<8x2x128xi32, #tpu.memory_space<vmem>>, %arg7: memref<4x128x72xf32, #tpu.memory_space<vmem>>, %arg8: memref<10112x72xf32, #tpu.memory_space<vmem_shared>>, %arg9: memref<10112x72xf32, #tpu.memory_space<vmem_shared>>, %arg10: memref<!tpu.dma_semaphore, #tpu.memory_space<semaphore_mem>>, %arg11: memref<!tpu.dma_semaphore, #tpu.memory_space<semaphore_mem>>, %arg12: memref<!tpu.dma_semaphore, #tpu.memory_space<semaphore_mem>>, %arg13: memref<!tpu.dma_semaphore, #tpu.memory_space<semaphore_mem>>, %arg14: memref<!tpu.dma_semaphore, #tpu.memory_space<semaphore_mem>>, %arg15: memref<!tpu.dma_semaphore, #tpu.memory_space<semaphore_mem>>, %arg16: memref<!tpu.dma_semaphore, #tpu.memory_space<semaphore_mem>>, %arg17: memref<!tpu.dma_semaphore, #tpu.memory_space<semaphore_mem>>, %arg18: memref<!tpu.dma_semaphore, #tpu.memory_space<semaphore_mem>>, %arg19: memref<!tpu.dma_semaphore, #tpu.memory_space<semaphore_mem>>, %arg20: memref<!tpu.dma_semaphore, #tpu.memory_space<semaphore_mem>>, %arg21: memref<!tpu.dma_semaphore, #tpu.memory_space<semaphore_mem>>) attributes {dimension_semantics = [#tpu.dimension_semantics<core_parallel>, #tpu.dimension_semantics<subcore_parallel>], iteration_bounds = array<i64: 2, 16>, scalar_prefetch = 0 : i64, scratch_operands = 16 : i64, tpu.core_type = #tpu.core_type<sc_vector_subcore>, window_params = [{transform_indices = #map}, {transform_indices = #map}, {transform_indices = #map}, {transform_indices = #map}]} {
    %mul3A = arith.constant 160 : i32
    %mul3A_0 = arith.muli %arg1, %mul3A : i32
    %mul3A_1 = arith.constant 632 : i32
    %mul3A_2 = arith.muli %arg1, %mul3A_1 : i32
    %mul3A_3 = arith.constant 10112 : i32
    %mul3A_4 = arith.muli %arg0, %mul3A_3 : i32
    %mul3A_5 = arith.constant 632 : i32
    %mul3A_6 = arith.muli %arg1, %mul3A_5 : i32
    %add3A = arith.addi %mul3A_4, %mul3A_6 : i32
    "tpu.region"() ({
      %run_scoped3A_513 = tpu.sem_alloc : memref<!tpu.dma_semaphore, #tpu.memory_space<semaphore_mem>>
      %dma_start3A_514 = arith.constant 0 : i32
      %dma_start3A_515 = tpu.memref_slice %arg8[%mul3A_2, %dma_start3A_514] : memref<10112x72xf32, #tpu.memory_space<vmem_shared>> -> memref<632x72xf32, #tpu.memory_space<vmem_shared>>
      %dma_start3A_516 = arith.constant 0 : i32
      %dma_start3A_517 = tpu.memref_slice %arg2[%add3A, %dma_start3A_516] : memref<20224x128xf32, #tpu.memory_space<hbm>> -> memref<632x72xf32, #tpu.memory_space<hbm>>
      tpu.enqueue_dma source(%dma_start3A_517 : memref<632x72xf32, #tpu.memory_space<hbm>>) target(%dma_start3A_515 : memref<632x72xf32, #tpu.memory_space<vmem_shared>>) target_semaphore(%run_scoped3A_513 : memref<!tpu.dma_semaphore, #tpu.memory_space<semaphore_mem>>)
      %dma_wait3A_518 = arith.constant 0 : i32
      %dma_wait3A_519 = tpu.memref_slice %arg8[%mul3A_2, %dma_wait3A_518] : memref<10112x72xf32, #tpu.memory_space<vmem_shared>> -> memref<632x72xf32, #tpu.memory_space<vmem_shared>>
      %dma_wait3A_520 = arith.constant 0 : i32
      %dma_wait3A_521 = tpu.memref_slice %arg2[%add3A, %dma_wait3A_520] : memref<20224x128xf32, #tpu.memory_space<hbm>> -> memref<632x72xf32, #tpu.memory_space<hbm>>
      tpu.wait_dma2 semaphore(%run_scoped3A_513 : memref<!tpu.dma_semaphore, #tpu.memory_space<semaphore_mem>>) src(%dma_wait3A_521 : memref<632x72xf32, #tpu.memory_space<hbm>>) dst(%dma_wait3A_519 : memref<632x72xf32, #tpu.memory_space<vmem_shared>>)
      tpu.yield
    }) : () -> ()
    "tpu.region"() ({
      %run_scoped3A_513 = tpu.sem_alloc : memref<!tpu.dma_semaphore, #tpu.memory_space<semaphore_mem>>
      %dma_start3A_514 = arith.constant 0 : i32
      %dma_start3A_515 = tpu.memref_slice %arg9[%mul3A_2, %dma_start3A_514] : memref<10112x72xf32, #tpu.memory_space<vmem_shared>> -> memref<632x72xf32, #tpu.memory_space<vmem_shared>>
      %dma_start3A_516 = arith.constant 0 : i32
      %dma_start3A_517 = tpu.memref_slice %arg4[%mul3A_2, %dma_start3A_516] : memref<10112x128xf32, #tpu.memory_space<hbm>> -> memref<632x72xf32, #tpu.memory_space<hbm>>
      tpu.enqueue_dma source(%dma_start3A_517 : memref<632x72xf32, #tpu.memory_space<hbm>>) target(%dma_start3A_515 : memref<632x72xf32, #tpu.memory_space<vmem_shared>>) target_semaphore(%run_scoped3A_513 : memref<!tpu.dma_semaphore, #tpu.memory_space<semaphore_mem>>)
      %dma_wait3A_518 = arith.constant 0 : i32
      %dma_wait3A_519 = tpu.memref_slice %arg9[%mul3A_2, %dma_wait3A_518] : memref<10112x72xf32, #tpu.memory_space<vmem_shared>> -> memref<632x72xf32, #tpu.memory_space<vmem_shared>>
      %dma_wait3A_520 = arith.constant 0 : i32
      %dma_wait3A_521 = tpu.memref_slice %arg4[%mul3A_2, %dma_wait3A_520] : memref<10112x128xf32, #tpu.memory_space<hbm>> -> memref<632x72xf32, #tpu.memory_space<hbm>>
      tpu.wait_dma2 semaphore(%run_scoped3A_513 : memref<!tpu.dma_semaphore, #tpu.memory_space<semaphore_mem>>) src(%dma_wait3A_521 : memref<632x72xf32, #tpu.memory_space<hbm>>) dst(%dma_wait3A_519 : memref<632x72xf32, #tpu.memory_space<vmem_shared>>)
      tpu.yield
    }) : () -> ()
    %barrier3A = arith.constant 0 : index
    tpu.barrier barrier_id(%barrier3A)
    %add3A_7 = arith.constant 0 : i32
    %add3A_8 = arith.addi %mul3A_0, %add3A_7 : i32
    %mul3A_9 = arith.constant 2 : i32
    %mul3A_10 = arith.muli %mul3A_9, %add3A_8 : i32
    %dma_start3A = arith.constant 0 : i32
    %dma_start3A_11 = arith.constant 0 : i32
    %dma_start3A_12 = arith.constant 0 : i32
    %dma_start3A_13 = tpu.memref_slice %arg6[%dma_start3A, %dma_start3A_11, %dma_start3A_12] : memref<8x2x128xi32, #tpu.memory_space<vmem>> -> memref<1x2x128xi32, #tpu.memory_space<vmem>>
    %dma_start3A_14 = tpu.memref_squeeze %dma_start3A_13 : memref<1x2x128xi32, #tpu.memory_space<vmem>> -> memref<2x128xi32, #tpu.memory_space<vmem>>
    %dma_start3A_15 = arith.constant 0 : i32
    %dma_start3A_16 = tpu.memref_slice %arg3[%mul3A_10, %dma_start3A_15] : memref<5120x128xi32, #tpu.memory_space<hbm>> -> memref<2x128xi32, #tpu.memory_space<hbm>>
    %dma_start3A_17 = arith.constant 0 : i32
    %dma_start3A_18 = arith.constant 0 : i32
    %dma_start3A_19 = tpu.memref_slice %arg6[%dma_start3A, %dma_start3A_17, %dma_start3A_18] : memref<8x2x128xi32, #tpu.memory_space<vmem>> -> memref<1x2x128xi32, #tpu.memory_space<vmem>>
    %dma_start3A_20 = tpu.memref_squeeze %dma_start3A_19 : memref<1x2x128xi32, #tpu.memory_space<vmem>> -> memref<2x128xi32, #tpu.memory_space<vmem>>
    %dma_start3A_21 = arith.constant 0 : i32
    %dma_start3A_22 = tpu.memref_slice %arg3[%mul3A_10, %dma_start3A_21] : memref<5120x128xi32, #tpu.memory_space<hbm>> -> memref<2x128xi32, #tpu.memory_space<hbm>>
    tpu.enqueue_dma source(%dma_start3A_22 : memref<2x128xi32, #tpu.memory_space<hbm>>) target(%dma_start3A_20 : memref<2x128xi32, #tpu.memory_space<vmem>>) target_semaphore(%arg10 : memref<!tpu.dma_semaphore, #tpu.memory_space<semaphore_mem>>)
    %add3A_23 = arith.constant 1 : i32
    %add3A_24 = arith.addi %mul3A_0, %add3A_23 : i32
    %mul3A_25 = arith.constant 2 : i32
    %mul3A_26 = arith.muli %mul3A_25, %add3A_24 : i32
    %dma_start3A_27 = arith.constant 1 : i32
    %dma_start3A_28 = arith.constant 0 : i32
    %dma_start3A_29 = arith.constant 0 : i32
    %dma_start3A_30 = tpu.memref_slice %arg6[%dma_start3A_27, %dma_start3A_28, %dma_start3A_29] : memref<8x2x128xi32, #tpu.memory_space<vmem>> -> memref<1x2x128xi32, #tpu.memory_space<vmem>>
    %dma_start3A_31 = tpu.memref_squeeze %dma_start3A_30 : memref<1x2x128xi32, #tpu.memory_space<vmem>> -> memref<2x128xi32, #tpu.memory_space<vmem>>
    %dma_start3A_32 = arith.constant 0 : i32
    %dma_start3A_33 = tpu.memref_slice %arg3[%mul3A_26, %dma_start3A_32] : memref<5120x128xi32, #tpu.memory_space<hbm>> -> memref<2x128xi32, #tpu.memory_space<hbm>>
    %dma_start3A_34 = arith.constant 0 : i32
    %dma_start3A_35 = arith.constant 0 : i32
    %dma_start3A_36 = tpu.memref_slice %arg6[%dma_start3A_27, %dma_start3A_34, %dma_start3A_35] : memref<8x2x128xi32, #tpu.memory_space<vmem>> -> memref<1x2x128xi32, #tpu.memory_space<vmem>>
    %dma_start3A_37 = tpu.memref_squeeze %dma_start3A_36 : memref<1x2x128xi32, #tpu.memory_space<vmem>> -> memref<2x128xi32, #tpu.memory_space<vmem>>
    %dma_start3A_38 = arith.constant 0 : i32
    %dma_start3A_39 = tpu.memref_slice %arg3[%mul3A_26, %dma_start3A_38] : memref<5120x128xi32, #tpu.memory_space<hbm>> -> memref<2x128xi32, #tpu.memory_space<hbm>>
    tpu.enqueue_dma source(%dma_start3A_39 : memref<2x128xi32, #tpu.memory_space<hbm>>) target(%dma_start3A_37 : memref<2x128xi32, #tpu.memory_space<vmem>>) target_semaphore(%arg11 : memref<!tpu.dma_semaphore, #tpu.memory_space<semaphore_mem>>)
    %add3A_40 = arith.constant 2 : i32
    %add3A_41 = arith.addi %mul3A_0, %add3A_40 : i32
    %mul3A_42 = arith.constant 2 : i32
    %mul3A_43 = arith.muli %mul3A_42, %add3A_41 : i32
    %dma_start3A_44 = arith.constant 2 : i32
    %dma_start3A_45 = arith.constant 0 : i32
    %dma_start3A_46 = arith.constant 0 : i32
    %dma_start3A_47 = tpu.memref_slice %arg6[%dma_start3A_44, %dma_start3A_45, %dma_start3A_46] : memref<8x2x128xi32, #tpu.memory_space<vmem>> -> memref<1x2x128xi32, #tpu.memory_space<vmem>>
    %dma_start3A_48 = tpu.memref_squeeze %dma_start3A_47 : memref<1x2x128xi32, #tpu.memory_space<vmem>> -> memref<2x128xi32, #tpu.memory_space<vmem>>
    %dma_start3A_49 = arith.constant 0 : i32
    %dma_start3A_50 = tpu.memref_slice %arg3[%mul3A_43, %dma_start3A_49] : memref<5120x128xi32, #tpu.memory_space<hbm>> -> memref<2x128xi32, #tpu.memory_space<hbm>>
    %dma_start3A_51 = arith.constant 0 : i32
    %dma_start3A_52 = arith.constant 0 : i32
    %dma_start3A_53 = tpu.memref_slice %arg6[%dma_start3A_44, %dma_start3A_51, %dma_start3A_52] : memref<8x2x128xi32, #tpu.memory_space<vmem>> -> memref<1x2x128xi32, #tpu.memory_space<vmem>>
    %dma_start3A_54 = tpu.memref_squeeze %dma_start3A_53 : memref<1x2x128xi32, #tpu.memory_space<vmem>> -> memref<2x128xi32, #tpu.memory_space<vmem>>
    %dma_start3A_55 = arith.constant 0 : i32
    %dma_start3A_56 = tpu.memref_slice %arg3[%mul3A_43, %dma_start3A_55] : memref<5120x128xi32, #tpu.memory_space<hbm>> -> memref<2x128xi32, #tpu.memory_space<hbm>>
    tpu.enqueue_dma source(%dma_start3A_56 : memref<2x128xi32, #tpu.memory_space<hbm>>) target(%dma_start3A_54 : memref<2x128xi32, #tpu.memory_space<vmem>>) target_semaphore(%arg12 : memref<!tpu.dma_semaphore, #tpu.memory_space<semaphore_mem>>)
    %add3A_57 = arith.constant 3 : i32
    %add3A_58 = arith.addi %mul3A_0, %add3A_57 : i32
    %mul3A_59 = arith.constant 2 : i32
    %mul3A_60 = arith.muli %mul3A_59, %add3A_58 : i32
    %dma_start3A_61 = arith.constant 3 : i32
    %dma_start3A_62 = arith.constant 0 : i32
    %dma_start3A_63 = arith.constant 0 : i32
    %dma_start3A_64 = tpu.memref_slice %arg6[%dma_start3A_61, %dma_start3A_62, %dma_start3A_63] : memref<8x2x128xi32, #tpu.memory_space<vmem>> -> memref<1x2x128xi32, #tpu.memory_space<vmem>>
    %dma_start3A_65 = tpu.memref_squeeze %dma_start3A_64 : memref<1x2x128xi32, #tpu.memory_space<vmem>> -> memref<2x128xi32, #tpu.memory_space<vmem>>
    %dma_start3A_66 = arith.constant 0 : i32
    %dma_start3A_67 = tpu.memref_slice %arg3[%mul3A_60, %dma_start3A_66] : memref<5120x128xi32, #tpu.memory_space<hbm>> -> memref<2x128xi32, #tpu.memory_space<hbm>>
    %dma_start3A_68 = arith.constant 0 : i32
    %dma_start3A_69 = arith.constant 0 : i32
    %dma_start3A_70 = tpu.memref_slice %arg6[%dma_start3A_61, %dma_start3A_68, %dma_start3A_69] : memref<8x2x128xi32, #tpu.memory_space<vmem>> -> memref<1x2x128xi32, #tpu.memory_space<vmem>>
    %dma_start3A_71 = tpu.memref_squeeze %dma_start3A_70 : memref<1x2x128xi32, #tpu.memory_space<vmem>> -> memref<2x128xi32, #tpu.memory_space<vmem>>
    %dma_start3A_72 = arith.constant 0 : i32
    %dma_start3A_73 = tpu.memref_slice %arg3[%mul3A_60, %dma_start3A_72] : memref<5120x128xi32, #tpu.memory_space<hbm>> -> memref<2x128xi32, #tpu.memory_space<hbm>>
    tpu.enqueue_dma source(%dma_start3A_73 : memref<2x128xi32, #tpu.memory_space<hbm>>) target(%dma_start3A_71 : memref<2x128xi32, #tpu.memory_space<vmem>>) target_semaphore(%arg13 : memref<!tpu.dma_semaphore, #tpu.memory_space<semaphore_mem>>)
    %add3A_74 = arith.constant 4 : i32
    %add3A_75 = arith.addi %mul3A_0, %add3A_74 : i32
    %mul3A_76 = arith.constant 2 : i32
    %mul3A_77 = arith.muli %mul3A_76, %add3A_75 : i32
    %dma_start3A_78 = arith.constant 4 : i32
    %dma_start3A_79 = arith.constant 0 : i32
    %dma_start3A_80 = arith.constant 0 : i32
    %dma_start3A_81 = tpu.memref_slice %arg6[%dma_start3A_78, %dma_start3A_79, %dma_start3A_80] : memref<8x2x128xi32, #tpu.memory_space<vmem>> -> memref<1x2x128xi32, #tpu.memory_space<vmem>>
    %dma_start3A_82 = tpu.memref_squeeze %dma_start3A_81 : memref<1x2x128xi32, #tpu.memory_space<vmem>> -> memref<2x128xi32, #tpu.memory_space<vmem>>
    %dma_start3A_83 = arith.constant 0 : i32
    %dma_start3A_84 = tpu.memref_slice %arg3[%mul3A_77, %dma_start3A_83] : memref<5120x128xi32, #tpu.memory_space<hbm>> -> memref<2x128xi32, #tpu.memory_space<hbm>>
    %dma_start3A_85 = arith.constant 0 : i32
    %dma_start3A_86 = arith.constant 0 : i32
    %dma_start3A_87 = tpu.memref_slice %arg6[%dma_start3A_78, %dma_start3A_85, %dma_start3A_86] : memref<8x2x128xi32, #tpu.memory_space<vmem>> -> memref<1x2x128xi32, #tpu.memory_space<vmem>>
    %dma_start3A_88 = tpu.memref_squeeze %dma_start3A_87 : memref<1x2x128xi32, #tpu.memory_space<vmem>> -> memref<2x128xi32, #tpu.memory_space<vmem>>
    %dma_start3A_89 = arith.constant 0 : i32
    %dma_start3A_90 = tpu.memref_slice %arg3[%mul3A_77, %dma_start3A_89] : memref<5120x128xi32, #tpu.memory_space<hbm>> -> memref<2x128xi32, #tpu.memory_space<hbm>>
    tpu.enqueue_dma source(%dma_start3A_90 : memref<2x128xi32, #tpu.memory_space<hbm>>) target(%dma_start3A_88 : memref<2x128xi32, #tpu.memory_space<vmem>>) target_semaphore(%arg14 : memref<!tpu.dma_semaphore, #tpu.memory_space<semaphore_mem>>)
    %add3A_91 = arith.constant 5 : i32
    %add3A_92 = arith.addi %mul3A_0, %add3A_91 : i32
    %mul3A_93 = arith.constant 2 : i32
    %mul3A_94 = arith.muli %mul3A_93, %add3A_92 : i32
    %dma_start3A_95 = arith.constant 5 : i32
    %dma_start3A_96 = arith.constant 0 : i32
    %dma_start3A_97 = arith.constant 0 : i32
    %dma_start3A_98 = tpu.memref_slice %arg6[%dma_start3A_95, %dma_start3A_96, %dma_start3A_97] : memref<8x2x128xi32, #tpu.memory_space<vmem>> -> memref<1x2x128xi32, #tpu.memory_space<vmem>>
    %dma_start3A_99 = tpu.memref_squeeze %dma_start3A_98 : memref<1x2x128xi32, #tpu.memory_space<vmem>> -> memref<2x128xi32, #tpu.memory_space<vmem>>
    %dma_start3A_100 = arith.constant 0 : i32
    %dma_start3A_101 = tpu.memref_slice %arg3[%mul3A_94, %dma_start3A_100] : memref<5120x128xi32, #tpu.memory_space<hbm>> -> memref<2x128xi32, #tpu.memory_space<hbm>>
    %dma_start3A_102 = arith.constant 0 : i32
    %dma_start3A_103 = arith.constant 0 : i32
    %dma_start3A_104 = tpu.memref_slice %arg6[%dma_start3A_95, %dma_start3A_102, %dma_start3A_103] : memref<8x2x128xi32, #tpu.memory_space<vmem>> -> memref<1x2x128xi32, #tpu.memory_space<vmem>>
    %dma_start3A_105 = tpu.memref_squeeze %dma_start3A_104 : memref<1x2x128xi32, #tpu.memory_space<vmem>> -> memref<2x128xi32, #tpu.memory_space<vmem>>
    %dma_start3A_106 = arith.constant 0 : i32
    %dma_start3A_107 = tpu.memref_slice %arg3[%mul3A_94, %dma_start3A_106] : memref<5120x128xi32, #tpu.memory_space<hbm>> -> memref<2x128xi32, #tpu.memory_space<hbm>>
    tpu.enqueue_dma source(%dma_start3A_107 : memref<2x128xi32, #tpu.memory_space<hbm>>) target(%dma_start3A_105 : memref<2x128xi32, #tpu.memory_space<vmem>>) target_semaphore(%arg15 : memref<!tpu.dma_semaphore, #tpu.memory_space<semaphore_mem>>)
    %add3A_108 = arith.constant 6 : i32
    %add3A_109 = arith.addi %mul3A_0, %add3A_108 : i32
    %mul3A_110 = arith.constant 2 : i32
    %mul3A_111 = arith.muli %mul3A_110, %add3A_109 : i32
    %dma_start3A_112 = arith.constant 6 : i32
    %dma_start3A_113 = arith.constant 0 : i32
    %dma_start3A_114 = arith.constant 0 : i32
    %dma_start3A_115 = tpu.memref_slice %arg6[%dma_start3A_112, %dma_start3A_113, %dma_start3A_114] : memref<8x2x128xi32, #tpu.memory_space<vmem>> -> memref<1x2x128xi32, #tpu.memory_space<vmem>>
    %dma_start3A_116 = tpu.memref_squeeze %dma_start3A_115 : memref<1x2x128xi32, #tpu.memory_space<vmem>> -> memref<2x128xi32, #tpu.memory_space<vmem>>
    %dma_start3A_117 = arith.constant 0 : i32
    %dma_start3A_118 = tpu.memref_slice %arg3[%mul3A_111, %dma_start3A_117] : memref<5120x128xi32, #tpu.memory_space<hbm>> -> memref<2x128xi32, #tpu.memory_space<hbm>>
    %dma_start3A_119 = arith.constant 0 : i32
    %dma_start3A_120 = arith.constant 0 : i32
    %dma_start3A_121 = tpu.memref_slice %arg6[%dma_start3A_112, %dma_start3A_119, %dma_start3A_120] : memref<8x2x128xi32, #tpu.memory_space<vmem>> -> memref<1x2x128xi32, #tpu.memory_space<vmem>>
    %dma_start3A_122 = tpu.memref_squeeze %dma_start3A_121 : memref<1x2x128xi32, #tpu.memory_space<vmem>> -> memref<2x128xi32, #tpu.memory_space<vmem>>
    %dma_start3A_123 = arith.constant 0 : i32
    %dma_start3A_124 = tpu.memref_slice %arg3[%mul3A_111, %dma_start3A_123] : memref<5120x128xi32, #tpu.memory_space<hbm>> -> memref<2x128xi32, #tpu.memory_space<hbm>>
    tpu.enqueue_dma source(%dma_start3A_124 : memref<2x128xi32, #tpu.memory_space<hbm>>) target(%dma_start3A_122 : memref<2x128xi32, #tpu.memory_space<vmem>>) target_semaphore(%arg16 : memref<!tpu.dma_semaphore, #tpu.memory_space<semaphore_mem>>)
    %add3A_125 = arith.constant 7 : i32
    %add3A_126 = arith.addi %mul3A_0, %add3A_125 : i32
    %mul3A_127 = arith.constant 2 : i32
    %mul3A_128 = arith.muli %mul3A_127, %add3A_126 : i32
    %dma_start3A_129 = arith.constant 7 : i32
    %dma_start3A_130 = arith.constant 0 : i32
    %dma_start3A_131 = arith.constant 0 : i32
    %dma_start3A_132 = tpu.memref_slice %arg6[%dma_start3A_129, %dma_start3A_130, %dma_start3A_131] : memref<8x2x128xi32, #tpu.memory_space<vmem>> -> memref<1x2x128xi32, #tpu.memory_space<vmem>>
    %dma_start3A_133 = tpu.memref_squeeze %dma_start3A_132 : memref<1x2x128xi32, #tpu.memory_space<vmem>> -> memref<2x128xi32, #tpu.memory_space<vmem>>
    %dma_start3A_134 = arith.constant 0 : i32
    %dma_start3A_135 = tpu.memref_slice %arg3[%mul3A_128, %dma_start3A_134] : memref<5120x128xi32, #tpu.memory_space<hbm>> -> memref<2x128xi32, #tpu.memory_space<hbm>>
    %dma_start3A_136 = arith.constant 0 : i32
    %dma_start3A_137 = arith.constant 0 : i32
    %dma_start3A_138 = tpu.memref_slice %arg6[%dma_start3A_129, %dma_start3A_136, %dma_start3A_137] : memref<8x2x128xi32, #tpu.memory_space<vmem>> -> memref<1x2x128xi32, #tpu.memory_space<vmem>>
    %dma_start3A_139 = tpu.memref_squeeze %dma_start3A_138 : memref<1x2x128xi32, #tpu.memory_space<vmem>> -> memref<2x128xi32, #tpu.memory_space<vmem>>
    %dma_start3A_140 = arith.constant 0 : i32
    %dma_start3A_141 = tpu.memref_slice %arg3[%mul3A_128, %dma_start3A_140] : memref<5120x128xi32, #tpu.memory_space<hbm>> -> memref<2x128xi32, #tpu.memory_space<hbm>>
    tpu.enqueue_dma source(%dma_start3A_141 : memref<2x128xi32, #tpu.memory_space<hbm>>) target(%dma_start3A_139 : memref<2x128xi32, #tpu.memory_space<vmem>>) target_semaphore(%arg17 : memref<!tpu.dma_semaphore, #tpu.memory_space<semaphore_mem>>)
    %add3A_142 = arith.constant 0 : i32
    %add3A_143 = arith.addi %mul3A_0, %add3A_142 : i32
    %mul3A_144 = arith.constant 2 : i32
    %mul3A_145 = arith.muli %mul3A_144, %add3A_143 : i32
    %dma_wait3A = arith.constant 0 : i32
    %dma_wait3A_146 = arith.constant 0 : i32
    %dma_wait3A_147 = arith.constant 0 : i32
    %dma_wait3A_148 = tpu.memref_slice %arg6[%dma_wait3A, %dma_wait3A_146, %dma_wait3A_147] : memref<8x2x128xi32, #tpu.memory_space<vmem>> -> memref<1x2x128xi32, #tpu.memory_space<vmem>>
    %dma_wait3A_149 = tpu.memref_squeeze %dma_wait3A_148 : memref<1x2x128xi32, #tpu.memory_space<vmem>> -> memref<2x128xi32, #tpu.memory_space<vmem>>
    %dma_wait3A_150 = arith.constant 0 : i32
    %dma_wait3A_151 = tpu.memref_slice %arg3[%mul3A_145, %dma_wait3A_150] : memref<5120x128xi32, #tpu.memory_space<hbm>> -> memref<2x128xi32, #tpu.memory_space<hbm>>
    %dma_wait3A_152 = arith.constant 0 : i32
    %dma_wait3A_153 = arith.constant 0 : i32
    %dma_wait3A_154 = tpu.memref_slice %arg6[%dma_wait3A, %dma_wait3A_152, %dma_wait3A_153] : memref<8x2x128xi32, #tpu.memory_space<vmem>> -> memref<1x2x128xi32, #tpu.memory_space<vmem>>
    %dma_wait3A_155 = tpu.memref_squeeze %dma_wait3A_154 : memref<1x2x128xi32, #tpu.memory_space<vmem>> -> memref<2x128xi32, #tpu.memory_space<vmem>>
    %dma_wait3A_156 = arith.constant 0 : i32
    %dma_wait3A_157 = tpu.memref_slice %arg3[%mul3A_145, %dma_wait3A_156] : memref<5120x128xi32, #tpu.memory_space<hbm>> -> memref<2x128xi32, #tpu.memory_space<hbm>>
    tpu.wait_dma2 semaphore(%arg10 : memref<!tpu.dma_semaphore, #tpu.memory_space<semaphore_mem>>) src(%dma_wait3A_157 : memref<2x128xi32, #tpu.memory_space<hbm>>) dst(%dma_wait3A_155 : memref<2x128xi32, #tpu.memory_space<vmem>>)
    %dma_start3A_158 = arith.constant 0 : i32
    %dma_start3A_159 = arith.constant 0 : i32
    %dma_start3A_160 = arith.constant 0 : i32
    %dma_start3A_161 = arith.constant 0 : i32
    %dma_start3A_162 = arith.constant 0 : i32
    %dma_start3A_163 = tpu.memref_slice %arg7[%dma_start3A_160, %dma_start3A_161, %dma_start3A_162] : memref<4x128x72xf32, #tpu.memory_space<vmem>> -> memref<1x128x72xf32, #tpu.memory_space<vmem>>
    %dma_start3A_164 = tpu.memref_squeeze %dma_start3A_163 : memref<1x128x72xf32, #tpu.memory_space<vmem>> -> memref<128x72xf32, #tpu.memory_space<vmem>>
    %dma_start3A_165 = arith.constant 0 : i32
    %dma_start3A_166 = tpu.memref_slice %arg6[%dma_start3A_158, %dma_start3A_159, %dma_start3A_165] : memref<8x2x128xi32, #tpu.memory_space<vmem>> -> memref<1x1x128xi32, #tpu.memory_space<vmem>>
    %dma_start3A_167 = tpu.memref_squeeze %dma_start3A_166 : memref<1x1x128xi32, #tpu.memory_space<vmem>> -> memref<128xi32, #tpu.memory_space<vmem>>
    %dma_start3A_168 = arith.constant 0 : i32
    %dma_start3A_169 = arith.constant 0 : i32
    %dma_start3A_170 = tpu.memref_slice %arg8[%dma_start3A_168, %dma_start3A_169] : memref<10112x72xf32, #tpu.memory_space<vmem_shared>> -> memref<10112x72xf32, #tpu.memory_space<vmem_shared>>
    tpu.enqueue_indirect_dma source(%dma_start3A_170 : memref<10112x72xf32, #tpu.memory_space<vmem_shared>>) target(%dma_start3A_164 : memref<128x72xf32, #tpu.memory_space<vmem>>) offsets(%dma_start3A_167 : memref<128xi32, #tpu.memory_space<vmem>>) semaphore(%arg18 : memref<!tpu.dma_semaphore, #tpu.memory_space<semaphore_mem>>)
    %add3A_171 = arith.constant 1 : i32
    %add3A_172 = arith.addi %mul3A_0, %add3A_171 : i32
    %mul3A_173 = arith.constant 2 : i32
    %mul3A_174 = arith.muli %mul3A_173, %add3A_172 : i32
    %dma_wait3A_175 = arith.constant 1 : i32
    %dma_wait3A_176 = arith.constant 0 : i32
    %dma_wait3A_177 = arith.constant 0 : i32
    %dma_wait3A_178 = tpu.memref_slice %arg6[%dma_wait3A_175, %dma_wait3A_176, %dma_wait3A_177] : memref<8x2x128xi32, #tpu.memory_space<vmem>> -> memref<1x2x128xi32, #tpu.memory_space<vmem>>
    %dma_wait3A_179 = tpu.memref_squeeze %dma_wait3A_178 : memref<1x2x128xi32, #tpu.memory_space<vmem>> -> memref<2x128xi32, #tpu.memory_space<vmem>>
    %dma_wait3A_180 = arith.constant 0 : i32
    %dma_wait3A_181 = tpu.memref_slice %arg3[%mul3A_174, %dma_wait3A_180] : memref<5120x128xi32, #tpu.memory_space<hbm>> -> memref<2x128xi32, #tpu.memory_space<hbm>>
    %dma_wait3A_182 = arith.constant 0 : i32
    %dma_wait3A_183 = arith.constant 0 : i32
    %dma_wait3A_184 = tpu.memref_slice %arg6[%dma_wait3A_175, %dma_wait3A_182, %dma_wait3A_183] : memref<8x2x128xi32, #tpu.memory_space<vmem>> -> memref<1x2x128xi32, #tpu.memory_space<vmem>>
    %dma_wait3A_185 = tpu.memref_squeeze %dma_wait3A_184 : memref<1x2x128xi32, #tpu.memory_space<vmem>> -> memref<2x128xi32, #tpu.memory_space<vmem>>
    %dma_wait3A_186 = arith.constant 0 : i32
    %dma_wait3A_187 = tpu.memref_slice %arg3[%mul3A_174, %dma_wait3A_186] : memref<5120x128xi32, #tpu.memory_space<hbm>> -> memref<2x128xi32, #tpu.memory_space<hbm>>
    tpu.wait_dma2 semaphore(%arg11 : memref<!tpu.dma_semaphore, #tpu.memory_space<semaphore_mem>>) src(%dma_wait3A_187 : memref<2x128xi32, #tpu.memory_space<hbm>>) dst(%dma_wait3A_185 : memref<2x128xi32, #tpu.memory_space<vmem>>)
    %dma_start3A_188 = arith.constant 1 : i32
    %dma_start3A_189 = arith.constant 0 : i32
    %dma_start3A_190 = arith.constant 1 : i32
    %dma_start3A_191 = arith.constant 0 : i32
    %dma_start3A_192 = arith.constant 0 : i32
    %dma_start3A_193 = tpu.memref_slice %arg7[%dma_start3A_190, %dma_start3A_191, %dma_start3A_192] : memref<4x128x72xf32, #tpu.memory_space<vmem>> -> memref<1x128x72xf32, #tpu.memory_space<vmem>>
    %dma_start3A_194 = tpu.memref_squeeze %dma_start3A_193 : memref<1x128x72xf32, #tpu.memory_space<vmem>> -> memref<128x72xf32, #tpu.memory_space<vmem>>
    %dma_start3A_195 = arith.constant 0 : i32
    %dma_start3A_196 = tpu.memref_slice %arg6[%dma_start3A_188, %dma_start3A_189, %dma_start3A_195] : memref<8x2x128xi32, #tpu.memory_space<vmem>> -> memref<1x1x128xi32, #tpu.memory_space<vmem>>
    %dma_start3A_197 = tpu.memref_squeeze %dma_start3A_196 : memref<1x1x128xi32, #tpu.memory_space<vmem>> -> memref<128xi32, #tpu.memory_space<vmem>>
    %dma_start3A_198 = arith.constant 0 : i32
    %dma_start3A_199 = arith.constant 0 : i32
    %dma_start3A_200 = tpu.memref_slice %arg8[%dma_start3A_198, %dma_start3A_199] : memref<10112x72xf32, #tpu.memory_space<vmem_shared>> -> memref<10112x72xf32, #tpu.memory_space<vmem_shared>>
    tpu.enqueue_indirect_dma source(%dma_start3A_200 : memref<10112x72xf32, #tpu.memory_space<vmem_shared>>) target(%dma_start3A_194 : memref<128x72xf32, #tpu.memory_space<vmem>>) offsets(%dma_start3A_197 : memref<128xi32, #tpu.memory_space<vmem>>) semaphore(%arg19 : memref<!tpu.dma_semaphore, #tpu.memory_space<semaphore_mem>>)
    %add3A_201 = arith.constant 2 : i32
    %add3A_202 = arith.addi %mul3A_0, %add3A_201 : i32
    %mul3A_203 = arith.constant 2 : i32
    %mul3A_204 = arith.muli %mul3A_203, %add3A_202 : i32
    %dma_wait3A_205 = arith.constant 2 : i32
    %dma_wait3A_206 = arith.constant 0 : i32
    %dma_wait3A_207 = arith.constant 0 : i32
    %dma_wait3A_208 = tpu.memref_slice %arg6[%dma_wait3A_205, %dma_wait3A_206, %dma_wait3A_207] : memref<8x2x128xi32, #tpu.memory_space<vmem>> -> memref<1x2x128xi32, #tpu.memory_space<vmem>>
    %dma_wait3A_209 = tpu.memref_squeeze %dma_wait3A_208 : memref<1x2x128xi32, #tpu.memory_space<vmem>> -> memref<2x128xi32, #tpu.memory_space<vmem>>
    %dma_wait3A_210 = arith.constant 0 : i32
    %dma_wait3A_211 = tpu.memref_slice %arg3[%mul3A_204, %dma_wait3A_210] : memref<5120x128xi32, #tpu.memory_space<hbm>> -> memref<2x128xi32, #tpu.memory_space<hbm>>
    %dma_wait3A_212 = arith.constant 0 : i32
    %dma_wait3A_213 = arith.constant 0 : i32
    %dma_wait3A_214 = tpu.memref_slice %arg6[%dma_wait3A_205, %dma_wait3A_212, %dma_wait3A_213] : memref<8x2x128xi32, #tpu.memory_space<vmem>> -> memref<1x2x128xi32, #tpu.memory_space<vmem>>
    %dma_wait3A_215 = tpu.memref_squeeze %dma_wait3A_214 : memref<1x2x128xi32, #tpu.memory_space<vmem>> -> memref<2x128xi32, #tpu.memory_space<vmem>>
    %dma_wait3A_216 = arith.constant 0 : i32
    %dma_wait3A_217 = tpu.memref_slice %arg3[%mul3A_204, %dma_wait3A_216] : memref<5120x128xi32, #tpu.memory_space<hbm>> -> memref<2x128xi32, #tpu.memory_space<hbm>>
    tpu.wait_dma2 semaphore(%arg12 : memref<!tpu.dma_semaphore, #tpu.memory_space<semaphore_mem>>) src(%dma_wait3A_217 : memref<2x128xi32, #tpu.memory_space<hbm>>) dst(%dma_wait3A_215 : memref<2x128xi32, #tpu.memory_space<vmem>>)
    %dma_start3A_218 = arith.constant 2 : i32
    %dma_start3A_219 = arith.constant 0 : i32
    %dma_start3A_220 = arith.constant 2 : i32
    %dma_start3A_221 = arith.constant 0 : i32
    %dma_start3A_222 = arith.constant 0 : i32
    %dma_start3A_223 = tpu.memref_slice %arg7[%dma_start3A_220, %dma_start3A_221, %dma_start3A_222] : memref<4x128x72xf32, #tpu.memory_space<vmem>> -> memref<1x128x72xf32, #tpu.memory_space<vmem>>
    %dma_start3A_224 = tpu.memref_squeeze %dma_start3A_223 : memref<1x128x72xf32, #tpu.memory_space<vmem>> -> memref<128x72xf32, #tpu.memory_space<vmem>>
    %dma_start3A_225 = arith.constant 0 : i32
    %dma_start3A_226 = tpu.memref_slice %arg6[%dma_start3A_218, %dma_start3A_219, %dma_start3A_225] : memref<8x2x128xi32, #tpu.memory_space<vmem>> -> memref<1x1x128xi32, #tpu.memory_space<vmem>>
    %dma_start3A_227 = tpu.memref_squeeze %dma_start3A_226 : memref<1x1x128xi32, #tpu.memory_space<vmem>> -> memref<128xi32, #tpu.memory_space<vmem>>
    %dma_start3A_228 = arith.constant 0 : i32
    %dma_start3A_229 = arith.constant 0 : i32
    %dma_start3A_230 = tpu.memref_slice %arg8[%dma_start3A_228, %dma_start3A_229] : memref<10112x72xf32, #tpu.memory_space<vmem_shared>> -> memref<10112x72xf32, #tpu.memory_space<vmem_shared>>
    tpu.enqueue_indirect_dma source(%dma_start3A_230 : memref<10112x72xf32, #tpu.memory_space<vmem_shared>>) target(%dma_start3A_224 : memref<128x72xf32, #tpu.memory_space<vmem>>) offsets(%dma_start3A_227 : memref<128xi32, #tpu.memory_space<vmem>>) semaphore(%arg20 : memref<!tpu.dma_semaphore, #tpu.memory_space<semaphore_mem>>)
    %add3A_231 = arith.constant 3 : i32
    %add3A_232 = arith.addi %mul3A_0, %add3A_231 : i32
    %mul3A_233 = arith.constant 2 : i32
    %mul3A_234 = arith.muli %mul3A_233, %add3A_232 : i32
    %dma_wait3A_235 = arith.constant 3 : i32
    %dma_wait3A_236 = arith.constant 0 : i32
    %dma_wait3A_237 = arith.constant 0 : i32
    %dma_wait3A_238 = tpu.memref_slice %arg6[%dma_wait3A_235, %dma_wait3A_236, %dma_wait3A_237] : memref<8x2x128xi32, #tpu.memory_space<vmem>> -> memref<1x2x128xi32, #tpu.memory_space<vmem>>
    %dma_wait3A_239 = tpu.memref_squeeze %dma_wait3A_238 : memref<1x2x128xi32, #tpu.memory_space<vmem>> -> memref<2x128xi32, #tpu.memory_space<vmem>>
    %dma_wait3A_240 = arith.constant 0 : i32
    %dma_wait3A_241 = tpu.memref_slice %arg3[%mul3A_234, %dma_wait3A_240] : memref<5120x128xi32, #tpu.memory_space<hbm>> -> memref<2x128xi32, #tpu.memory_space<hbm>>
    %dma_wait3A_242 = arith.constant 0 : i32
    %dma_wait3A_243 = arith.constant 0 : i32
    %dma_wait3A_244 = tpu.memref_slice %arg6[%dma_wait3A_235, %dma_wait3A_242, %dma_wait3A_243] : memref<8x2x128xi32, #tpu.memory_space<vmem>> -> memref<1x2x128xi32, #tpu.memory_space<vmem>>
    %dma_wait3A_245 = tpu.memref_squeeze %dma_wait3A_244 : memref<1x2x128xi32, #tpu.memory_space<vmem>> -> memref<2x128xi32, #tpu.memory_space<vmem>>
    %dma_wait3A_246 = arith.constant 0 : i32
    %dma_wait3A_247 = tpu.memref_slice %arg3[%mul3A_234, %dma_wait3A_246] : memref<5120x128xi32, #tpu.memory_space<hbm>> -> memref<2x128xi32, #tpu.memory_space<hbm>>
    tpu.wait_dma2 semaphore(%arg13 : memref<!tpu.dma_semaphore, #tpu.memory_space<semaphore_mem>>) src(%dma_wait3A_247 : memref<2x128xi32, #tpu.memory_space<hbm>>) dst(%dma_wait3A_245 : memref<2x128xi32, #tpu.memory_space<vmem>>)
    %dma_start3A_248 = arith.constant 3 : i32
    %dma_start3A_249 = arith.constant 0 : i32
    %dma_start3A_250 = arith.constant 3 : i32
    %dma_start3A_251 = arith.constant 0 : i32
    %dma_start3A_252 = arith.constant 0 : i32
    %dma_start3A_253 = tpu.memref_slice %arg7[%dma_start3A_250, %dma_start3A_251, %dma_start3A_252] : memref<4x128x72xf32, #tpu.memory_space<vmem>> -> memref<1x128x72xf32, #tpu.memory_space<vmem>>
    %dma_start3A_254 = tpu.memref_squeeze %dma_start3A_253 : memref<1x128x72xf32, #tpu.memory_space<vmem>> -> memref<128x72xf32, #tpu.memory_space<vmem>>
    %dma_start3A_255 = arith.constant 0 : i32
    %dma_start3A_256 = tpu.memref_slice %arg6[%dma_start3A_248, %dma_start3A_249, %dma_start3A_255] : memref<8x2x128xi32, #tpu.memory_space<vmem>> -> memref<1x1x128xi32, #tpu.memory_space<vmem>>
    %dma_start3A_257 = tpu.memref_squeeze %dma_start3A_256 : memref<1x1x128xi32, #tpu.memory_space<vmem>> -> memref<128xi32, #tpu.memory_space<vmem>>
    %dma_start3A_258 = arith.constant 0 : i32
    %dma_start3A_259 = arith.constant 0 : i32
    %dma_start3A_260 = tpu.memref_slice %arg8[%dma_start3A_258, %dma_start3A_259] : memref<10112x72xf32, #tpu.memory_space<vmem_shared>> -> memref<10112x72xf32, #tpu.memory_space<vmem_shared>>
    tpu.enqueue_indirect_dma source(%dma_start3A_260 : memref<10112x72xf32, #tpu.memory_space<vmem_shared>>) target(%dma_start3A_254 : memref<128x72xf32, #tpu.memory_space<vmem>>) offsets(%dma_start3A_257 : memref<128xi32, #tpu.memory_space<vmem>>) semaphore(%arg21 : memref<!tpu.dma_semaphore, #tpu.memory_space<semaphore_mem>>)
    %scan3A = arith.constant 0 : i32
    %scan3A_261 = arith.constant 19 : i32
    %scan3A_262 = arith.addi %scan3A, %scan3A_261 : i32
    %scan3A_263 = arith.constant 1 : i32
    scf.for %scan3A_513 = %scan3A to %scan3A_262 step %scan3A_263  : i32 {
      %mul3A_514 = arith.constant 8 : i32
      %mul3A_515 = arith.muli %scan3A_513, %mul3A_514 : i32
      %add3A_516 = arith.constant 0 : i32
      %add3A_517 = arith.addi %add3A_516, %mul3A_515 : i32
      %dma_wait3A_518 = arith.constant 0 : i32
      %dma_wait3A_519 = arith.constant 0 : i32
      %dma_wait3A_520 = arith.constant 0 : i32
      %dma_wait3A_521 = arith.constant 0 : i32
      %dma_wait3A_522 = arith.constant 0 : i32
      %dma_wait3A_523 = tpu.memref_slice %arg7[%dma_wait3A_520, %dma_wait3A_521, %dma_wait3A_522] : memref<4x128x72xf32, #tpu.memory_space<vmem>> -> memref<1x128x72xf32, #tpu.memory_space<vmem>>
      %dma_wait3A_524 = tpu.memref_squeeze %dma_wait3A_523 : memref<1x128x72xf32, #tpu.memory_space<vmem>> -> memref<128x72xf32, #tpu.memory_space<vmem>>
      %dma_wait3A_525 = arith.constant 0 : i32
      %dma_wait3A_526 = tpu.memref_slice %arg6[%dma_wait3A_518, %dma_wait3A_519, %dma_wait3A_525] : memref<8x2x128xi32, #tpu.memory_space<vmem>> -> memref<1x1x128xi32, #tpu.memory_space<vmem>>
      %dma_wait3A_527 = tpu.memref_squeeze %dma_wait3A_526 : memref<1x1x128xi32, #tpu.memory_space<vmem>> -> memref<128xi32, #tpu.memory_space<vmem>>
      %dma_wait3A_528 = arith.constant 0 : i32
      %dma_wait3A_529 = arith.constant 0 : i32
      %dma_wait3A_530 = tpu.memref_slice %arg8[%dma_wait3A_528, %dma_wait3A_529] : memref<10112x72xf32, #tpu.memory_space<vmem_shared>> -> memref<10112x72xf32, #tpu.memory_space<vmem_shared>>
      tpu.wait_indirect_dma semaphore(%arg18 : memref<!tpu.dma_semaphore, #tpu.memory_space<semaphore_mem>>) src(%dma_wait3A_530 : memref<10112x72xf32, #tpu.memory_space<vmem_shared>>) dst(%dma_wait3A_524 : memref<128x72xf32, #tpu.memory_space<vmem>>)
      %run_scoped3A_531 = arith.constant 0 : i32
      %run_scoped3A_532 = arith.constant 0 : i32
      %run_scoped3A_533 = arith.constant 1 : i32
      "tpu.region"() ({
        %run_scoped3A_1070 = tpu.sem_alloc : memref<!tpu.dma_semaphore, #tpu.memory_space<semaphore_mem>>
        %dma_start3A_1071 = arith.constant 0 : i32
        %dma_start3A_1072 = arith.constant 0 : i32
        %dma_start3A_1073 = tpu.memref_slice %arg7[%run_scoped3A_531, %dma_start3A_1071, %dma_start3A_1072] : memref<4x128x72xf32, #tpu.memory_space<vmem>> -> memref<1x128x72xf32, #tpu.memory_space<vmem>>
        %dma_start3A_1074 = tpu.memref_squeeze %dma_start3A_1073 : memref<1x128x72xf32, #tpu.memory_space<vmem>> -> memref<128x72xf32, #tpu.memory_space<vmem>>
        %dma_start3A_1075 = arith.constant 0 : i32
        %dma_start3A_1076 = tpu.memref_slice %arg6[%run_scoped3A_532, %run_scoped3A_533, %dma_start3A_1075] : memref<8x2x128xi32, #tpu.memory_space<vmem>> -> memref<1x1x128xi32, #tpu.memory_space<vmem>>
        %dma_start3A_1077 = tpu.memref_squeeze %dma_start3A_1076 : memref<1x1x128xi32, #tpu.memory_space<vmem>> -> memref<128xi32, #tpu.memory_space<vmem>>
        %dma_start3A_1078 = arith.constant 0 : i32
        %dma_start3A_1079 = arith.constant 0 : i32
        %dma_start3A_1080 = tpu.memref_slice %arg9[%dma_start3A_1078, %dma_start3A_1079] : memref<10112x72xf32, #tpu.memory_space<vmem_shared>> -> memref<10112x72xf32, #tpu.memory_space<vmem_shared>>
        tpu.enqueue_indirect_dma source(%dma_start3A_1074 : memref<128x72xf32, #tpu.memory_space<vmem>>) target(%dma_start3A_1080 : memref<10112x72xf32, #tpu.memory_space<vmem_shared>>) offsets(%dma_start3A_1077 : memref<128xi32, #tpu.memory_space<vmem>>) semaphore(%run_scoped3A_1070 : memref<!tpu.dma_semaphore, #tpu.memory_space<semaphore_mem>>) {add = true}
        %dma_wait3A_1081 = arith.constant 0 : i32
        %dma_wait3A_1082 = arith.constant 0 : i32
        %dma_wait3A_1083 = tpu.memref_slice %arg7[%run_scoped3A_531, %dma_wait3A_1081, %dma_wait3A_1082] : memref<4x128x72xf32, #tpu.memory_space<vmem>> -> memref<1x128x72xf32, #tpu.memory_space<vmem>>
        %dma_wait3A_1084 = tpu.memref_squeeze %dma_wait3A_1083 : memref<1x128x72xf32, #tpu.memory_space<vmem>> -> memref<128x72xf32, #tpu.memory_space<vmem>>
        %dma_wait3A_1085 = arith.constant 0 : i32
        %dma_wait3A_1086 = tpu.memref_slice %arg6[%run_scoped3A_532, %run_scoped3A_533, %dma_wait3A_1085] : memref<8x2x128xi32, #tpu.memory_space<vmem>> -> memref<1x1x128xi32, #tpu.memory_space<vmem>>
        %dma_wait3A_1087 = tpu.memref_squeeze %dma_wait3A_1086 : memref<1x1x128xi32, #tpu.memory_space<vmem>> -> memref<128xi32, #tpu.memory_space<vmem>>
        %dma_wait3A_1088 = arith.constant 0 : i32
        %dma_wait3A_1089 = arith.constant 0 : i32
        %dma_wait3A_1090 = tpu.memref_slice %arg9[%dma_wait3A_1088, %dma_wait3A_1089] : memref<10112x72xf32, #tpu.memory_space<vmem_shared>> -> memref<10112x72xf32, #tpu.memory_space<vmem_shared>>
        tpu.wait_indirect_dma semaphore(%run_scoped3A_1070 : memref<!tpu.dma_semaphore, #tpu.memory_space<semaphore_mem>>) src(%dma_wait3A_1084 : memref<128x72xf32, #tpu.memory_space<vmem>>) dst(%dma_wait3A_1090 : memref<10112x72xf32, #tpu.memory_space<vmem_shared>>)
        tpu.yield
      }) : () -> ()
      %add3A_534 = arith.constant 0 : i32
      %add3A_535 = arith.addi %add3A_517, %add3A_534 : i32
      %add3A_536 = arith.constant 8 : i32
      %add3A_537 = arith.addi %add3A_535, %add3A_536 : i32
      %add3A_538 = arith.addi %mul3A_0, %add3A_537 : i32
      %mul3A_539 = arith.constant 2 : i32
      %mul3A_540 = arith.muli %mul3A_539, %add3A_538 : i32
      %dma_start3A_541 = arith.constant 0 : i32
      %dma_start3A_542 = arith.constant 0 : i32
      %dma_start3A_543 = arith.constant 0 : i32
      %dma_start3A_544 = tpu.memref_slice %arg6[%dma_start3A_541, %dma_start3A_542, %dma_start3A_543] : memref<8x2x128xi32, #tpu.memory_space<vmem>> -> memref<1x2x128xi32, #tpu.memory_space<vmem>>
      %dma_start3A_545 = tpu.memref_squeeze %dma_start3A_544 : memref<1x2x128xi32, #tpu.memory_space<vmem>> -> memref<2x128xi32, #tpu.memory_space<vmem>>
      %dma_start3A_546 = arith.constant 0 : i32
      %dma_start3A_547 = tpu.memref_slice %arg3[%mul3A_540, %dma_start3A_546] : memref<5120x128xi32, #tpu.memory_space<hbm>> -> memref<2x128xi32, #tpu.memory_space<hbm>>
      %dma_start3A_548 = arith.constant 0 : i32
      %dma_start3A_549 = arith.constant 0 : i32
      %dma_start3A_550 = tpu.memref_slice %arg6[%dma_start3A_541, %dma_start3A_548, %dma_start3A_549] : memref<8x2x128xi32, #tpu.memory_space<vmem>> -> memref<1x2x128xi32, #tpu.memory_space<vmem>>
      %dma_start3A_551 = tpu.memref_squeeze %dma_start3A_550 : memref<1x2x128xi32, #tpu.memory_space<vmem>> -> memref<2x128xi32, #tpu.memory_space<vmem>>
      %dma_start3A_552 = arith.constant 0 : i32
      %dma_start3A_553 = tpu.memref_slice %arg3[%mul3A_540, %dma_start3A_552] : memref<5120x128xi32, #tpu.memory_space<hbm>> -> memref<2x128xi32, #tpu.memory_space<hbm>>
      tpu.enqueue_dma source(%dma_start3A_553 : memref<2x128xi32, #tpu.memory_space<hbm>>) target(%dma_start3A_551 : memref<2x128xi32, #tpu.memory_space<vmem>>) target_semaphore(%arg10 : memref<!tpu.dma_semaphore, #tpu.memory_space<semaphore_mem>>)
      %add3A_554 = arith.constant 0 : i32
      %add3A_555 = arith.addi %add3A_517, %add3A_554 : i32
      %add3A_556 = arith.constant 4 : i32
      %add3A_557 = arith.addi %add3A_555, %add3A_556 : i32
      %add3A_558 = arith.addi %mul3A_0, %add3A_557 : i32
      %mul3A_559 = arith.constant 2 : i32
      %mul3A_560 = arith.muli %mul3A_559, %add3A_558 : i32
      %dma_wait3A_561 = arith.constant 4 : i32
      %dma_wait3A_562 = arith.constant 0 : i32
      %dma_wait3A_563 = arith.constant 0 : i32
      %dma_wait3A_564 = tpu.memref_slice %arg6[%dma_wait3A_561, %dma_wait3A_562, %dma_wait3A_563] : memref<8x2x128xi32, #tpu.memory_space<vmem>> -> memref<1x2x128xi32, #tpu.memory_space<vmem>>
      %dma_wait3A_565 = tpu.memref_squeeze %dma_wait3A_564 : memref<1x2x128xi32, #tpu.memory_space<vmem>> -> memref<2x128xi32, #tpu.memory_space<vmem>>
      %dma_wait3A_566 = arith.constant 0 : i32
      %dma_wait3A_567 = tpu.memref_slice %arg3[%mul3A_560, %dma_wait3A_566] : memref<5120x128xi32, #tpu.memory_space<hbm>> -> memref<2x128xi32, #tpu.memory_space<hbm>>
      %dma_wait3A_568 = arith.constant 0 : i32
      %dma_wait3A_569 = arith.constant 0 : i32
      %dma_wait3A_570 = tpu.memref_slice %arg6[%dma_wait3A_561, %dma_wait3A_568, %dma_wait3A_569] : memref<8x2x128xi32, #tpu.memory_space<vmem>> -> memref<1x2x128xi32, #tpu.memory_space<vmem>>
      %dma_wait3A_571 = tpu.memref_squeeze %dma_wait3A_570 : memref<1x2x128xi32, #tpu.memory_space<vmem>> -> memref<2x128xi32, #tpu.memory_space<vmem>>
      %dma_wait3A_572 = arith.constant 0 : i32
      %dma_wait3A_573 = tpu.memref_slice %arg3[%mul3A_560, %dma_wait3A_572] : memref<5120x128xi32, #tpu.memory_space<hbm>> -> memref<2x128xi32, #tpu.memory_space<hbm>>
      tpu.wait_dma2 semaphore(%arg14 : memref<!tpu.dma_semaphore, #tpu.memory_space<semaphore_mem>>) src(%dma_wait3A_573 : memref<2x128xi32, #tpu.memory_space<hbm>>) dst(%dma_wait3A_571 : memref<2x128xi32, #tpu.memory_space<vmem>>)
      %dma_start3A_574 = arith.constant 4 : i32
      %dma_start3A_575 = arith.constant 0 : i32
      %dma_start3A_576 = arith.constant 0 : i32
      %dma_start3A_577 = arith.constant 0 : i32
      %dma_start3A_578 = arith.constant 0 : i32
      %dma_start3A_579 = tpu.memref_slice %arg7[%dma_start3A_576, %dma_start3A_577, %dma_start3A_578] : memref<4x128x72xf32, #tpu.memory_space<vmem>> -> memref<1x128x72xf32, #tpu.memory_space<vmem>>
      %dma_start3A_580 = tpu.memref_squeeze %dma_start3A_579 : memref<1x128x72xf32, #tpu.memory_space<vmem>> -> memref<128x72xf32, #tpu.memory_space<vmem>>
      %dma_start3A_581 = arith.constant 0 : i32
      %dma_start3A_582 = tpu.memref_slice %arg6[%dma_start3A_574, %dma_start3A_575, %dma_start3A_581] : memref<8x2x128xi32, #tpu.memory_space<vmem>> -> memref<1x1x128xi32, #tpu.memory_space<vmem>>
      %dma_start3A_583 = tpu.memref_squeeze %dma_start3A_582 : memref<1x1x128xi32, #tpu.memory_space<vmem>> -> memref<128xi32, #tpu.memory_space<vmem>>
      %dma_start3A_584 = arith.constant 0 : i32
      %dma_start3A_585 = arith.constant 0 : i32
      %dma_start3A_586 = tpu.memref_slice %arg8[%dma_start3A_584, %dma_start3A_585] : memref<10112x72xf32, #tpu.memory_space<vmem_shared>> -> memref<10112x72xf32, #tpu.memory_space<vmem_shared>>
      tpu.enqueue_indirect_dma source(%dma_start3A_586 : memref<10112x72xf32, #tpu.memory_space<vmem_shared>>) target(%dma_start3A_580 : memref<128x72xf32, #tpu.memory_space<vmem>>) offsets(%dma_start3A_583 : memref<128xi32, #tpu.memory_space<vmem>>) semaphore(%arg18 : memref<!tpu.dma_semaphore, #tpu.memory_space<semaphore_mem>>)
      %dma_wait3A_587 = arith.constant 1 : i32
      %dma_wait3A_588 = arith.constant 0 : i32
      %dma_wait3A_589 = arith.constant 1 : i32
      %dma_wait3A_590 = arith.constant 0 : i32
      %dma_wait3A_591 = arith.constant 0 : i32
      %dma_wait3A_592 = tpu.memref_slice %arg7[%dma_wait3A_589, %dma_wait3A_590, %dma_wait3A_591] : memref<4x128x72xf32, #tpu.memory_space<vmem>> -> memref<1x128x72xf32, #tpu.memory_space<vmem>>
      %dma_wait3A_593 = tpu.memref_squeeze %dma_wait3A_592 : memref<1x128x72xf32, #tpu.memory_space<vmem>> -> memref<128x72xf32, #tpu.memory_space<vmem>>
      %dma_wait3A_594 = arith.constant 0 : i32
      %dma_wait3A_595 = tpu.memref_slice %arg6[%dma_wait3A_587, %dma_wait3A_588, %dma_wait3A_594] : memref<8x2x128xi32, #tpu.memory_space<vmem>> -> memref<1x1x128xi32, #tpu.memory_space<vmem>>
      %dma_wait3A_596 = tpu.memref_squeeze %dma_wait3A_595 : memref<1x1x128xi32, #tpu.memory_space<vmem>> -> memref<128xi32, #tpu.memory_space<vmem>>
      %dma_wait3A_597 = arith.constant 0 : i32
      %dma_wait3A_598 = arith.constant 0 : i32
      %dma_wait3A_599 = tpu.memref_slice %arg8[%dma_wait3A_597, %dma_wait3A_598] : memref<10112x72xf32, #tpu.memory_space<vmem_shared>> -> memref<10112x72xf32, #tpu.memory_space<vmem_shared>>
      tpu.wait_indirect_dma semaphore(%arg19 : memref<!tpu.dma_semaphore, #tpu.memory_space<semaphore_mem>>) src(%dma_wait3A_599 : memref<10112x72xf32, #tpu.memory_space<vmem_shared>>) dst(%dma_wait3A_593 : memref<128x72xf32, #tpu.memory_space<vmem>>)
      %run_scoped3A_600 = arith.constant 1 : i32
      %run_scoped3A_601 = arith.constant 1 : i32
      %run_scoped3A_602 = arith.constant 1 : i32
      "tpu.region"() ({
        %run_scoped3A_1070 = tpu.sem_alloc : memref<!tpu.dma_semaphore, #tpu.memory_space<semaphore_mem>>
        %dma_start3A_1071 = arith.constant 0 : i32
        %dma_start3A_1072 = arith.constant 0 : i32
        %dma_start3A_1073 = tpu.memref_slice %arg7[%run_scoped3A_600, %dma_start3A_1071, %dma_start3A_1072] : memref<4x128x72xf32, #tpu.memory_space<vmem>> -> memref<1x128x72xf32, #tpu.memory_space<vmem>>
        %dma_start3A_1074 = tpu.memref_squeeze %dma_start3A_1073 : memref<1x128x72xf32, #tpu.memory_space<vmem>> -> memref<128x72xf32, #tpu.memory_space<vmem>>
        %dma_start3A_1075 = arith.constant 0 : i32
        %dma_start3A_1076 = tpu.memref_slice %arg6[%run_scoped3A_601, %run_scoped3A_602, %dma_start3A_1075] : memref<8x2x128xi32, #tpu.memory_space<vmem>> -> memref<1x1x128xi32, #tpu.memory_space<vmem>>
        %dma_start3A_1077 = tpu.memref_squeeze %dma_start3A_1076 : memref<1x1x128xi32, #tpu.memory_space<vmem>> -> memref<128xi32, #tpu.memory_space<vmem>>
        %dma_start3A_1078 = arith.constant 0 : i32
        %dma_start3A_1079 = arith.constant 0 : i32
        %dma_start3A_1080 = tpu.memref_slice %arg9[%dma_start3A_1078, %dma_start3A_1079] : memref<10112x72xf32, #tpu.memory_space<vmem_shared>> -> memref<10112x72xf32, #tpu.memory_space<vmem_shared>>
        tpu.enqueue_indirect_dma source(%dma_start3A_1074 : memref<128x72xf32, #tpu.memory_space<vmem>>) target(%dma_start3A_1080 : memref<10112x72xf32, #tpu.memory_space<vmem_shared>>) offsets(%dma_start3A_1077 : memref<128xi32, #tpu.memory_space<vmem>>) semaphore(%run_scoped3A_1070 : memref<!tpu.dma_semaphore, #tpu.memory_space<semaphore_mem>>) {add = true}
        %dma_wait3A_1081 = arith.constant 0 : i32
        %dma_wait3A_1082 = arith.constant 0 : i32
        %dma_wait3A_1083 = tpu.memref_slice %arg7[%run_scoped3A_600, %dma_wait3A_1081, %dma_wait3A_1082] : memref<4x128x72xf32, #tpu.memory_space<vmem>> -> memref<1x128x72xf32, #tpu.memory_space<vmem>>
        %dma_wait3A_1084 = tpu.memref_squeeze %dma_wait3A_1083 : memref<1x128x72xf32, #tpu.memory_space<vmem>> -> memref<128x72xf32, #tpu.memory_space<vmem>>
        %dma_wait3A_1085 = arith.constant 0 : i32
        %dma_wait3A_1086 = tpu.memref_slice %arg6[%run_scoped3A_601, %run_scoped3A_602, %dma_wait3A_1085] : memref<8x2x128xi32, #tpu.memory_space<vmem>> -> memref<1x1x128xi32, #tpu.memory_space<vmem>>
        %dma_wait3A_1087 = tpu.memref_squeeze %dma_wait3A_1086 : memref<1x1x128xi32, #tpu.memory_space<vmem>> -> memref<128xi32, #tpu.memory_space<vmem>>
        %dma_wait3A_1088 = arith.constant 0 : i32
        %dma_wait3A_1089 = arith.constant 0 : i32
        %dma_wait3A_1090 = tpu.memref_slice %arg9[%dma_wait3A_1088, %dma_wait3A_1089] : memref<10112x72xf32, #tpu.memory_space<vmem_shared>> -> memref<10112x72xf32, #tpu.memory_space<vmem_shared>>
        tpu.wait_indirect_dma semaphore(%run_scoped3A_1070 : memref<!tpu.dma_semaphore, #tpu.memory_space<semaphore_mem>>) src(%dma_wait3A_1084 : memref<128x72xf32, #tpu.memory_space<vmem>>) dst(%dma_wait3A_1090 : memref<10112x72xf32, #tpu.memory_space<vmem_shared>>)
        tpu.yield
      }) : () -> ()
      %add3A_603 = arith.constant 1 : i32
      %add3A_604 = arith.addi %add3A_517, %add3A_603 : i32
      %add3A_605 = arith.constant 8 : i32
      %add3A_606 = arith.addi %add3A_604, %add3A_605 : i32
      %add3A_607 = arith.addi %mul3A_0, %add3A_606 : i32
      %mul3A_608 = arith.constant 2 : i32
      %mul3A_609 = arith.muli %mul3A_608, %add3A_607 : i32
      %dma_start3A_610 = arith.constant 1 : i32
      %dma_start3A_611 = arith.constant 0 : i32
      %dma_start3A_612 = arith.constant 0 : i32
      %dma_start3A_613 = tpu.memref_slice %arg6[%dma_start3A_610, %dma_start3A_611, %dma_start3A_612] : memref<8x2x128xi32, #tpu.memory_space<vmem>> -> memref<1x2x128xi32, #tpu.memory_space<vmem>>
      %dma_start3A_614 = tpu.memref_squeeze %dma_start3A_613 : memref<1x2x128xi32, #tpu.memory_space<vmem>> -> memref<2x128xi32, #tpu.memory_space<vmem>>
      %dma_start3A_615 = arith.constant 0 : i32
      %dma_start3A_616 = tpu.memref_slice %arg3[%mul3A_609, %dma_start3A_615] : memref<5120x128xi32, #tpu.memory_space<hbm>> -> memref<2x128xi32, #tpu.memory_space<hbm>>
      %dma_start3A_617 = arith.constant 0 : i32
      %dma_start3A_618 = arith.constant 0 : i32
      %dma_start3A_619 = tpu.memref_slice %arg6[%dma_start3A_610, %dma_start3A_617, %dma_start3A_618] : memref<8x2x128xi32, #tpu.memory_space<vmem>> -> memref<1x2x128xi32, #tpu.memory_space<vmem>>
      %dma_start3A_620 = tpu.memref_squeeze %dma_start3A_619 : memref<1x2x128xi32, #tpu.memory_space<vmem>> -> memref<2x128xi32, #tpu.memory_space<vmem>>
      %dma_start3A_621 = arith.constant 0 : i32
      %dma_start3A_622 = tpu.memref_slice %arg3[%mul3A_609, %dma_start3A_621] : memref<5120x128xi32, #tpu.memory_space<hbm>> -> memref<2x128xi32, #tpu.memory_space<hbm>>
      tpu.enqueue_dma source(%dma_start3A_622 : memref<2x128xi32, #tpu.memory_space<hbm>>) target(%dma_start3A_620 : memref<2x128xi32, #tpu.memory_space<vmem>>) target_semaphore(%arg11 : memref<!tpu.dma_semaphore, #tpu.memory_space<semaphore_mem>>)
      %add3A_623 = arith.constant 1 : i32
      %add3A_624 = arith.addi %add3A_517, %add3A_623 : i32
      %add3A_625 = arith.constant 4 : i32
      %add3A_626 = arith.addi %add3A_624, %add3A_625 : i32
      %add3A_627 = arith.addi %mul3A_0, %add3A_626 : i32
      %mul3A_628 = arith.constant 2 : i32
      %mul3A_629 = arith.muli %mul3A_628, %add3A_627 : i32
      %dma_wait3A_630 = arith.constant 5 : i32
      %dma_wait3A_631 = arith.constant 0 : i32
      %dma_wait3A_632 = arith.constant 0 : i32
      %dma_wait3A_633 = tpu.memref_slice %arg6[%dma_wait3A_630, %dma_wait3A_631, %dma_wait3A_632] : memref<8x2x128xi32, #tpu.memory_space<vmem>> -> memref<1x2x128xi32, #tpu.memory_space<vmem>>
      %dma_wait3A_634 = tpu.memref_squeeze %dma_wait3A_633 : memref<1x2x128xi32, #tpu.memory_space<vmem>> -> memref<2x128xi32, #tpu.memory_space<vmem>>
      %dma_wait3A_635 = arith.constant 0 : i32
      %dma_wait3A_636 = tpu.memref_slice %arg3[%mul3A_629, %dma_wait3A_635] : memref<5120x128xi32, #tpu.memory_space<hbm>> -> memref<2x128xi32, #tpu.memory_space<hbm>>
      %dma_wait3A_637 = arith.constant 0 : i32
      %dma_wait3A_638 = arith.constant 0 : i32
      %dma_wait3A_639 = tpu.memref_slice %arg6[%dma_wait3A_630, %dma_wait3A_637, %dma_wait3A_638] : memref<8x2x128xi32, #tpu.memory_space<vmem>> -> memref<1x2x128xi32, #tpu.memory_space<vmem>>
      %dma_wait3A_640 = tpu.memref_squeeze %dma_wait3A_639 : memref<1x2x128xi32, #tpu.memory_space<vmem>> -> memref<2x128xi32, #tpu.memory_space<vmem>>
      %dma_wait3A_641 = arith.constant 0 : i32
      %dma_wait3A_642 = tpu.memref_slice %arg3[%mul3A_629, %dma_wait3A_641] : memref<5120x128xi32, #tpu.memory_space<hbm>> -> memref<2x128xi32, #tpu.memory_space<hbm>>
      tpu.wait_dma2 semaphore(%arg15 : memref<!tpu.dma_semaphore, #tpu.memory_space<semaphore_mem>>) src(%dma_wait3A_642 : memref<2x128xi32, #tpu.memory_space<hbm>>) dst(%dma_wait3A_640 : memref<2x128xi32, #tpu.memory_space<vmem>>)
      %dma_start3A_643 = arith.constant 5 : i32
      %dma_start3A_644 = arith.constant 0 : i32
      %dma_start3A_645 = arith.constant 1 : i32
      %dma_start3A_646 = arith.constant 0 : i32
      %dma_start3A_647 = arith.constant 0 : i32
      %dma_start3A_648 = tpu.memref_slice %arg7[%dma_start3A_645, %dma_start3A_646, %dma_start3A_647] : memref<4x128x72xf32, #tpu.memory_space<vmem>> -> memref<1x128x72xf32, #tpu.memory_space<vmem>>
      %dma_start3A_649 = tpu.memref_squeeze %dma_start3A_648 : memref<1x128x72xf32, #tpu.memory_space<vmem>> -> memref<128x72xf32, #tpu.memory_space<vmem>>
      %dma_start3A_650 = arith.constant 0 : i32
      %dma_start3A_651 = tpu.memref_slice %arg6[%dma_start3A_643, %dma_start3A_644, %dma_start3A_650] : memref<8x2x128xi32, #tpu.memory_space<vmem>> -> memref<1x1x128xi32, #tpu.memory_space<vmem>>
      %dma_start3A_652 = tpu.memref_squeeze %dma_start3A_651 : memref<1x1x128xi32, #tpu.memory_space<vmem>> -> memref<128xi32, #tpu.memory_space<vmem>>
      %dma_start3A_653 = arith.constant 0 : i32
      %dma_start3A_654 = arith.constant 0 : i32
      %dma_start3A_655 = tpu.memref_slice %arg8[%dma_start3A_653, %dma_start3A_654] : memref<10112x72xf32, #tpu.memory_space<vmem_shared>> -> memref<10112x72xf32, #tpu.memory_space<vmem_shared>>
      tpu.enqueue_indirect_dma source(%dma_start3A_655 : memref<10112x72xf32, #tpu.memory_space<vmem_shared>>) target(%dma_start3A_649 : memref<128x72xf32, #tpu.memory_space<vmem>>) offsets(%dma_start3A_652 : memref<128xi32, #tpu.memory_space<vmem>>) semaphore(%arg19 : memref<!tpu.dma_semaphore, #tpu.memory_space<semaphore_mem>>)
      %dma_wait3A_656 = arith.constant 2 : i32
      %dma_wait3A_657 = arith.constant 0 : i32
      %dma_wait3A_658 = arith.constant 2 : i32
      %dma_wait3A_659 = arith.constant 0 : i32
      %dma_wait3A_660 = arith.constant 0 : i32
      %dma_wait3A_661 = tpu.memref_slice %arg7[%dma_wait3A_658, %dma_wait3A_659, %dma_wait3A_660] : memref<4x128x72xf32, #tpu.memory_space<vmem>> -> memref<1x128x72xf32, #tpu.memory_space<vmem>>
      %dma_wait3A_662 = tpu.memref_squeeze %dma_wait3A_661 : memref<1x128x72xf32, #tpu.memory_space<vmem>> -> memref<128x72xf32, #tpu.memory_space<vmem>>
      %dma_wait3A_663 = arith.constant 0 : i32
      %dma_wait3A_664 = tpu.memref_slice %arg6[%dma_wait3A_656, %dma_wait3A_657, %dma_wait3A_663] : memref<8x2x128xi32, #tpu.memory_space<vmem>> -> memref<1x1x128xi32, #tpu.memory_space<vmem>>
      %dma_wait3A_665 = tpu.memref_squeeze %dma_wait3A_664 : memref<1x1x128xi32, #tpu.memory_space<vmem>> -> memref<128xi32, #tpu.memory_space<vmem>>
      %dma_wait3A_666 = arith.constant 0 : i32
      %dma_wait3A_667 = arith.constant 0 : i32
      %dma_wait3A_668 = tpu.memref_slice %arg8[%dma_wait3A_666, %dma_wait3A_667] : memref<10112x72xf32, #tpu.memory_space<vmem_shared>> -> memref<10112x72xf32, #tpu.memory_space<vmem_shared>>
      tpu.wait_indirect_dma semaphore(%arg20 : memref<!tpu.dma_semaphore, #tpu.memory_space<semaphore_mem>>) src(%dma_wait3A_668 : memref<10112x72xf32, #tpu.memory_space<vmem_shared>>) dst(%dma_wait3A_662 : memref<128x72xf32, #tpu.memory_space<vmem>>)
      %run_scoped3A_669 = arith.constant 2 : i32
      %run_scoped3A_670 = arith.constant 2 : i32
      %run_scoped3A_671 = arith.constant 1 : i32
      "tpu.region"() ({
        %run_scoped3A_1070 = tpu.sem_alloc : memref<!tpu.dma_semaphore, #tpu.memory_space<semaphore_mem>>
        %dma_start3A_1071 = arith.constant 0 : i32
        %dma_start3A_1072 = arith.constant 0 : i32
        %dma_start3A_1073 = tpu.memref_slice %arg7[%run_scoped3A_669, %dma_start3A_1071, %dma_start3A_1072] : memref<4x128x72xf32, #tpu.memory_space<vmem>> -> memref<1x128x72xf32, #tpu.memory_space<vmem>>
        %dma_start3A_1074 = tpu.memref_squeeze %dma_start3A_1073 : memref<1x128x72xf32, #tpu.memory_space<vmem>> -> memref<128x72xf32, #tpu.memory_space<vmem>>
        %dma_start3A_1075 = arith.constant 0 : i32
        %dma_start3A_1076 = tpu.memref_slice %arg6[%run_scoped3A_670, %run_scoped3A_671, %dma_start3A_1075] : memref<8x2x128xi32, #tpu.memory_space<vmem>> -> memref<1x1x128xi32, #tpu.memory_space<vmem>>
        %dma_start3A_1077 = tpu.memref_squeeze %dma_start3A_1076 : memref<1x1x128xi32, #tpu.memory_space<vmem>> -> memref<128xi32, #tpu.memory_space<vmem>>
        %dma_start3A_1078 = arith.constant 0 : i32
        %dma_start3A_1079 = arith.constant 0 : i32
        %dma_start3A_1080 = tpu.memref_slice %arg9[%dma_start3A_1078, %dma_start3A_1079] : memref<10112x72xf32, #tpu.memory_space<vmem_shared>> -> memref<10112x72xf32, #tpu.memory_space<vmem_shared>>
        tpu.enqueue_indirect_dma source(%dma_start3A_1074 : memref<128x72xf32, #tpu.memory_space<vmem>>) target(%dma_start3A_1080 : memref<10112x72xf32, #tpu.memory_space<vmem_shared>>) offsets(%dma_start3A_1077 : memref<128xi32, #tpu.memory_space<vmem>>) semaphore(%run_scoped3A_1070 : memref<!tpu.dma_semaphore, #tpu.memory_space<semaphore_mem>>) {add = true}
        %dma_wait3A_1081 = arith.constant 0 : i32
        %dma_wait3A_1082 = arith.constant 0 : i32
        %dma_wait3A_1083 = tpu.memref_slice %arg7[%run_scoped3A_669, %dma_wait3A_1081, %dma_wait3A_1082] : memref<4x128x72xf32, #tpu.memory_space<vmem>> -> memref<1x128x72xf32, #tpu.memory_space<vmem>>
        %dma_wait3A_1084 = tpu.memref_squeeze %dma_wait3A_1083 : memref<1x128x72xf32, #tpu.memory_space<vmem>> -> memref<128x72xf32, #tpu.memory_space<vmem>>
        %dma_wait3A_1085 = arith.constant 0 : i32
        %dma_wait3A_1086 = tpu.memref_slice %arg6[%run_scoped3A_670, %run_scoped3A_671, %dma_wait3A_1085] : memref<8x2x128xi32, #tpu.memory_space<vmem>> -> memref<1x1x128xi32, #tpu.memory_space<vmem>>
        %dma_wait3A_1087 = tpu.memref_squeeze %dma_wait3A_1086 : memref<1x1x128xi32, #tpu.memory_space<vmem>> -> memref<128xi32, #tpu.memory_space<vmem>>
        %dma_wait3A_1088 = arith.constant 0 : i32
        %dma_wait3A_1089 = arith.constant 0 : i32
        %dma_wait3A_1090 = tpu.memref_slice %arg9[%dma_wait3A_1088, %dma_wait3A_1089] : memref<10112x72xf32, #tpu.memory_space<vmem_shared>> -> memref<10112x72xf32, #tpu.memory_space<vmem_shared>>
        tpu.wait_indirect_dma semaphore(%run_scoped3A_1070 : memref<!tpu.dma_semaphore, #tpu.memory_space<semaphore_mem>>) src(%dma_wait3A_1084 : memref<128x72xf32, #tpu.memory_space<vmem>>) dst(%dma_wait3A_1090 : memref<10112x72xf32, #tpu.memory_space<vmem_shared>>)
        tpu.yield
      }) : () -> ()
      %add3A_672 = arith.constant 2 : i32
      %add3A_673 = arith.addi %add3A_517, %add3A_672 : i32
      %add3A_674 = arith.constant 8 : i32
      %add3A_675 = arith.addi %add3A_673, %add3A_674 : i32
      %add3A_676 = arith.addi %mul3A_0, %add3A_675 : i32
      %mul3A_677 = arith.constant 2 : i32
      %mul3A_678 = arith.muli %mul3A_677, %add3A_676 : i32
      %dma_start3A_679 = arith.constant 2 : i32
      %dma_start3A_680 = arith.constant 0 : i32
      %dma_start3A_681 = arith.constant 0 : i32
      %dma_start3A_682 = tpu.memref_slice %arg6[%dma_start3A_679, %dma_start3A_680, %dma_start3A_681] : memref<8x2x128xi32, #tpu.memory_space<vmem>> -> memref<1x2x128xi32, #tpu.memory_space<vmem>>
      %dma_start3A_683 = tpu.memref_squeeze %dma_start3A_682 : memref<1x2x128xi32, #tpu.memory_space<vmem>> -> memref<2x128xi32, #tpu.memory_space<vmem>>
      %dma_start3A_684 = arith.constant 0 : i32
      %dma_start3A_685 = tpu.memref_slice %arg3[%mul3A_678, %dma_start3A_684] : memref<5120x128xi32, #tpu.memory_space<hbm>> -> memref<2x128xi32, #tpu.memory_space<hbm>>
      %dma_start3A_686 = arith.constant 0 : i32
      %dma_start3A_687 = arith.constant 0 : i32
      %dma_start3A_688 = tpu.memref_slice %arg6[%dma_start3A_679, %dma_start3A_686, %dma_start3A_687] : memref<8x2x128xi32, #tpu.memory_space<vmem>> -> memref<1x2x128xi32, #tpu.memory_space<vmem>>
      %dma_start3A_689 = tpu.memref_squeeze %dma_start3A_688 : memref<1x2x128xi32, #tpu.memory_space<vmem>> -> memref<2x128xi32, #tpu.memory_space<vmem>>
      %dma_start3A_690 = arith.constant 0 : i32
      %dma_start3A_691 = tpu.memref_slice %arg3[%mul3A_678, %dma_start3A_690] : memref<5120x128xi32, #tpu.memory_space<hbm>> -> memref<2x128xi32, #tpu.memory_space<hbm>>
      tpu.enqueue_dma source(%dma_start3A_691 : memref<2x128xi32, #tpu.memory_space<hbm>>) target(%dma_start3A_689 : memref<2x128xi32, #tpu.memory_space<vmem>>) target_semaphore(%arg12 : memref<!tpu.dma_semaphore, #tpu.memory_space<semaphore_mem>>)
      %add3A_692 = arith.constant 2 : i32
      %add3A_693 = arith.addi %add3A_517, %add3A_692 : i32
      %add3A_694 = arith.constant 4 : i32
      %add3A_695 = arith.addi %add3A_693, %add3A_694 : i32
      %add3A_696 = arith.addi %mul3A_0, %add3A_695 : i32
      %mul3A_697 = arith.constant 2 : i32
      %mul3A_698 = arith.muli %mul3A_697, %add3A_696 : i32
      %dma_wait3A_699 = arith.constant 6 : i32
      %dma_wait3A_700 = arith.constant 0 : i32
      %dma_wait3A_701 = arith.constant 0 : i32
      %dma_wait3A_702 = tpu.memref_slice %arg6[%dma_wait3A_699, %dma_wait3A_700, %dma_wait3A_701] : memref<8x2x128xi32, #tpu.memory_space<vmem>> -> memref<1x2x128xi32, #tpu.memory_space<vmem>>
      %dma_wait3A_703 = tpu.memref_squeeze %dma_wait3A_702 : memref<1x2x128xi32, #tpu.memory_space<vmem>> -> memref<2x128xi32, #tpu.memory_space<vmem>>
      %dma_wait3A_704 = arith.constant 0 : i32
      %dma_wait3A_705 = tpu.memref_slice %arg3[%mul3A_698, %dma_wait3A_704] : memref<5120x128xi32, #tpu.memory_space<hbm>> -> memref<2x128xi32, #tpu.memory_space<hbm>>
      %dma_wait3A_706 = arith.constant 0 : i32
      %dma_wait3A_707 = arith.constant 0 : i32
      %dma_wait3A_708 = tpu.memref_slice %arg6[%dma_wait3A_699, %dma_wait3A_706, %dma_wait3A_707] : memref<8x2x128xi32, #tpu.memory_space<vmem>> -> memref<1x2x128xi32, #tpu.memory_space<vmem>>
      %dma_wait3A_709 = tpu.memref_squeeze %dma_wait3A_708 : memref<1x2x128xi32, #tpu.memory_space<vmem>> -> memref<2x128xi32, #tpu.memory_space<vmem>>
      %dma_wait3A_710 = arith.constant 0 : i32
      %dma_wait3A_711 = tpu.memref_slice %arg3[%mul3A_698, %dma_wait3A_710] : memref<5120x128xi32, #tpu.memory_space<hbm>> -> memref<2x128xi32, #tpu.memory_space<hbm>>
      tpu.wait_dma2 semaphore(%arg16 : memref<!tpu.dma_semaphore, #tpu.memory_space<semaphore_mem>>) src(%dma_wait3A_711 : memref<2x128xi32, #tpu.memory_space<hbm>>) dst(%dma_wait3A_709 : memref<2x128xi32, #tpu.memory_space<vmem>>)
      %dma_start3A_712 = arith.constant 6 : i32
      %dma_start3A_713 = arith.constant 0 : i32
      %dma_start3A_714 = arith.constant 2 : i32
      %dma_start3A_715 = arith.constant 0 : i32
      %dma_start3A_716 = arith.constant 0 : i32
      %dma_start3A_717 = tpu.memref_slice %arg7[%dma_start3A_714, %dma_start3A_715, %dma_start3A_716] : memref<4x128x72xf32, #tpu.memory_space<vmem>> -> memref<1x128x72xf32, #tpu.memory_space<vmem>>
      %dma_start3A_718 = tpu.memref_squeeze %dma_start3A_717 : memref<1x128x72xf32, #tpu.memory_space<vmem>> -> memref<128x72xf32, #tpu.memory_space<vmem>>
      %dma_start3A_719 = arith.constant 0 : i32
      %dma_start3A_720 = tpu.memref_slice %arg6[%dma_start3A_712, %dma_start3A_713, %dma_start3A_719] : memref<8x2x128xi32, #tpu.memory_space<vmem>> -> memref<1x1x128xi32, #tpu.memory_space<vmem>>
      %dma_start3A_721 = tpu.memref_squeeze %dma_start3A_720 : memref<1x1x128xi32, #tpu.memory_space<vmem>> -> memref<128xi32, #tpu.memory_space<vmem>>
      %dma_start3A_722 = arith.constant 0 : i32
      %dma_start3A_723 = arith.constant 0 : i32
      %dma_start3A_724 = tpu.memref_slice %arg8[%dma_start3A_722, %dma_start3A_723] : memref<10112x72xf32, #tpu.memory_space<vmem_shared>> -> memref<10112x72xf32, #tpu.memory_space<vmem_shared>>
      tpu.enqueue_indirect_dma source(%dma_start3A_724 : memref<10112x72xf32, #tpu.memory_space<vmem_shared>>) target(%dma_start3A_718 : memref<128x72xf32, #tpu.memory_space<vmem>>) offsets(%dma_start3A_721 : memref<128xi32, #tpu.memory_space<vmem>>) semaphore(%arg20 : memref<!tpu.dma_semaphore, #tpu.memory_space<semaphore_mem>>)
      %dma_wait3A_725 = arith.constant 3 : i32
      %dma_wait3A_726 = arith.constant 0 : i32
      %dma_wait3A_727 = arith.constant 3 : i32
      %dma_wait3A_728 = arith.constant 0 : i32
      %dma_wait3A_729 = arith.constant 0 : i32
      %dma_wait3A_730 = tpu.memref_slice %arg7[%dma_wait3A_727, %dma_wait3A_728, %dma_wait3A_729] : memref<4x128x72xf32, #tpu.memory_space<vmem>> -> memref<1x128x72xf32, #tpu.memory_space<vmem>>
      %dma_wait3A_731 = tpu.memref_squeeze %dma_wait3A_730 : memref<1x128x72xf32, #tpu.memory_space<vmem>> -> memref<128x72xf32, #tpu.memory_space<vmem>>
      %dma_wait3A_732 = arith.constant 0 : i32
      %dma_wait3A_733 = tpu.memref_slice %arg6[%dma_wait3A_725, %dma_wait3A_726, %dma_wait3A_732] : memref<8x2x128xi32, #tpu.memory_space<vmem>> -> memref<1x1x128xi32, #tpu.memory_space<vmem>>
      %dma_wait3A_734 = tpu.memref_squeeze %dma_wait3A_733 : memref<1x1x128xi32, #tpu.memory_space<vmem>> -> memref<128xi32, #tpu.memory_space<vmem>>
      %dma_wait3A_735 = arith.constant 0 : i32
      %dma_wait3A_736 = arith.constant 0 : i32
      %dma_wait3A_737 = tpu.memref_slice %arg8[%dma_wait3A_735, %dma_wait3A_736] : memref<10112x72xf32, #tpu.memory_space<vmem_shared>> -> memref<10112x72xf32, #tpu.memory_space<vmem_shared>>
      tpu.wait_indirect_dma semaphore(%arg21 : memref<!tpu.dma_semaphore, #tpu.memory_space<semaphore_mem>>) src(%dma_wait3A_737 : memref<10112x72xf32, #tpu.memory_space<vmem_shared>>) dst(%dma_wait3A_731 : memref<128x72xf32, #tpu.memory_space<vmem>>)
      %run_scoped3A_738 = arith.constant 3 : i32
      %run_scoped3A_739 = arith.constant 3 : i32
      %run_scoped3A_740 = arith.constant 1 : i32
      "tpu.region"() ({
        %run_scoped3A_1070 = tpu.sem_alloc : memref<!tpu.dma_semaphore, #tpu.memory_space<semaphore_mem>>
        %dma_start3A_1071 = arith.constant 0 : i32
        %dma_start3A_1072 = arith.constant 0 : i32
        %dma_start3A_1073 = tpu.memref_slice %arg7[%run_scoped3A_738, %dma_start3A_1071, %dma_start3A_1072] : memref<4x128x72xf32, #tpu.memory_space<vmem>> -> memref<1x128x72xf32, #tpu.memory_space<vmem>>
        %dma_start3A_1074 = tpu.memref_squeeze %dma_start3A_1073 : memref<1x128x72xf32, #tpu.memory_space<vmem>> -> memref<128x72xf32, #tpu.memory_space<vmem>>
        %dma_start3A_1075 = arith.constant 0 : i32
        %dma_start3A_1076 = tpu.memref_slice %arg6[%run_scoped3A_739, %run_scoped3A_740, %dma_start3A_1075] : memref<8x2x128xi32, #tpu.memory_space<vmem>> -> memref<1x1x128xi32, #tpu.memory_space<vmem>>
        %dma_start3A_1077 = tpu.memref_squeeze %dma_start3A_1076 : memref<1x1x128xi32, #tpu.memory_space<vmem>> -> memref<128xi32, #tpu.memory_space<vmem>>
        %dma_start3A_1078 = arith.constant 0 : i32
        %dma_start3A_1079 = arith.constant 0 : i32
        %dma_start3A_1080 = tpu.memref_slice %arg9[%dma_start3A_1078, %dma_start3A_1079] : memref<10112x72xf32, #tpu.memory_space<vmem_shared>> -> memref<10112x72xf32, #tpu.memory_space<vmem_shared>>
        tpu.enqueue_indirect_dma source(%dma_start3A_1074 : memref<128x72xf32, #tpu.memory_space<vmem>>) target(%dma_start3A_1080 : memref<10112x72xf32, #tpu.memory_space<vmem_shared>>) offsets(%dma_start3A_1077 : memref<128xi32, #tpu.memory_space<vmem>>) semaphore(%run_scoped3A_1070 : memref<!tpu.dma_semaphore, #tpu.memory_space<semaphore_mem>>) {add = true}
        %dma_wait3A_1081 = arith.constant 0 : i32
        %dma_wait3A_1082 = arith.constant 0 : i32
        %dma_wait3A_1083 = tpu.memref_slice %arg7[%run_scoped3A_738, %dma_wait3A_1081, %dma_wait3A_1082] : memref<4x128x72xf32, #tpu.memory_space<vmem>> -> memref<1x128x72xf32, #tpu.memory_space<vmem>>
        %dma_wait3A_1084 = tpu.memref_squeeze %dma_wait3A_1083 : memref<1x128x72xf32, #tpu.memory_space<vmem>> -> memref<128x72xf32, #tpu.memory_space<vmem>>
        %dma_wait3A_1085 = arith.constant 0 : i32
        %dma_wait3A_1086 = tpu.memref_slice %arg6[%run_scoped3A_739, %run_scoped3A_740, %dma_wait3A_1085] : memref<8x2x128xi32, #tpu.memory_space<vmem>> -> memref<1x1x128xi32, #tpu.memory_space<vmem>>
        %dma_wait3A_1087 = tpu.memref_squeeze %dma_wait3A_1086 : memref<1x1x128xi32, #tpu.memory_space<vmem>> -> memref<128xi32, #tpu.memory_space<vmem>>
        %dma_wait3A_1088 = arith.constant 0 : i32
        %dma_wait3A_1089 = arith.constant 0 : i32
        %dma_wait3A_1090 = tpu.memref_slice %arg9[%dma_wait3A_1088, %dma_wait3A_1089] : memref<10112x72xf32, #tpu.memory_space<vmem_shared>> -> memref<10112x72xf32, #tpu.memory_space<vmem_shared>>
        tpu.wait_indirect_dma semaphore(%run_scoped3A_1070 : memref<!tpu.dma_semaphore, #tpu.memory_space<semaphore_mem>>) src(%dma_wait3A_1084 : memref<128x72xf32, #tpu.memory_space<vmem>>) dst(%dma_wait3A_1090 : memref<10112x72xf32, #tpu.memory_space<vmem_shared>>)
        tpu.yield
      }) : () -> ()
      %add3A_741 = arith.constant 3 : i32
      %add3A_742 = arith.addi %add3A_517, %add3A_741 : i32
      %add3A_743 = arith.constant 8 : i32
      %add3A_744 = arith.addi %add3A_742, %add3A_743 : i32
      %add3A_745 = arith.addi %mul3A_0, %add3A_744 : i32
      %mul3A_746 = arith.constant 2 : i32
      %mul3A_747 = arith.muli %mul3A_746, %add3A_745 : i32
      %dma_start3A_748 = arith.constant 3 : i32
      %dma_start3A_749 = arith.constant 0 : i32
      %dma_start3A_750 = arith.constant 0 : i32
      %dma_start3A_751 = tpu.memref_slice %arg6[%dma_start3A_748, %dma_start3A_749, %dma_start3A_750] : memref<8x2x128xi32, #tpu.memory_space<vmem>> -> memref<1x2x128xi32, #tpu.memory_space<vmem>>
      %dma_start3A_752 = tpu.memref_squeeze %dma_start3A_751 : memref<1x2x128xi32, #tpu.memory_space<vmem>> -> memref<2x128xi32, #tpu.memory_space<vmem>>
      %dma_start3A_753 = arith.constant 0 : i32
      %dma_start3A_754 = tpu.memref_slice %arg3[%mul3A_747, %dma_start3A_753] : memref<5120x128xi32, #tpu.memory_space<hbm>> -> memref<2x128xi32, #tpu.memory_space<hbm>>
      %dma_start3A_755 = arith.constant 0 : i32
      %dma_start3A_756 = arith.constant 0 : i32
      %dma_start3A_757 = tpu.memref_slice %arg6[%dma_start3A_748, %dma_start3A_755, %dma_start3A_756] : memref<8x2x128xi32, #tpu.memory_space<vmem>> -> memref<1x2x128xi32, #tpu.memory_space<vmem>>
      %dma_start3A_758 = tpu.memref_squeeze %dma_start3A_757 : memref<1x2x128xi32, #tpu.memory_space<vmem>> -> memref<2x128xi32, #tpu.memory_space<vmem>>
      %dma_start3A_759 = arith.constant 0 : i32
      %dma_start3A_760 = tpu.memref_slice %arg3[%mul3A_747, %dma_start3A_759] : memref<5120x128xi32, #tpu.memory_space<hbm>> -> memref<2x128xi32, #tpu.memory_space<hbm>>
      tpu.enqueue_dma source(%dma_start3A_760 : memref<2x128xi32, #tpu.memory_space<hbm>>) target(%dma_start3A_758 : memref<2x128xi32, #tpu.memory_space<vmem>>) target_semaphore(%arg13 : memref<!tpu.dma_semaphore, #tpu.memory_space<semaphore_mem>>)
      %add3A_761 = arith.constant 3 : i32
      %add3A_762 = arith.addi %add3A_517, %add3A_761 : i32
      %add3A_763 = arith.constant 4 : i32
      %add3A_764 = arith.addi %add3A_762, %add3A_763 : i32
      %add3A_765 = arith.addi %mul3A_0, %add3A_764 : i32
      %mul3A_766 = arith.constant 2 : i32
      %mul3A_767 = arith.muli %mul3A_766, %add3A_765 : i32
      %dma_wait3A_768 = arith.constant 7 : i32
      %dma_wait3A_769 = arith.constant 0 : i32
      %dma_wait3A_770 = arith.constant 0 : i32
      %dma_wait3A_771 = tpu.memref_slice %arg6[%dma_wait3A_768, %dma_wait3A_769, %dma_wait3A_770] : memref<8x2x128xi32, #tpu.memory_space<vmem>> -> memref<1x2x128xi32, #tpu.memory_space<vmem>>
      %dma_wait3A_772 = tpu.memref_squeeze %dma_wait3A_771 : memref<1x2x128xi32, #tpu.memory_space<vmem>> -> memref<2x128xi32, #tpu.memory_space<vmem>>
      %dma_wait3A_773 = arith.constant 0 : i32
      %dma_wait3A_774 = tpu.memref_slice %arg3[%mul3A_767, %dma_wait3A_773] : memref<5120x128xi32, #tpu.memory_space<hbm>> -> memref<2x128xi32, #tpu.memory_space<hbm>>
      %dma_wait3A_775 = arith.constant 0 : i32
      %dma_wait3A_776 = arith.constant 0 : i32
      %dma_wait3A_777 = tpu.memref_slice %arg6[%dma_wait3A_768, %dma_wait3A_775, %dma_wait3A_776] : memref<8x2x128xi32, #tpu.memory_space<vmem>> -> memref<1x2x128xi32, #tpu.memory_space<vmem>>
      %dma_wait3A_778 = tpu.memref_squeeze %dma_wait3A_777 : memref<1x2x128xi32, #tpu.memory_space<vmem>> -> memref<2x128xi32, #tpu.memory_space<vmem>>
      %dma_wait3A_779 = arith.constant 0 : i32
      %dma_wait3A_780 = tpu.memref_slice %arg3[%mul3A_767, %dma_wait3A_779] : memref<5120x128xi32, #tpu.memory_space<hbm>> -> memref<2x128xi32, #tpu.memory_space<hbm>>
      tpu.wait_dma2 semaphore(%arg17 : memref<!tpu.dma_semaphore, #tpu.memory_space<semaphore_mem>>) src(%dma_wait3A_780 : memref<2x128xi32, #tpu.memory_space<hbm>>) dst(%dma_wait3A_778 : memref<2x128xi32, #tpu.memory_space<vmem>>)
      %dma_start3A_781 = arith.constant 7 : i32
      %dma_start3A_782 = arith.constant 0 : i32
      %dma_start3A_783 = arith.constant 3 : i32
      %dma_start3A_784 = arith.constant 0 : i32
      %dma_start3A_785 = arith.constant 0 : i32
      %dma_start3A_786 = tpu.memref_slice %arg7[%dma_start3A_783, %dma_start3A_784, %dma_start3A_785] : memref<4x128x72xf32, #tpu.memory_space<vmem>> -> memref<1x128x72xf32, #tpu.memory_space<vmem>>
      %dma_start3A_787 = tpu.memref_squeeze %dma_start3A_786 : memref<1x128x72xf32, #tpu.memory_space<vmem>> -> memref<128x72xf32, #tpu.memory_space<vmem>>
      %dma_start3A_788 = arith.constant 0 : i32
      %dma_start3A_789 = tpu.memref_slice %arg6[%dma_start3A_781, %dma_start3A_782, %dma_start3A_788] : memref<8x2x128xi32, #tpu.memory_space<vmem>> -> memref<1x1x128xi32, #tpu.memory_space<vmem>>
      %dma_start3A_790 = tpu.memref_squeeze %dma_start3A_789 : memref<1x1x128xi32, #tpu.memory_space<vmem>> -> memref<128xi32, #tpu.memory_space<vmem>>
      %dma_start3A_791 = arith.constant 0 : i32
      %dma_start3A_792 = arith.constant 0 : i32
      %dma_start3A_793 = tpu.memref_slice %arg8[%dma_start3A_791, %dma_start3A_792] : memref<10112x72xf32, #tpu.memory_space<vmem_shared>> -> memref<10112x72xf32, #tpu.memory_space<vmem_shared>>
      tpu.enqueue_indirect_dma source(%dma_start3A_793 : memref<10112x72xf32, #tpu.memory_space<vmem_shared>>) target(%dma_start3A_787 : memref<128x72xf32, #tpu.memory_space<vmem>>) offsets(%dma_start3A_790 : memref<128xi32, #tpu.memory_space<vmem>>) semaphore(%arg21 : memref<!tpu.dma_semaphore, #tpu.memory_space<semaphore_mem>>)
      %dma_wait3A_794 = arith.constant 4 : i32
      %dma_wait3A_795 = arith.constant 0 : i32
      %dma_wait3A_796 = arith.constant 0 : i32
      %dma_wait3A_797 = arith.constant 0 : i32
      %dma_wait3A_798 = arith.constant 0 : i32
      %dma_wait3A_799 = tpu.memref_slice %arg7[%dma_wait3A_796, %dma_wait3A_797, %dma_wait3A_798] : memref<4x128x72xf32, #tpu.memory_space<vmem>> -> memref<1x128x72xf32, #tpu.memory_space<vmem>>
      %dma_wait3A_800 = tpu.memref_squeeze %dma_wait3A_799 : memref<1x128x72xf32, #tpu.memory_space<vmem>> -> memref<128x72xf32, #tpu.memory_space<vmem>>
      %dma_wait3A_801 = arith.constant 0 : i32
      %dma_wait3A_802 = tpu.memref_slice %arg6[%dma_wait3A_794, %dma_wait3A_795, %dma_wait3A_801] : memref<8x2x128xi32, #tpu.memory_space<vmem>> -> memref<1x1x128xi32, #tpu.memory_space<vmem>>
      %dma_wait3A_803 = tpu.memref_squeeze %dma_wait3A_802 : memref<1x1x128xi32, #tpu.memory_space<vmem>> -> memref<128xi32, #tpu.memory_space<vmem>>
      %dma_wait3A_804 = arith.constant 0 : i32
      %dma_wait3A_805 = arith.constant 0 : i32
      %dma_wait3A_806 = tpu.memref_slice %arg8[%dma_wait3A_804, %dma_wait3A_805] : memref<10112x72xf32, #tpu.memory_space<vmem_shared>> -> memref<10112x72xf32, #tpu.memory_space<vmem_shared>>
      tpu.wait_indirect_dma semaphore(%arg18 : memref<!tpu.dma_semaphore, #tpu.memory_space<semaphore_mem>>) src(%dma_wait3A_806 : memref<10112x72xf32, #tpu.memory_space<vmem_shared>>) dst(%dma_wait3A_800 : memref<128x72xf32, #tpu.memory_space<vmem>>)
      %run_scoped3A_807 = arith.constant 0 : i32
      %run_scoped3A_808 = arith.constant 4 : i32
      %run_scoped3A_809 = arith.constant 1 : i32
      "tpu.region"() ({
        %run_scoped3A_1070 = tpu.sem_alloc : memref<!tpu.dma_semaphore, #tpu.memory_space<semaphore_mem>>
        %dma_start3A_1071 = arith.constant 0 : i32
        %dma_start3A_1072 = arith.constant 0 : i32
        %dma_start3A_1073 = tpu.memref_slice %arg7[%run_scoped3A_807, %dma_start3A_1071, %dma_start3A_1072] : memref<4x128x72xf32, #tpu.memory_space<vmem>> -> memref<1x128x72xf32, #tpu.memory_space<vmem>>
        %dma_start3A_1074 = tpu.memref_squeeze %dma_start3A_1073 : memref<1x128x72xf32, #tpu.memory_space<vmem>> -> memref<128x72xf32, #tpu.memory_space<vmem>>
        %dma_start3A_1075 = arith.constant 0 : i32
        %dma_start3A_1076 = tpu.memref_slice %arg6[%run_scoped3A_808, %run_scoped3A_809, %dma_start3A_1075] : memref<8x2x128xi32, #tpu.memory_space<vmem>> -> memref<1x1x128xi32, #tpu.memory_space<vmem>>
        %dma_start3A_1077 = tpu.memref_squeeze %dma_start3A_1076 : memref<1x1x128xi32, #tpu.memory_space<vmem>> -> memref<128xi32, #tpu.memory_space<vmem>>
        %dma_start3A_1078 = arith.constant 0 : i32
        %dma_start3A_1079 = arith.constant 0 : i32
        %dma_start3A_1080 = tpu.memref_slice %arg9[%dma_start3A_1078, %dma_start3A_1079] : memref<10112x72xf32, #tpu.memory_space<vmem_shared>> -> memref<10112x72xf32, #tpu.memory_space<vmem_shared>>
        tpu.enqueue_indirect_dma source(%dma_start3A_1074 : memref<128x72xf32, #tpu.memory_space<vmem>>) target(%dma_start3A_1080 : memref<10112x72xf32, #tpu.memory_space<vmem_shared>>) offsets(%dma_start3A_1077 : memref<128xi32, #tpu.memory_space<vmem>>) semaphore(%run_scoped3A_1070 : memref<!tpu.dma_semaphore, #tpu.memory_space<semaphore_mem>>) {add = true}
        %dma_wait3A_1081 = arith.constant 0 : i32
        %dma_wait3A_1082 = arith.constant 0 : i32
        %dma_wait3A_1083 = tpu.memref_slice %arg7[%run_scoped3A_807, %dma_wait3A_1081, %dma_wait3A_1082] : memref<4x128x72xf32, #tpu.memory_space<vmem>> -> memref<1x128x72xf32, #tpu.memory_space<vmem>>
        %dma_wait3A_1084 = tpu.memref_squeeze %dma_wait3A_1083 : memref<1x128x72xf32, #tpu.memory_space<vmem>> -> memref<128x72xf32, #tpu.memory_space<vmem>>
        %dma_wait3A_1085 = arith.constant 0 : i32
        %dma_wait3A_1086 = tpu.memref_slice %arg6[%run_scoped3A_808, %run_scoped3A_809, %dma_wait3A_1085] : memref<8x2x128xi32, #tpu.memory_space<vmem>> -> memref<1x1x128xi32, #tpu.memory_space<vmem>>
        %dma_wait3A_1087 = tpu.memref_squeeze %dma_wait3A_1086 : memref<1x1x128xi32, #tpu.memory_space<vmem>> -> memref<128xi32, #tpu.memory_space<vmem>>
        %dma_wait3A_1088 = arith.constant 0 : i32
        %dma_wait3A_1089 = arith.constant 0 : i32
        %dma_wait3A_1090 = tpu.memref_slice %arg9[%dma_wait3A_1088, %dma_wait3A_1089] : memref<10112x72xf32, #tpu.memory_space<vmem_shared>> -> memref<10112x72xf32, #tpu.memory_space<vmem_shared>>
        tpu.wait_indirect_dma semaphore(%run_scoped3A_1070 : memref<!tpu.dma_semaphore, #tpu.memory_space<semaphore_mem>>) src(%dma_wait3A_1084 : memref<128x72xf32, #tpu.memory_space<vmem>>) dst(%dma_wait3A_1090 : memref<10112x72xf32, #tpu.memory_space<vmem_shared>>)
        tpu.yield
      }) : () -> ()
      %add3A_810 = arith.constant 4 : i32
      %add3A_811 = arith.addi %add3A_517, %add3A_810 : i32
      %add3A_812 = arith.constant 8 : i32
      %add3A_813 = arith.addi %add3A_811, %add3A_812 : i32
      %add3A_814 = arith.addi %mul3A_0, %add3A_813 : i32
      %mul3A_815 = arith.constant 2 : i32
      %mul3A_816 = arith.muli %mul3A_815, %add3A_814 : i32
      %dma_start3A_817 = arith.constant 4 : i32
      %dma_start3A_818 = arith.constant 0 : i32
      %dma_start3A_819 = arith.constant 0 : i32
      %dma_start3A_820 = tpu.memref_slice %arg6[%dma_start3A_817, %dma_start3A_818, %dma_start3A_819] : memref<8x2x128xi32, #tpu.memory_space<vmem>> -> memref<1x2x128xi32, #tpu.memory_space<vmem>>
      %dma_start3A_821 = tpu.memref_squeeze %dma_start3A_820 : memref<1x2x128xi32, #tpu.memory_space<vmem>> -> memref<2x128xi32, #tpu.memory_space<vmem>>
      %dma_start3A_822 = arith.constant 0 : i32
      %dma_start3A_823 = tpu.memref_slice %arg3[%mul3A_816, %dma_start3A_822] : memref<5120x128xi32, #tpu.memory_space<hbm>> -> memref<2x128xi32, #tpu.memory_space<hbm>>
      %dma_start3A_824 = arith.constant 0 : i32
      %dma_start3A_825 = arith.constant 0 : i32
      %dma_start3A_826 = tpu.memref_slice %arg6[%dma_start3A_817, %dma_start3A_824, %dma_start3A_825] : memref<8x2x128xi32, #tpu.memory_space<vmem>> -> memref<1x2x128xi32, #tpu.memory_space<vmem>>
      %dma_start3A_827 = tpu.memref_squeeze %dma_start3A_826 : memref<1x2x128xi32, #tpu.memory_space<vmem>> -> memref<2x128xi32, #tpu.memory_space<vmem>>
      %dma_start3A_828 = arith.constant 0 : i32
      %dma_start3A_829 = tpu.memref_slice %arg3[%mul3A_816, %dma_start3A_828] : memref<5120x128xi32, #tpu.memory_space<hbm>> -> memref<2x128xi32, #tpu.memory_space<hbm>>
      tpu.enqueue_dma source(%dma_start3A_829 : memref<2x128xi32, #tpu.memory_space<hbm>>) target(%dma_start3A_827 : memref<2x128xi32, #tpu.memory_space<vmem>>) target_semaphore(%arg14 : memref<!tpu.dma_semaphore, #tpu.memory_space<semaphore_mem>>)
      %add3A_830 = arith.constant 4 : i32
      %add3A_831 = arith.addi %add3A_517, %add3A_830 : i32
      %add3A_832 = arith.constant 4 : i32
      %add3A_833 = arith.addi %add3A_831, %add3A_832 : i32
      %add3A_834 = arith.addi %mul3A_0, %add3A_833 : i32
      %mul3A_835 = arith.constant 2 : i32
      %mul3A_836 = arith.muli %mul3A_835, %add3A_834 : i32
      %dma_wait3A_837 = arith.constant 0 : i32
      %dma_wait3A_838 = arith.constant 0 : i32
      %dma_wait3A_839 = arith.constant 0 : i32
      %dma_wait3A_840 = tpu.memref_slice %arg6[%dma_wait3A_837, %dma_wait3A_838, %dma_wait3A_839] : memref<8x2x128xi32, #tpu.memory_space<vmem>> -> memref<1x2x128xi32, #tpu.memory_space<vmem>>
      %dma_wait3A_841 = tpu.memref_squeeze %dma_wait3A_840 : memref<1x2x128xi32, #tpu.memory_space<vmem>> -> memref<2x128xi32, #tpu.memory_space<vmem>>
      %dma_wait3A_842 = arith.constant 0 : i32
      %dma_wait3A_843 = tpu.memref_slice %arg3[%mul3A_836, %dma_wait3A_842] : memref<5120x128xi32, #tpu.memory_space<hbm>> -> memref<2x128xi32, #tpu.memory_space<hbm>>
      %dma_wait3A_844 = arith.constant 0 : i32
      %dma_wait3A_845 = arith.constant 0 : i32
      %dma_wait3A_846 = tpu.memref_slice %arg6[%dma_wait3A_837, %dma_wait3A_844, %dma_wait3A_845] : memref<8x2x128xi32, #tpu.memory_space<vmem>> -> memref<1x2x128xi32, #tpu.memory_space<vmem>>
      %dma_wait3A_847 = tpu.memref_squeeze %dma_wait3A_846 : memref<1x2x128xi32, #tpu.memory_space<vmem>> -> memref<2x128xi32, #tpu.memory_space<vmem>>
      %dma_wait3A_848 = arith.constant 0 : i32
      %dma_wait3A_849 = tpu.memref_slice %arg3[%mul3A_836, %dma_wait3A_848] : memref<5120x128xi32, #tpu.memory_space<hbm>> -> memref<2x128xi32, #tpu.memory_space<hbm>>
      tpu.wait_dma2 semaphore(%arg10 : memref<!tpu.dma_semaphore, #tpu.memory_space<semaphore_mem>>) src(%dma_wait3A_849 : memref<2x128xi32, #tpu.memory_space<hbm>>) dst(%dma_wait3A_847 : memref<2x128xi32, #tpu.memory_space<vmem>>)
      %dma_start3A_850 = arith.constant 0 : i32
      %dma_start3A_851 = arith.constant 0 : i32
      %dma_start3A_852 = arith.constant 0 : i32
      %dma_start3A_853 = arith.constant 0 : i32
      %dma_start3A_854 = arith.constant 0 : i32
      %dma_start3A_855 = tpu.memref_slice %arg7[%dma_start3A_852, %dma_start3A_853, %dma_start3A_854] : memref<4x128x72xf32, #tpu.memory_space<vmem>> -> memref<1x128x72xf32, #tpu.memory_space<vmem>>
      %dma_start3A_856 = tpu.memref_squeeze %dma_start3A_855 : memref<1x128x72xf32, #tpu.memory_space<vmem>> -> memref<128x72xf32, #tpu.memory_space<vmem>>
      %dma_start3A_857 = arith.constant 0 : i32
      %dma_start3A_858 = tpu.memref_slice %arg6[%dma_start3A_850, %dma_start3A_851, %dma_start3A_857] : memref<8x2x128xi32, #tpu.memory_space<vmem>> -> memref<1x1x128xi32, #tpu.memory_space<vmem>>
      %dma_start3A_859 = tpu.memref_squeeze %dma_start3A_858 : memref<1x1x128xi32, #tpu.memory_space<vmem>> -> memref<128xi32, #tpu.memory_space<vmem>>
      %dma_start3A_860 = arith.constant 0 : i32
      %dma_start3A_861 = arith.constant 0 : i32
      %dma_start3A_862 = tpu.memref_slice %arg8[%dma_start3A_860, %dma_start3A_861] : memref<10112x72xf32, #tpu.memory_space<vmem_shared>> -> memref<10112x72xf32, #tpu.memory_space<vmem_shared>>
      tpu.enqueue_indirect_dma source(%dma_start3A_862 : memref<10112x72xf32, #tpu.memory_space<vmem_shared>>) target(%dma_start3A_856 : memref<128x72xf32, #tpu.memory_space<vmem>>) offsets(%dma_start3A_859 : memref<128xi32, #tpu.memory_space<vmem>>) semaphore(%arg18 : memref<!tpu.dma_semaphore, #tpu.memory_space<semaphore_mem>>)
      %dma_wait3A_863 = arith.constant 5 : i32
      %dma_wait3A_864 = arith.constant 0 : i32
      %dma_wait3A_865 = arith.constant 1 : i32
      %dma_wait3A_866 = arith.constant 0 : i32
      %dma_wait3A_867 = arith.constant 0 : i32
      %dma_wait3A_868 = tpu.memref_slice %arg7[%dma_wait3A_865, %dma_wait3A_866, %dma_wait3A_867] : memref<4x128x72xf32, #tpu.memory_space<vmem>> -> memref<1x128x72xf32, #tpu.memory_space<vmem>>
      %dma_wait3A_869 = tpu.memref_squeeze %dma_wait3A_868 : memref<1x128x72xf32, #tpu.memory_space<vmem>> -> memref<128x72xf32, #tpu.memory_space<vmem>>
      %dma_wait3A_870 = arith.constant 0 : i32
      %dma_wait3A_871 = tpu.memref_slice %arg6[%dma_wait3A_863, %dma_wait3A_864, %dma_wait3A_870] : memref<8x2x128xi32, #tpu.memory_space<vmem>> -> memref<1x1x128xi32, #tpu.memory_space<vmem>>
      %dma_wait3A_872 = tpu.memref_squeeze %dma_wait3A_871 : memref<1x1x128xi32, #tpu.memory_space<vmem>> -> memref<128xi32, #tpu.memory_space<vmem>>
      %dma_wait3A_873 = arith.constant 0 : i32
      %dma_wait3A_874 = arith.constant 0 : i32
      %dma_wait3A_875 = tpu.memref_slice %arg8[%dma_wait3A_873, %dma_wait3A_874] : memref<10112x72xf32, #tpu.memory_space<vmem_shared>> -> memref<10112x72xf32, #tpu.memory_space<vmem_shared>>
      tpu.wait_indirect_dma semaphore(%arg19 : memref<!tpu.dma_semaphore, #tpu.memory_space<semaphore_mem>>) src(%dma_wait3A_875 : memref<10112x72xf32, #tpu.memory_space<vmem_shared>>) dst(%dma_wait3A_869 : memref<128x72xf32, #tpu.memory_space<vmem>>)
      %run_scoped3A_876 = arith.constant 1 : i32
      %run_scoped3A_877 = arith.constant 5 : i32
      %run_scoped3A_878 = arith.constant 1 : i32
      "tpu.region"() ({
        %run_scoped3A_1070 = tpu.sem_alloc : memref<!tpu.dma_semaphore, #tpu.memory_space<semaphore_mem>>
        %dma_start3A_1071 = arith.constant 0 : i32
        %dma_start3A_1072 = arith.constant 0 : i32
        %dma_start3A_1073 = tpu.memref_slice %arg7[%run_scoped3A_876, %dma_start3A_1071, %dma_start3A_1072] : memref<4x128x72xf32, #tpu.memory_space<vmem>> -> memref<1x128x72xf32, #tpu.memory_space<vmem>>
        %dma_start3A_1074 = tpu.memref_squeeze %dma_start3A_1073 : memref<1x128x72xf32, #tpu.memory_space<vmem>> -> memref<128x72xf32, #tpu.memory_space<vmem>>
        %dma_start3A_1075 = arith.constant 0 : i32
        %dma_start3A_1076 = tpu.memref_slice %arg6[%run_scoped3A_877, %run_scoped3A_878, %dma_start3A_1075] : memref<8x2x128xi32, #tpu.memory_space<vmem>> -> memref<1x1x128xi32, #tpu.memory_space<vmem>>
        %dma_start3A_1077 = tpu.memref_squeeze %dma_start3A_1076 : memref<1x1x128xi32, #tpu.memory_space<vmem>> -> memref<128xi32, #tpu.memory_space<vmem>>
        %dma_start3A_1078 = arith.constant 0 : i32
        %dma_start3A_1079 = arith.constant 0 : i32
        %dma_start3A_1080 = tpu.memref_slice %arg9[%dma_start3A_1078, %dma_start3A_1079] : memref<10112x72xf32, #tpu.memory_space<vmem_shared>> -> memref<10112x72xf32, #tpu.memory_space<vmem_shared>>
        tpu.enqueue_indirect_dma source(%dma_start3A_1074 : memref<128x72xf32, #tpu.memory_space<vmem>>) target(%dma_start3A_1080 : memref<10112x72xf32, #tpu.memory_space<vmem_shared>>) offsets(%dma_start3A_1077 : memref<128xi32, #tpu.memory_space<vmem>>) semaphore(%run_scoped3A_1070 : memref<!tpu.dma_semaphore, #tpu.memory_space<semaphore_mem>>) {add = true}
        %dma_wait3A_1081 = arith.constant 0 : i32
        %dma_wait3A_1082 = arith.constant 0 : i32
        %dma_wait3A_1083 = tpu.memref_slice %arg7[%run_scoped3A_876, %dma_wait3A_1081, %dma_wait3A_1082] : memref<4x128x72xf32, #tpu.memory_space<vmem>> -> memref<1x128x72xf32, #tpu.memory_space<vmem>>
        %dma_wait3A_1084 = tpu.memref_squeeze %dma_wait3A_1083 : memref<1x128x72xf32, #tpu.memory_space<vmem>> -> memref<128x72xf32, #tpu.memory_space<vmem>>
        %dma_wait3A_1085 = arith.constant 0 : i32
        %dma_wait3A_1086 = tpu.memref_slice %arg6[%run_scoped3A_877, %run_scoped3A_878, %dma_wait3A_1085] : memref<8x2x128xi32, #tpu.memory_space<vmem>> -> memref<1x1x128xi32, #tpu.memory_space<vmem>>
        %dma_wait3A_1087 = tpu.memref_squeeze %dma_wait3A_1086 : memref<1x1x128xi32, #tpu.memory_space<vmem>> -> memref<128xi32, #tpu.memory_space<vmem>>
        %dma_wait3A_1088 = arith.constant 0 : i32
        %dma_wait3A_1089 = arith.constant 0 : i32
        %dma_wait3A_1090 = tpu.memref_slice %arg9[%dma_wait3A_1088, %dma_wait3A_1089] : memref<10112x72xf32, #tpu.memory_space<vmem_shared>> -> memref<10112x72xf32, #tpu.memory_space<vmem_shared>>
        tpu.wait_indirect_dma semaphore(%run_scoped3A_1070 : memref<!tpu.dma_semaphore, #tpu.memory_space<semaphore_mem>>) src(%dma_wait3A_1084 : memref<128x72xf32, #tpu.memory_space<vmem>>) dst(%dma_wait3A_1090 : memref<10112x72xf32, #tpu.memory_space<vmem_shared>>)
        tpu.yield
      }) : () -> ()
      %add3A_879 = arith.constant 5 : i32
      %add3A_880 = arith.addi %add3A_517, %add3A_879 : i32
      %add3A_881 = arith.constant 8 : i32
      %add3A_882 = arith.addi %add3A_880, %add3A_881 : i32
      %add3A_883 = arith.addi %mul3A_0, %add3A_882 : i32
      %mul3A_884 = arith.constant 2 : i32
      %mul3A_885 = arith.muli %mul3A_884, %add3A_883 : i32
      %dma_start3A_886 = arith.constant 5 : i32
      %dma_start3A_887 = arith.constant 0 : i32
      %dma_start3A_888 = arith.constant 0 : i32
      %dma_start3A_889 = tpu.memref_slice %arg6[%dma_start3A_886, %dma_start3A_887, %dma_start3A_888] : memref<8x2x128xi32, #tpu.memory_space<vmem>> -> memref<1x2x128xi32, #tpu.memory_space<vmem>>
      %dma_start3A_890 = tpu.memref_squeeze %dma_start3A_889 : memref<1x2x128xi32, #tpu.memory_space<vmem>> -> memref<2x128xi32, #tpu.memory_space<vmem>>
      %dma_start3A_891 = arith.constant 0 : i32
      %dma_start3A_892 = tpu.memref_slice %arg3[%mul3A_885, %dma_start3A_891] : memref<5120x128xi32, #tpu.memory_space<hbm>> -> memref<2x128xi32, #tpu.memory_space<hbm>>
      %dma_start3A_893 = arith.constant 0 : i32
      %dma_start3A_894 = arith.constant 0 : i32
      %dma_start3A_895 = tpu.memref_slice %arg6[%dma_start3A_886, %dma_start3A_893, %dma_start3A_894] : memref<8x2x128xi32, #tpu.memory_space<vmem>> -> memref<1x2x128xi32, #tpu.memory_space<vmem>>
      %dma_start3A_896 = tpu.memref_squeeze %dma_start3A_895 : memref<1x2x128xi32, #tpu.memory_space<vmem>> -> memref<2x128xi32, #tpu.memory_space<vmem>>
      %dma_start3A_897 = arith.constant 0 : i32
      %dma_start3A_898 = tpu.memref_slice %arg3[%mul3A_885, %dma_start3A_897] : memref<5120x128xi32, #tpu.memory_space<hbm>> -> memref<2x128xi32, #tpu.memory_space<hbm>>
      tpu.enqueue_dma source(%dma_start3A_898 : memref<2x128xi32, #tpu.memory_space<hbm>>) target(%dma_start3A_896 : memref<2x128xi32, #tpu.memory_space<vmem>>) target_semaphore(%arg15 : memref<!tpu.dma_semaphore, #tpu.memory_space<semaphore_mem>>)
      %add3A_899 = arith.constant 5 : i32
      %add3A_900 = arith.addi %add3A_517, %add3A_899 : i32
      %add3A_901 = arith.constant 4 : i32
      %add3A_902 = arith.addi %add3A_900, %add3A_901 : i32
      %add3A_903 = arith.addi %mul3A_0, %add3A_902 : i32
      %mul3A_904 = arith.constant 2 : i32
      %mul3A_905 = arith.muli %mul3A_904, %add3A_903 : i32
      %dma_wait3A_906 = arith.constant 1 : i32
      %dma_wait3A_907 = arith.constant 0 : i32
      %dma_wait3A_908 = arith.constant 0 : i32
      %dma_wait3A_909 = tpu.memref_slice %arg6[%dma_wait3A_906, %dma_wait3A_907, %dma_wait3A_908] : memref<8x2x128xi32, #tpu.memory_space<vmem>> -> memref<1x2x128xi32, #tpu.memory_space<vmem>>
      %dma_wait3A_910 = tpu.memref_squeeze %dma_wait3A_909 : memref<1x2x128xi32, #tpu.memory_space<vmem>> -> memref<2x128xi32, #tpu.memory_space<vmem>>
      %dma_wait3A_911 = arith.constant 0 : i32
      %dma_wait3A_912 = tpu.memref_slice %arg3[%mul3A_905, %dma_wait3A_911] : memref<5120x128xi32, #tpu.memory_space<hbm>> -> memref<2x128xi32, #tpu.memory_space<hbm>>
      %dma_wait3A_913 = arith.constant 0 : i32
      %dma_wait3A_914 = arith.constant 0 : i32
      %dma_wait3A_915 = tpu.memref_slice %arg6[%dma_wait3A_906, %dma_wait3A_913, %dma_wait3A_914] : memref<8x2x128xi32, #tpu.memory_space<vmem>> -> memref<1x2x128xi32, #tpu.memory_space<vmem>>
      %dma_wait3A_916 = tpu.memref_squeeze %dma_wait3A_915 : memref<1x2x128xi32, #tpu.memory_space<vmem>> -> memref<2x128xi32, #tpu.memory_space<vmem>>
      %dma_wait3A_917 = arith.constant 0 : i32
      %dma_wait3A_918 = tpu.memref_slice %arg3[%mul3A_905, %dma_wait3A_917] : memref<5120x128xi32, #tpu.memory_space<hbm>> -> memref<2x128xi32, #tpu.memory_space<hbm>>
      tpu.wait_dma2 semaphore(%arg11 : memref<!tpu.dma_semaphore, #tpu.memory_space<semaphore_mem>>) src(%dma_wait3A_918 : memref<2x128xi32, #tpu.memory_space<hbm>>) dst(%dma_wait3A_916 : memref<2x128xi32, #tpu.memory_space<vmem>>)
      %dma_start3A_919 = arith.constant 1 : i32
      %dma_start3A_920 = arith.constant 0 : i32
      %dma_start3A_921 = arith.constant 1 : i32
      %dma_start3A_922 = arith.constant 0 : i32
      %dma_start3A_923 = arith.constant 0 : i32
      %dma_start3A_924 = tpu.memref_slice %arg7[%dma_start3A_921, %dma_start3A_922, %dma_start3A_923] : memref<4x128x72xf32, #tpu.memory_space<vmem>> -> memref<1x128x72xf32, #tpu.memory_space<vmem>>
      %dma_start3A_925 = tpu.memref_squeeze %dma_start3A_924 : memref<1x128x72xf32, #tpu.memory_space<vmem>> -> memref<128x72xf32, #tpu.memory_space<vmem>>
      %dma_start3A_926 = arith.constant 0 : i32
      %dma_start3A_927 = tpu.memref_slice %arg6[%dma_start3A_919, %dma_start3A_920, %dma_start3A_926] : memref<8x2x128xi32, #tpu.memory_space<vmem>> -> memref<1x1x128xi32, #tpu.memory_space<vmem>>
      %dma_start3A_928 = tpu.memref_squeeze %dma_start3A_927 : memref<1x1x128xi32, #tpu.memory_space<vmem>> -> memref<128xi32, #tpu.memory_space<vmem>>
      %dma_start3A_929 = arith.constant 0 : i32
      %dma_start3A_930 = arith.constant 0 : i32
      %dma_start3A_931 = tpu.memref_slice %arg8[%dma_start3A_929, %dma_start3A_930] : memref<10112x72xf32, #tpu.memory_space<vmem_shared>> -> memref<10112x72xf32, #tpu.memory_space<vmem_shared>>
      tpu.enqueue_indirect_dma source(%dma_start3A_931 : memref<10112x72xf32, #tpu.memory_space<vmem_shared>>) target(%dma_start3A_925 : memref<128x72xf32, #tpu.memory_space<vmem>>) offsets(%dma_start3A_928 : memref<128xi32, #tpu.memory_space<vmem>>) semaphore(%arg19 : memref<!tpu.dma_semaphore, #tpu.memory_space<semaphore_mem>>)
      %dma_wait3A_932 = arith.constant 6 : i32
      %dma_wait3A_933 = arith.constant 0 : i32
      %dma_wait3A_934 = arith.constant 2 : i32
      %dma_wait3A_935 = arith.constant 0 : i32
      %dma_wait3A_936 = arith.constant 0 : i32
      %dma_wait3A_937 = tpu.memref_slice %arg7[%dma_wait3A_934, %dma_wait3A_935, %dma_wait3A_936] : memref<4x128x72xf32, #tpu.memory_space<vmem>> -> memref<1x128x72xf32, #tpu.memory_space<vmem>>
      %dma_wait3A_938 = tpu.memref_squeeze %dma_wait3A_937 : memref<1x128x72xf32, #tpu.memory_space<vmem>> -> memref<128x72xf32, #tpu.memory_space<vmem>>
      %dma_wait3A_939 = arith.constant 0 : i32
      %dma_wait3A_940 = tpu.memref_slice %arg6[%dma_wait3A_932, %dma_wait3A_933, %dma_wait3A_939] : memref<8x2x128xi32, #tpu.memory_space<vmem>> -> memref<1x1x128xi32, #tpu.memory_space<vmem>>
      %dma_wait3A_941 = tpu.memref_squeeze %dma_wait3A_940 : memref<1x1x128xi32, #tpu.memory_space<vmem>> -> memref<128xi32, #tpu.memory_space<vmem>>
      %dma_wait3A_942 = arith.constant 0 : i32
      %dma_wait3A_943 = arith.constant 0 : i32
      %dma_wait3A_944 = tpu.memref_slice %arg8[%dma_wait3A_942, %dma_wait3A_943] : memref<10112x72xf32, #tpu.memory_space<vmem_shared>> -> memref<10112x72xf32, #tpu.memory_space<vmem_shared>>
      tpu.wait_indirect_dma semaphore(%arg20 : memref<!tpu.dma_semaphore, #tpu.memory_space<semaphore_mem>>) src(%dma_wait3A_944 : memref<10112x72xf32, #tpu.memory_space<vmem_shared>>) dst(%dma_wait3A_938 : memref<128x72xf32, #tpu.memory_space<vmem>>)
      %run_scoped3A_945 = arith.constant 2 : i32
      %run_scoped3A_946 = arith.constant 6 : i32
      %run_scoped3A_947 = arith.constant 1 : i32
      "tpu.region"() ({
        %run_scoped3A_1070 = tpu.sem_alloc : memref<!tpu.dma_semaphore, #tpu.memory_space<semaphore_mem>>
        %dma_start3A_1071 = arith.constant 0 : i32
        %dma_start3A_1072 = arith.constant 0 : i32
        %dma_start3A_1073 = tpu.memref_slice %arg7[%run_scoped3A_945, %dma_start3A_1071, %dma_start3A_1072] : memref<4x128x72xf32, #tpu.memory_space<vmem>> -> memref<1x128x72xf32, #tpu.memory_space<vmem>>
        %dma_start3A_1074 = tpu.memref_squeeze %dma_start3A_1073 : memref<1x128x72xf32, #tpu.memory_space<vmem>> -> memref<128x72xf32, #tpu.memory_space<vmem>>
        %dma_start3A_1075 = arith.constant 0 : i32
        %dma_start3A_1076 = tpu.memref_slice %arg6[%run_scoped3A_946, %run_scoped3A_947, %dma_start3A_1075] : memref<8x2x128xi32, #tpu.memory_space<vmem>> -> memref<1x1x128xi32, #tpu.memory_space<vmem>>
        %dma_start3A_1077 = tpu.memref_squeeze %dma_start3A_1076 : memref<1x1x128xi32, #tpu.memory_space<vmem>> -> memref<128xi32, #tpu.memory_space<vmem>>
        %dma_start3A_1078 = arith.constant 0 : i32
        %dma_start3A_1079 = arith.constant 0 : i32
        %dma_start3A_1080 = tpu.memref_slice %arg9[%dma_start3A_1078, %dma_start3A_1079] : memref<10112x72xf32, #tpu.memory_space<vmem_shared>> -> memref<10112x72xf32, #tpu.memory_space<vmem_shared>>
        tpu.enqueue_indirect_dma source(%dma_start3A_1074 : memref<128x72xf32, #tpu.memory_space<vmem>>) target(%dma_start3A_1080 : memref<10112x72xf32, #tpu.memory_space<vmem_shared>>) offsets(%dma_start3A_1077 : memref<128xi32, #tpu.memory_space<vmem>>) semaphore(%run_scoped3A_1070 : memref<!tpu.dma_semaphore, #tpu.memory_space<semaphore_mem>>) {add = true}
        %dma_wait3A_1081 = arith.constant 0 : i32
        %dma_wait3A_1082 = arith.constant 0 : i32
        %dma_wait3A_1083 = tpu.memref_slice %arg7[%run_scoped3A_945, %dma_wait3A_1081, %dma_wait3A_1082] : memref<4x128x72xf32, #tpu.memory_space<vmem>> -> memref<1x128x72xf32, #tpu.memory_space<vmem>>
        %dma_wait3A_1084 = tpu.memref_squeeze %dma_wait3A_1083 : memref<1x128x72xf32, #tpu.memory_space<vmem>> -> memref<128x72xf32, #tpu.memory_space<vmem>>
        %dma_wait3A_1085 = arith.constant 0 : i32
        %dma_wait3A_1086 = tpu.memref_slice %arg6[%run_scoped3A_946, %run_scoped3A_947, %dma_wait3A_1085] : memref<8x2x128xi32, #tpu.memory_space<vmem>> -> memref<1x1x128xi32, #tpu.memory_space<vmem>>
        %dma_wait3A_1087 = tpu.memref_squeeze %dma_wait3A_1086 : memref<1x1x128xi32, #tpu.memory_space<vmem>> -> memref<128xi32, #tpu.memory_space<vmem>>
        %dma_wait3A_1088 = arith.constant 0 : i32
        %dma_wait3A_1089 = arith.constant 0 : i32
        %dma_wait3A_1090 = tpu.memref_slice %arg9[%dma_wait3A_1088, %dma_wait3A_1089] : memref<10112x72xf32, #tpu.memory_space<vmem_shared>> -> memref<10112x72xf32, #tpu.memory_space<vmem_shared>>
        tpu.wait_indirect_dma semaphore(%run_scoped3A_1070 : memref<!tpu.dma_semaphore, #tpu.memory_space<semaphore_mem>>) src(%dma_wait3A_1084 : memref<128x72xf32, #tpu.memory_space<vmem>>) dst(%dma_wait3A_1090 : memref<10112x72xf32, #tpu.memory_space<vmem_shared>>)
        tpu.yield
      }) : () -> ()
      %add3A_948 = arith.constant 6 : i32
      %add3A_949 = arith.addi %add3A_517, %add3A_948 : i32
      %add3A_950 = arith.constant 8 : i32
      %add3A_951 = arith.addi %add3A_949, %add3A_950 : i32
      %add3A_952 = arith.addi %mul3A_0, %add3A_951 : i32
      %mul3A_953 = arith.constant 2 : i32
      %mul3A_954 = arith.muli %mul3A_953, %add3A_952 : i32
      %dma_start3A_955 = arith.constant 6 : i32
      %dma_start3A_956 = arith.constant 0 : i32
      %dma_start3A_957 = arith.constant 0 : i32
      %dma_start3A_958 = tpu.memref_slice %arg6[%dma_start3A_955, %dma_start3A_956, %dma_start3A_957] : memref<8x2x128xi32, #tpu.memory_space<vmem>> -> memref<1x2x128xi32, #tpu.memory_space<vmem>>
      %dma_start3A_959 = tpu.memref_squeeze %dma_start3A_958 : memref<1x2x128xi32, #tpu.memory_space<vmem>> -> memref<2x128xi32, #tpu.memory_space<vmem>>
      %dma_start3A_960 = arith.constant 0 : i32
      %dma_start3A_961 = tpu.memref_slice %arg3[%mul3A_954, %dma_start3A_960] : memref<5120x128xi32, #tpu.memory_space<hbm>> -> memref<2x128xi32, #tpu.memory_space<hbm>>
      %dma_start3A_962 = arith.constant 0 : i32
      %dma_start3A_963 = arith.constant 0 : i32
      %dma_start3A_964 = tpu.memref_slice %arg6[%dma_start3A_955, %dma_start3A_962, %dma_start3A_963] : memref<8x2x128xi32, #tpu.memory_space<vmem>> -> memref<1x2x128xi32, #tpu.memory_space<vmem>>
      %dma_start3A_965 = tpu.memref_squeeze %dma_start3A_964 : memref<1x2x128xi32, #tpu.memory_space<vmem>> -> memref<2x128xi32, #tpu.memory_space<vmem>>
      %dma_start3A_966 = arith.constant 0 : i32
      %dma_start3A_967 = tpu.memref_slice %arg3[%mul3A_954, %dma_start3A_966] : memref<5120x128xi32, #tpu.memory_space<hbm>> -> memref<2x128xi32, #tpu.memory_space<hbm>>
      tpu.enqueue_dma source(%dma_start3A_967 : memref<2x128xi32, #tpu.memory_space<hbm>>) target(%dma_start3A_965 : memref<2x128xi32, #tpu.memory_space<vmem>>) target_semaphore(%arg16 : memref<!tpu.dma_semaphore, #tpu.memory_space<semaphore_mem>>)
      %add3A_968 = arith.constant 6 : i32
      %add3A_969 = arith.addi %add3A_517, %add3A_968 : i32
      %add3A_970 = arith.constant 4 : i32
      %add3A_971 = arith.addi %add3A_969, %add3A_970 : i32
      %add3A_972 = arith.addi %mul3A_0, %add3A_971 : i32
      %mul3A_973 = arith.constant 2 : i32
      %mul3A_974 = arith.muli %mul3A_973, %add3A_972 : i32
      %dma_wait3A_975 = arith.constant 2 : i32
      %dma_wait3A_976 = arith.constant 0 : i32
      %dma_wait3A_977 = arith.constant 0 : i32
      %dma_wait3A_978 = tpu.memref_slice %arg6[%dma_wait3A_975, %dma_wait3A_976, %dma_wait3A_977] : memref<8x2x128xi32, #tpu.memory_space<vmem>> -> memref<1x2x128xi32, #tpu.memory_space<vmem>>
      %dma_wait3A_979 = tpu.memref_squeeze %dma_wait3A_978 : memref<1x2x128xi32, #tpu.memory_space<vmem>> -> memref<2x128xi32, #tpu.memory_space<vmem>>
      %dma_wait3A_980 = arith.constant 0 : i32
      %dma_wait3A_981 = tpu.memref_slice %arg3[%mul3A_974, %dma_wait3A_980] : memref<5120x128xi32, #tpu.memory_space<hbm>> -> memref<2x128xi32, #tpu.memory_space<hbm>>
      %dma_wait3A_982 = arith.constant 0 : i32
      %dma_wait3A_983 = arith.constant 0 : i32
      %dma_wait3A_984 = tpu.memref_slice %arg6[%dma_wait3A_975, %dma_wait3A_982, %dma_wait3A_983] : memref<8x2x128xi32, #tpu.memory_space<vmem>> -> memref<1x2x128xi32, #tpu.memory_space<vmem>>
      %dma_wait3A_985 = tpu.memref_squeeze %dma_wait3A_984 : memref<1x2x128xi32, #tpu.memory_space<vmem>> -> memref<2x128xi32, #tpu.memory_space<vmem>>
      %dma_wait3A_986 = arith.constant 0 : i32
      %dma_wait3A_987 = tpu.memref_slice %arg3[%mul3A_974, %dma_wait3A_986] : memref<5120x128xi32, #tpu.memory_space<hbm>> -> memref<2x128xi32, #tpu.memory_space<hbm>>
      tpu.wait_dma2 semaphore(%arg12 : memref<!tpu.dma_semaphore, #tpu.memory_space<semaphore_mem>>) src(%dma_wait3A_987 : memref<2x128xi32, #tpu.memory_space<hbm>>) dst(%dma_wait3A_985 : memref<2x128xi32, #tpu.memory_space<vmem>>)
      %dma_start3A_988 = arith.constant 2 : i32
      %dma_start3A_989 = arith.constant 0 : i32
      %dma_start3A_990 = arith.constant 2 : i32
      %dma_start3A_991 = arith.constant 0 : i32
      %dma_start3A_992 = arith.constant 0 : i32
      %dma_start3A_993 = tpu.memref_slice %arg7[%dma_start3A_990, %dma_start3A_991, %dma_start3A_992] : memref<4x128x72xf32, #tpu.memory_space<vmem>> -> memref<1x128x72xf32, #tpu.memory_space<vmem>>
      %dma_start3A_994 = tpu.memref_squeeze %dma_start3A_993 : memref<1x128x72xf32, #tpu.memory_space<vmem>> -> memref<128x72xf32, #tpu.memory_space<vmem>>
      %dma_start3A_995 = arith.constant 0 : i32
      %dma_start3A_996 = tpu.memref_slice %arg6[%dma_start3A_988, %dma_start3A_989, %dma_start3A_995] : memref<8x2x128xi32, #tpu.memory_space<vmem>> -> memref<1x1x128xi32, #tpu.memory_space<vmem>>
      %dma_start3A_997 = tpu.memref_squeeze %dma_start3A_996 : memref<1x1x128xi32, #tpu.memory_space<vmem>> -> memref<128xi32, #tpu.memory_space<vmem>>
      %dma_start3A_998 = arith.constant 0 : i32
      %dma_start3A_999 = arith.constant 0 : i32
      %dma_start3A_1000 = tpu.memref_slice %arg8[%dma_start3A_998, %dma_start3A_999] : memref<10112x72xf32, #tpu.memory_space<vmem_shared>> -> memref<10112x72xf32, #tpu.memory_space<vmem_shared>>
      tpu.enqueue_indirect_dma source(%dma_start3A_1000 : memref<10112x72xf32, #tpu.memory_space<vmem_shared>>) target(%dma_start3A_994 : memref<128x72xf32, #tpu.memory_space<vmem>>) offsets(%dma_start3A_997 : memref<128xi32, #tpu.memory_space<vmem>>) semaphore(%arg20 : memref<!tpu.dma_semaphore, #tpu.memory_space<semaphore_mem>>)
      %dma_wait3A_1001 = arith.constant 7 : i32
      %dma_wait3A_1002 = arith.constant 0 : i32
      %dma_wait3A_1003 = arith.constant 3 : i32
      %dma_wait3A_1004 = arith.constant 0 : i32
      %dma_wait3A_1005 = arith.constant 0 : i32
      %dma_wait3A_1006 = tpu.memref_slice %arg7[%dma_wait3A_1003, %dma_wait3A_1004, %dma_wait3A_1005] : memref<4x128x72xf32, #tpu.memory_space<vmem>> -> memref<1x128x72xf32, #tpu.memory_space<vmem>>
      %dma_wait3A_1007 = tpu.memref_squeeze %dma_wait3A_1006 : memref<1x128x72xf32, #tpu.memory_space<vmem>> -> memref<128x72xf32, #tpu.memory_space<vmem>>
      %dma_wait3A_1008 = arith.constant 0 : i32
      %dma_wait3A_1009 = tpu.memref_slice %arg6[%dma_wait3A_1001, %dma_wait3A_1002, %dma_wait3A_1008] : memref<8x2x128xi32, #tpu.memory_space<vmem>> -> memref<1x1x128xi32, #tpu.memory_space<vmem>>
      %dma_wait3A_1010 = tpu.memref_squeeze %dma_wait3A_1009 : memref<1x1x128xi32, #tpu.memory_space<vmem>> -> memref<128xi32, #tpu.memory_space<vmem>>
      %dma_wait3A_1011 = arith.constant 0 : i32
      %dma_wait3A_1012 = arith.constant 0 : i32
      %dma_wait3A_1013 = tpu.memref_slice %arg8[%dma_wait3A_1011, %dma_wait3A_1012] : memref<10112x72xf32, #tpu.memory_space<vmem_shared>> -> memref<10112x72xf32, #tpu.memory_space<vmem_shared>>
      tpu.wait_indirect_dma semaphore(%arg21 : memref<!tpu.dma_semaphore, #tpu.memory_space<semaphore_mem>>) src(%dma_wait3A_1013 : memref<10112x72xf32, #tpu.memory_space<vmem_shared>>) dst(%dma_wait3A_1007 : memref<128x72xf32, #tpu.memory_space<vmem>>)
      %run_scoped3A_1014 = arith.constant 3 : i32
      %run_scoped3A_1015 = arith.constant 7 : i32
      %run_scoped3A_1016 = arith.constant 1 : i32
      "tpu.region"() ({
        %run_scoped3A_1070 = tpu.sem_alloc : memref<!tpu.dma_semaphore, #tpu.memory_space<semaphore_mem>>
        %dma_start3A_1071 = arith.constant 0 : i32
        %dma_start3A_1072 = arith.constant 0 : i32
        %dma_start3A_1073 = tpu.memref_slice %arg7[%run_scoped3A_1014, %dma_start3A_1071, %dma_start3A_1072] : memref<4x128x72xf32, #tpu.memory_space<vmem>> -> memref<1x128x72xf32, #tpu.memory_space<vmem>>
        %dma_start3A_1074 = tpu.memref_squeeze %dma_start3A_1073 : memref<1x128x72xf32, #tpu.memory_space<vmem>> -> memref<128x72xf32, #tpu.memory_space<vmem>>
        %dma_start3A_1075 = arith.constant 0 : i32
        %dma_start3A_1076 = tpu.memref_slice %arg6[%run_scoped3A_1015, %run_scoped3A_1016, %dma_start3A_1075] : memref<8x2x128xi32, #tpu.memory_space<vmem>> -> memref<1x1x128xi32, #tpu.memory_space<vmem>>
        %dma_start3A_1077 = tpu.memref_squeeze %dma_start3A_1076 : memref<1x1x128xi32, #tpu.memory_space<vmem>> -> memref<128xi32, #tpu.memory_space<vmem>>
        %dma_start3A_1078 = arith.constant 0 : i32
        %dma_start3A_1079 = arith.constant 0 : i32
        %dma_start3A_1080 = tpu.memref_slice %arg9[%dma_start3A_1078, %dma_start3A_1079] : memref<10112x72xf32, #tpu.memory_space<vmem_shared>> -> memref<10112x72xf32, #tpu.memory_space<vmem_shared>>
        tpu.enqueue_indirect_dma source(%dma_start3A_1074 : memref<128x72xf32, #tpu.memory_space<vmem>>) target(%dma_start3A_1080 : memref<10112x72xf32, #tpu.memory_space<vmem_shared>>) offsets(%dma_start3A_1077 : memref<128xi32, #tpu.memory_space<vmem>>) semaphore(%run_scoped3A_1070 : memref<!tpu.dma_semaphore, #tpu.memory_space<semaphore_mem>>) {add = true}
        %dma_wait3A_1081 = arith.constant 0 : i32
        %dma_wait3A_1082 = arith.constant 0 : i32
        %dma_wait3A_1083 = tpu.memref_slice %arg7[%run_scoped3A_1014, %dma_wait3A_1081, %dma_wait3A_1082] : memref<4x128x72xf32, #tpu.memory_space<vmem>> -> memref<1x128x72xf32, #tpu.memory_space<vmem>>
        %dma_wait3A_1084 = tpu.memref_squeeze %dma_wait3A_1083 : memref<1x128x72xf32, #tpu.memory_space<vmem>> -> memref<128x72xf32, #tpu.memory_space<vmem>>
        %dma_wait3A_1085 = arith.constant 0 : i32
        %dma_wait3A_1086 = tpu.memref_slice %arg6[%run_scoped3A_1015, %run_scoped3A_1016, %dma_wait3A_1085] : memref<8x2x128xi32, #tpu.memory_space<vmem>> -> memref<1x1x128xi32, #tpu.memory_space<vmem>>
        %dma_wait3A_1087 = tpu.memref_squeeze %dma_wait3A_1086 : memref<1x1x128xi32, #tpu.memory_space<vmem>> -> memref<128xi32, #tpu.memory_space<vmem>>
        %dma_wait3A_1088 = arith.constant 0 : i32
        %dma_wait3A_1089 = arith.constant 0 : i32
        %dma_wait3A_1090 = tpu.memref_slice %arg9[%dma_wait3A_1088, %dma_wait3A_1089] : memref<10112x72xf32, #tpu.memory_space<vmem_shared>> -> memref<10112x72xf32, #tpu.memory_space<vmem_shared>>
        tpu.wait_indirect_dma semaphore(%run_scoped3A_1070 : memref<!tpu.dma_semaphore, #tpu.memory_space<semaphore_mem>>) src(%dma_wait3A_1084 : memref<128x72xf32, #tpu.memory_space<vmem>>) dst(%dma_wait3A_1090 : memref<10112x72xf32, #tpu.memory_space<vmem_shared>>)
        tpu.yield
      }) : () -> ()
      %add3A_1017 = arith.constant 7 : i32
      %add3A_1018 = arith.addi %add3A_517, %add3A_1017 : i32
      %add3A_1019 = arith.constant 8 : i32
      %add3A_1020 = arith.addi %add3A_1018, %add3A_1019 : i32
      %add3A_1021 = arith.addi %mul3A_0, %add3A_1020 : i32
      %mul3A_1022 = arith.constant 2 : i32
      %mul3A_1023 = arith.muli %mul3A_1022, %add3A_1021 : i32
      %dma_start3A_1024 = arith.constant 7 : i32
      %dma_start3A_1025 = arith.constant 0 : i32
      %dma_start3A_1026 = arith.constant 0 : i32
      %dma_start3A_1027 = tpu.memref_slice %arg6[%dma_start3A_1024, %dma_start3A_1025, %dma_start3A_1026] : memref<8x2x128xi32, #tpu.memory_space<vmem>> -> memref<1x2x128xi32, #tpu.memory_space<vmem>>
      %dma_start3A_1028 = tpu.memref_squeeze %dma_start3A_1027 : memref<1x2x128xi32, #tpu.memory_space<vmem>> -> memref<2x128xi32, #tpu.memory_space<vmem>>
      %dma_start3A_1029 = arith.constant 0 : i32
      %dma_start3A_1030 = tpu.memref_slice %arg3[%mul3A_1023, %dma_start3A_1029] : memref<5120x128xi32, #tpu.memory_space<hbm>> -> memref<2x128xi32, #tpu.memory_space<hbm>>
      %dma_start3A_1031 = arith.constant 0 : i32
      %dma_start3A_1032 = arith.constant 0 : i32
      %dma_start3A_1033 = tpu.memref_slice %arg6[%dma_start3A_1024, %dma_start3A_1031, %dma_start3A_1032] : memref<8x2x128xi32, #tpu.memory_space<vmem>> -> memref<1x2x128xi32, #tpu.memory_space<vmem>>
      %dma_start3A_1034 = tpu.memref_squeeze %dma_start3A_1033 : memref<1x2x128xi32, #tpu.memory_space<vmem>> -> memref<2x128xi32, #tpu.memory_space<vmem>>
      %dma_start3A_1035 = arith.constant 0 : i32
      %dma_start3A_1036 = tpu.memref_slice %arg3[%mul3A_1023, %dma_start3A_1035] : memref<5120x128xi32, #tpu.memory_space<hbm>> -> memref<2x128xi32, #tpu.memory_space<hbm>>
      tpu.enqueue_dma source(%dma_start3A_1036 : memref<2x128xi32, #tpu.memory_space<hbm>>) target(%dma_start3A_1034 : memref<2x128xi32, #tpu.memory_space<vmem>>) target_semaphore(%arg17 : memref<!tpu.dma_semaphore, #tpu.memory_space<semaphore_mem>>)
      %add3A_1037 = arith.constant 7 : i32
      %add3A_1038 = arith.addi %add3A_517, %add3A_1037 : i32
      %add3A_1039 = arith.constant 4 : i32
      %add3A_1040 = arith.addi %add3A_1038, %add3A_1039 : i32
      %add3A_1041 = arith.addi %mul3A_0, %add3A_1040 : i32
      %mul3A_1042 = arith.constant 2 : i32
      %mul3A_1043 = arith.muli %mul3A_1042, %add3A_1041 : i32
      %dma_wait3A_1044 = arith.constant 3 : i32
      %dma_wait3A_1045 = arith.constant 0 : i32
      %dma_wait3A_1046 = arith.constant 0 : i32
      %dma_wait3A_1047 = tpu.memref_slice %arg6[%dma_wait3A_1044, %dma_wait3A_1045, %dma_wait3A_1046] : memref<8x2x128xi32, #tpu.memory_space<vmem>> -> memref<1x2x128xi32, #tpu.memory_space<vmem>>
      %dma_wait3A_1048 = tpu.memref_squeeze %dma_wait3A_1047 : memref<1x2x128xi32, #tpu.memory_space<vmem>> -> memref<2x128xi32, #tpu.memory_space<vmem>>
      %dma_wait3A_1049 = arith.constant 0 : i32
      %dma_wait3A_1050 = tpu.memref_slice %arg3[%mul3A_1043, %dma_wait3A_1049] : memref<5120x128xi32, #tpu.memory_space<hbm>> -> memref<2x128xi32, #tpu.memory_space<hbm>>
      %dma_wait3A_1051 = arith.constant 0 : i32
      %dma_wait3A_1052 = arith.constant 0 : i32
      %dma_wait3A_1053 = tpu.memref_slice %arg6[%dma_wait3A_1044, %dma_wait3A_1051, %dma_wait3A_1052] : memref<8x2x128xi32, #tpu.memory_space<vmem>> -> memref<1x2x128xi32, #tpu.memory_space<vmem>>
      %dma_wait3A_1054 = tpu.memref_squeeze %dma_wait3A_1053 : memref<1x2x128xi32, #tpu.memory_space<vmem>> -> memref<2x128xi32, #tpu.memory_space<vmem>>
      %dma_wait3A_1055 = arith.constant 0 : i32
      %dma_wait3A_1056 = tpu.memref_slice %arg3[%mul3A_1043, %dma_wait3A_1055] : memref<5120x128xi32, #tpu.memory_space<hbm>> -> memref<2x128xi32, #tpu.memory_space<hbm>>
      tpu.wait_dma2 semaphore(%arg13 : memref<!tpu.dma_semaphore, #tpu.memory_space<semaphore_mem>>) src(%dma_wait3A_1056 : memref<2x128xi32, #tpu.memory_space<hbm>>) dst(%dma_wait3A_1054 : memref<2x128xi32, #tpu.memory_space<vmem>>)
      %dma_start3A_1057 = arith.constant 3 : i32
      %dma_start3A_1058 = arith.constant 0 : i32
      %dma_start3A_1059 = arith.constant 3 : i32
      %dma_start3A_1060 = arith.constant 0 : i32
      %dma_start3A_1061 = arith.constant 0 : i32
      %dma_start3A_1062 = tpu.memref_slice %arg7[%dma_start3A_1059, %dma_start3A_1060, %dma_start3A_1061] : memref<4x128x72xf32, #tpu.memory_space<vmem>> -> memref<1x128x72xf32, #tpu.memory_space<vmem>>
      %dma_start3A_1063 = tpu.memref_squeeze %dma_start3A_1062 : memref<1x128x72xf32, #tpu.memory_space<vmem>> -> memref<128x72xf32, #tpu.memory_space<vmem>>
      %dma_start3A_1064 = arith.constant 0 : i32
      %dma_start3A_1065 = tpu.memref_slice %arg6[%dma_start3A_1057, %dma_start3A_1058, %dma_start3A_1064] : memref<8x2x128xi32, #tpu.memory_space<vmem>> -> memref<1x1x128xi32, #tpu.memory_space<vmem>>
      %dma_start3A_1066 = tpu.memref_squeeze %dma_start3A_1065 : memref<1x1x128xi32, #tpu.memory_space<vmem>> -> memref<128xi32, #tpu.memory_space<vmem>>
      %dma_start3A_1067 = arith.constant 0 : i32
      %dma_start3A_1068 = arith.constant 0 : i32
      %dma_start3A_1069 = tpu.memref_slice %arg8[%dma_start3A_1067, %dma_start3A_1068] : memref<10112x72xf32, #tpu.memory_space<vmem_shared>> -> memref<10112x72xf32, #tpu.memory_space<vmem_shared>>
      tpu.enqueue_indirect_dma source(%dma_start3A_1069 : memref<10112x72xf32, #tpu.memory_space<vmem_shared>>) target(%dma_start3A_1063 : memref<128x72xf32, #tpu.memory_space<vmem>>) offsets(%dma_start3A_1066 : memref<128xi32, #tpu.memory_space<vmem>>) semaphore(%arg21 : memref<!tpu.dma_semaphore, #tpu.memory_space<semaphore_mem>>)
    }
    %scan3A_264 = arith.constant 19 : i32
    %dma_wait3A_265 = arith.constant 0 : i32
    %dma_wait3A_266 = arith.constant 0 : i32
    %dma_wait3A_267 = arith.constant 0 : i32
    %dma_wait3A_268 = arith.constant 0 : i32
    %dma_wait3A_269 = arith.constant 0 : i32
    %dma_wait3A_270 = tpu.memref_slice %arg7[%dma_wait3A_267, %dma_wait3A_268, %dma_wait3A_269] : memref<4x128x72xf32, #tpu.memory_space<vmem>> -> memref<1x128x72xf32, #tpu.memory_space<vmem>>
    %dma_wait3A_271 = tpu.memref_squeeze %dma_wait3A_270 : memref<1x128x72xf32, #tpu.memory_space<vmem>> -> memref<128x72xf32, #tpu.memory_space<vmem>>
    %dma_wait3A_272 = arith.constant 0 : i32
    %dma_wait3A_273 = tpu.memref_slice %arg6[%dma_wait3A_265, %dma_wait3A_266, %dma_wait3A_272] : memref<8x2x128xi32, #tpu.memory_space<vmem>> -> memref<1x1x128xi32, #tpu.memory_space<vmem>>
    %dma_wait3A_274 = tpu.memref_squeeze %dma_wait3A_273 : memref<1x1x128xi32, #tpu.memory_space<vmem>> -> memref<128xi32, #tpu.memory_space<vmem>>
    %dma_wait3A_275 = arith.constant 0 : i32
    %dma_wait3A_276 = arith.constant 0 : i32
    %dma_wait3A_277 = tpu.memref_slice %arg8[%dma_wait3A_275, %dma_wait3A_276] : memref<10112x72xf32, #tpu.memory_space<vmem_shared>> -> memref<10112x72xf32, #tpu.memory_space<vmem_shared>>
    tpu.wait_indirect_dma semaphore(%arg18 : memref<!tpu.dma_semaphore, #tpu.memory_space<semaphore_mem>>) src(%dma_wait3A_277 : memref<10112x72xf32, #tpu.memory_space<vmem_shared>>) dst(%dma_wait3A_271 : memref<128x72xf32, #tpu.memory_space<vmem>>)
    %run_scoped3A = arith.constant 0 : i32
    %run_scoped3A_278 = arith.constant 0 : i32
    %run_scoped3A_279 = arith.constant 1 : i32
    "tpu.region"() ({
      %run_scoped3A_513 = tpu.sem_alloc : memref<!tpu.dma_semaphore, #tpu.memory_space<semaphore_mem>>
      %dma_start3A_514 = arith.constant 0 : i32
      %dma_start3A_515 = arith.constant 0 : i32
      %dma_start3A_516 = tpu.memref_slice %arg7[%run_scoped3A, %dma_start3A_514, %dma_start3A_515] : memref<4x128x72xf32, #tpu.memory_space<vmem>> -> memref<1x128x72xf32, #tpu.memory_space<vmem>>
      %dma_start3A_517 = tpu.memref_squeeze %dma_start3A_516 : memref<1x128x72xf32, #tpu.memory_space<vmem>> -> memref<128x72xf32, #tpu.memory_space<vmem>>
      %dma_start3A_518 = arith.constant 0 : i32
      %dma_start3A_519 = tpu.memref_slice %arg6[%run_scoped3A_278, %run_scoped3A_279, %dma_start3A_518] : memref<8x2x128xi32, #tpu.memory_space<vmem>> -> memref<1x1x128xi32, #tpu.memory_space<vmem>>
      %dma_start3A_520 = tpu.memref_squeeze %dma_start3A_519 : memref<1x1x128xi32, #tpu.memory_space<vmem>> -> memref<128xi32, #tpu.memory_space<vmem>>
      %dma_start3A_521 = arith.constant 0 : i32
      %dma_start3A_522 = arith.constant 0 : i32
      %dma_start3A_523 = tpu.memref_slice %arg9[%dma_start3A_521, %dma_start3A_522] : memref<10112x72xf32, #tpu.memory_space<vmem_shared>> -> memref<10112x72xf32, #tpu.memory_space<vmem_shared>>
      tpu.enqueue_indirect_dma source(%dma_start3A_517 : memref<128x72xf32, #tpu.memory_space<vmem>>) target(%dma_start3A_523 : memref<10112x72xf32, #tpu.memory_space<vmem_shared>>) offsets(%dma_start3A_520 : memref<128xi32, #tpu.memory_space<vmem>>) semaphore(%run_scoped3A_513 : memref<!tpu.dma_semaphore, #tpu.memory_space<semaphore_mem>>) {add = true}
      %dma_wait3A_524 = arith.constant 0 : i32
      %dma_wait3A_525 = arith.constant 0 : i32
      %dma_wait3A_526 = tpu.memref_slice %arg7[%run_scoped3A, %dma_wait3A_524, %dma_wait3A_525] : memref<4x128x72xf32, #tpu.memory_space<vmem>> -> memref<1x128x72xf32, #tpu.memory_space<vmem>>
      %dma_wait3A_527 = tpu.memref_squeeze %dma_wait3A_526 : memref<1x128x72xf32, #tpu.memory_space<vmem>> -> memref<128x72xf32, #tpu.memory_space<vmem>>
      %dma_wait3A_528 = arith.constant 0 : i32
      %dma_wait3A_529 = tpu.memref_slice %arg6[%run_scoped3A_278, %run_scoped3A_279, %dma_wait3A_528] : memref<8x2x128xi32, #tpu.memory_space<vmem>> -> memref<1x1x128xi32, #tpu.memory_space<vmem>>
      %dma_wait3A_530 = tpu.memref_squeeze %dma_wait3A_529 : memref<1x1x128xi32, #tpu.memory_space<vmem>> -> memref<128xi32, #tpu.memory_space<vmem>>
      %dma_wait3A_531 = arith.constant 0 : i32
      %dma_wait3A_532 = arith.constant 0 : i32
      %dma_wait3A_533 = tpu.memref_slice %arg9[%dma_wait3A_531, %dma_wait3A_532] : memref<10112x72xf32, #tpu.memory_space<vmem_shared>> -> memref<10112x72xf32, #tpu.memory_space<vmem_shared>>
      tpu.wait_indirect_dma semaphore(%run_scoped3A_513 : memref<!tpu.dma_semaphore, #tpu.memory_space<semaphore_mem>>) src(%dma_wait3A_527 : memref<128x72xf32, #tpu.memory_space<vmem>>) dst(%dma_wait3A_533 : memref<10112x72xf32, #tpu.memory_space<vmem_shared>>)
      tpu.yield
    }) : () -> ()
    %add3A_280 = arith.constant 156 : i32
    %add3A_281 = arith.addi %mul3A_0, %add3A_280 : i32
    %mul3A_282 = arith.constant 2 : i32
    %mul3A_283 = arith.muli %mul3A_282, %add3A_281 : i32
    %dma_wait3A_284 = arith.constant 4 : i32
    %dma_wait3A_285 = arith.constant 0 : i32
    %dma_wait3A_286 = arith.constant 0 : i32
    %dma_wait3A_287 = tpu.memref_slice %arg6[%dma_wait3A_284, %dma_wait3A_285, %dma_wait3A_286] : memref<8x2x128xi32, #tpu.memory_space<vmem>> -> memref<1x2x128xi32, #tpu.memory_space<vmem>>
    %dma_wait3A_288 = tpu.memref_squeeze %dma_wait3A_287 : memref<1x2x128xi32, #tpu.memory_space<vmem>> -> memref<2x128xi32, #tpu.memory_space<vmem>>
    %dma_wait3A_289 = arith.constant 0 : i32
    %dma_wait3A_290 = tpu.memref_slice %arg3[%mul3A_283, %dma_wait3A_289] : memref<5120x128xi32, #tpu.memory_space<hbm>> -> memref<2x128xi32, #tpu.memory_space<hbm>>
    %dma_wait3A_291 = arith.constant 0 : i32
    %dma_wait3A_292 = arith.constant 0 : i32
    %dma_wait3A_293 = tpu.memref_slice %arg6[%dma_wait3A_284, %dma_wait3A_291, %dma_wait3A_292] : memref<8x2x128xi32, #tpu.memory_space<vmem>> -> memref<1x2x128xi32, #tpu.memory_space<vmem>>
    %dma_wait3A_294 = tpu.memref_squeeze %dma_wait3A_293 : memref<1x2x128xi32, #tpu.memory_space<vmem>> -> memref<2x128xi32, #tpu.memory_space<vmem>>
    %dma_wait3A_295 = arith.constant 0 : i32
    %dma_wait3A_296 = tpu.memref_slice %arg3[%mul3A_283, %dma_wait3A_295] : memref<5120x128xi32, #tpu.memory_space<hbm>> -> memref<2x128xi32, #tpu.memory_space<hbm>>
    tpu.wait_dma2 semaphore(%arg14 : memref<!tpu.dma_semaphore, #tpu.memory_space<semaphore_mem>>) src(%dma_wait3A_296 : memref<2x128xi32, #tpu.memory_space<hbm>>) dst(%dma_wait3A_294 : memref<2x128xi32, #tpu.memory_space<vmem>>)
    %dma_start3A_297 = arith.constant 4 : i32
    %dma_start3A_298 = arith.constant 0 : i32
    %dma_start3A_299 = arith.constant 0 : i32
    %dma_start3A_300 = arith.constant 0 : i32
    %dma_start3A_301 = arith.constant 0 : i32
    %dma_start3A_302 = tpu.memref_slice %arg7[%dma_start3A_299, %dma_start3A_300, %dma_start3A_301] : memref<4x128x72xf32, #tpu.memory_space<vmem>> -> memref<1x128x72xf32, #tpu.memory_space<vmem>>
    %dma_start3A_303 = tpu.memref_squeeze %dma_start3A_302 : memref<1x128x72xf32, #tpu.memory_space<vmem>> -> memref<128x72xf32, #tpu.memory_space<vmem>>
    %dma_start3A_304 = arith.constant 0 : i32
    %dma_start3A_305 = tpu.memref_slice %arg6[%dma_start3A_297, %dma_start3A_298, %dma_start3A_304] : memref<8x2x128xi32, #tpu.memory_space<vmem>> -> memref<1x1x128xi32, #tpu.memory_space<vmem>>
    %dma_start3A_306 = tpu.memref_squeeze %dma_start3A_305 : memref<1x1x128xi32, #tpu.memory_space<vmem>> -> memref<128xi32, #tpu.memory_space<vmem>>
    %dma_start3A_307 = arith.constant 0 : i32
    %dma_start3A_308 = arith.constant 0 : i32
    %dma_start3A_309 = tpu.memref_slice %arg8[%dma_start3A_307, %dma_start3A_308] : memref<10112x72xf32, #tpu.memory_space<vmem_shared>> -> memref<10112x72xf32, #tpu.memory_space<vmem_shared>>
    tpu.enqueue_indirect_dma source(%dma_start3A_309 : memref<10112x72xf32, #tpu.memory_space<vmem_shared>>) target(%dma_start3A_303 : memref<128x72xf32, #tpu.memory_space<vmem>>) offsets(%dma_start3A_306 : memref<128xi32, #tpu.memory_space<vmem>>) semaphore(%arg18 : memref<!tpu.dma_semaphore, #tpu.memory_space<semaphore_mem>>)
    %dma_wait3A_310 = arith.constant 1 : i32
    %dma_wait3A_311 = arith.constant 0 : i32
    %dma_wait3A_312 = arith.constant 1 : i32
    %dma_wait3A_313 = arith.constant 0 : i32
    %dma_wait3A_314 = arith.constant 0 : i32
    %dma_wait3A_315 = tpu.memref_slice %arg7[%dma_wait3A_312, %dma_wait3A_313, %dma_wait3A_314] : memref<4x128x72xf32, #tpu.memory_space<vmem>> -> memref<1x128x72xf32, #tpu.memory_space<vmem>>
    %dma_wait3A_316 = tpu.memref_squeeze %dma_wait3A_315 : memref<1x128x72xf32, #tpu.memory_space<vmem>> -> memref<128x72xf32, #tpu.memory_space<vmem>>
    %dma_wait3A_317 = arith.constant 0 : i32
    %dma_wait3A_318 = tpu.memref_slice %arg6[%dma_wait3A_310, %dma_wait3A_311, %dma_wait3A_317] : memref<8x2x128xi32, #tpu.memory_space<vmem>> -> memref<1x1x128xi32, #tpu.memory_space<vmem>>
    %dma_wait3A_319 = tpu.memref_squeeze %dma_wait3A_318 : memref<1x1x128xi32, #tpu.memory_space<vmem>> -> memref<128xi32, #tpu.memory_space<vmem>>
    %dma_wait3A_320 = arith.constant 0 : i32
    %dma_wait3A_321 = arith.constant 0 : i32
    %dma_wait3A_322 = tpu.memref_slice %arg8[%dma_wait3A_320, %dma_wait3A_321] : memref<10112x72xf32, #tpu.memory_space<vmem_shared>> -> memref<10112x72xf32, #tpu.memory_space<vmem_shared>>
    tpu.wait_indirect_dma semaphore(%arg19 : memref<!tpu.dma_semaphore, #tpu.memory_space<semaphore_mem>>) src(%dma_wait3A_322 : memref<10112x72xf32, #tpu.memory_space<vmem_shared>>) dst(%dma_wait3A_316 : memref<128x72xf32, #tpu.memory_space<vmem>>)
    %run_scoped3A_323 = arith.constant 1 : i32
    %run_scoped3A_324 = arith.constant 1 : i32
    %run_scoped3A_325 = arith.constant 1 : i32
    "tpu.region"() ({
      %run_scoped3A_513 = tpu.sem_alloc : memref<!tpu.dma_semaphore, #tpu.memory_space<semaphore_mem>>
      %dma_start3A_514 = arith.constant 0 : i32
      %dma_start3A_515 = arith.constant 0 : i32
      %dma_start3A_516 = tpu.memref_slice %arg7[%run_scoped3A_323, %dma_start3A_514, %dma_start3A_515] : memref<4x128x72xf32, #tpu.memory_space<vmem>> -> memref<1x128x72xf32, #tpu.memory_space<vmem>>
      %dma_start3A_517 = tpu.memref_squeeze %dma_start3A_516 : memref<1x128x72xf32, #tpu.memory_space<vmem>> -> memref<128x72xf32, #tpu.memory_space<vmem>>
      %dma_start3A_518 = arith.constant 0 : i32
      %dma_start3A_519 = tpu.memref_slice %arg6[%run_scoped3A_324, %run_scoped3A_325, %dma_start3A_518] : memref<8x2x128xi32, #tpu.memory_space<vmem>> -> memref<1x1x128xi32, #tpu.memory_space<vmem>>
      %dma_start3A_520 = tpu.memref_squeeze %dma_start3A_519 : memref<1x1x128xi32, #tpu.memory_space<vmem>> -> memref<128xi32, #tpu.memory_space<vmem>>
      %dma_start3A_521 = arith.constant 0 : i32
      %dma_start3A_522 = arith.constant 0 : i32
      %dma_start3A_523 = tpu.memref_slice %arg9[%dma_start3A_521, %dma_start3A_522] : memref<10112x72xf32, #tpu.memory_space<vmem_shared>> -> memref<10112x72xf32, #tpu.memory_space<vmem_shared>>
      tpu.enqueue_indirect_dma source(%dma_start3A_517 : memref<128x72xf32, #tpu.memory_space<vmem>>) target(%dma_start3A_523 : memref<10112x72xf32, #tpu.memory_space<vmem_shared>>) offsets(%dma_start3A_520 : memref<128xi32, #tpu.memory_space<vmem>>) semaphore(%run_scoped3A_513 : memref<!tpu.dma_semaphore, #tpu.memory_space<semaphore_mem>>) {add = true}
      %dma_wait3A_524 = arith.constant 0 : i32
      %dma_wait3A_525 = arith.constant 0 : i32
      %dma_wait3A_526 = tpu.memref_slice %arg7[%run_scoped3A_323, %dma_wait3A_524, %dma_wait3A_525] : memref<4x128x72xf32, #tpu.memory_space<vmem>> -> memref<1x128x72xf32, #tpu.memory_space<vmem>>
      %dma_wait3A_527 = tpu.memref_squeeze %dma_wait3A_526 : memref<1x128x72xf32, #tpu.memory_space<vmem>> -> memref<128x72xf32, #tpu.memory_space<vmem>>
      %dma_wait3A_528 = arith.constant 0 : i32
      %dma_wait3A_529 = tpu.memref_slice %arg6[%run_scoped3A_324, %run_scoped3A_325, %dma_wait3A_528] : memref<8x2x128xi32, #tpu.memory_space<vmem>> -> memref<1x1x128xi32, #tpu.memory_space<vmem>>
      %dma_wait3A_530 = tpu.memref_squeeze %dma_wait3A_529 : memref<1x1x128xi32, #tpu.memory_space<vmem>> -> memref<128xi32, #tpu.memory_space<vmem>>
      %dma_wait3A_531 = arith.constant 0 : i32
      %dma_wait3A_532 = arith.constant 0 : i32
      %dma_wait3A_533 = tpu.memref_slice %arg9[%dma_wait3A_531, %dma_wait3A_532] : memref<10112x72xf32, #tpu.memory_space<vmem_shared>> -> memref<10112x72xf32, #tpu.memory_space<vmem_shared>>
      tpu.wait_indirect_dma semaphore(%run_scoped3A_513 : memref<!tpu.dma_semaphore, #tpu.memory_space<semaphore_mem>>) src(%dma_wait3A_527 : memref<128x72xf32, #tpu.memory_space<vmem>>) dst(%dma_wait3A_533 : memref<10112x72xf32, #tpu.memory_space<vmem_shared>>)
      tpu.yield
    }) : () -> ()
    %add3A_326 = arith.constant 157 : i32
    %add3A_327 = arith.addi %mul3A_0, %add3A_326 : i32
    %mul3A_328 = arith.constant 2 : i32
    %mul3A_329 = arith.muli %mul3A_328, %add3A_327 : i32
    %dma_wait3A_330 = arith.constant 5 : i32
    %dma_wait3A_331 = arith.constant 0 : i32
    %dma_wait3A_332 = arith.constant 0 : i32
    %dma_wait3A_333 = tpu.memref_slice %arg6[%dma_wait3A_330, %dma_wait3A_331, %dma_wait3A_332] : memref<8x2x128xi32, #tpu.memory_space<vmem>> -> memref<1x2x128xi32, #tpu.memory_space<vmem>>
    %dma_wait3A_334 = tpu.memref_squeeze %dma_wait3A_333 : memref<1x2x128xi32, #tpu.memory_space<vmem>> -> memref<2x128xi32, #tpu.memory_space<vmem>>
    %dma_wait3A_335 = arith.constant 0 : i32
    %dma_wait3A_336 = tpu.memref_slice %arg3[%mul3A_329, %dma_wait3A_335] : memref<5120x128xi32, #tpu.memory_space<hbm>> -> memref<2x128xi32, #tpu.memory_space<hbm>>
    %dma_wait3A_337 = arith.constant 0 : i32
    %dma_wait3A_338 = arith.constant 0 : i32
    %dma_wait3A_339 = tpu.memref_slice %arg6[%dma_wait3A_330, %dma_wait3A_337, %dma_wait3A_338] : memref<8x2x128xi32, #tpu.memory_space<vmem>> -> memref<1x2x128xi32, #tpu.memory_space<vmem>>
    %dma_wait3A_340 = tpu.memref_squeeze %dma_wait3A_339 : memref<1x2x128xi32, #tpu.memory_space<vmem>> -> memref<2x128xi32, #tpu.memory_space<vmem>>
    %dma_wait3A_341 = arith.constant 0 : i32
    %dma_wait3A_342 = tpu.memref_slice %arg3[%mul3A_329, %dma_wait3A_341] : memref<5120x128xi32, #tpu.memory_space<hbm>> -> memref<2x128xi32, #tpu.memory_space<hbm>>
    tpu.wait_dma2 semaphore(%arg15 : memref<!tpu.dma_semaphore, #tpu.memory_space<semaphore_mem>>) src(%dma_wait3A_342 : memref<2x128xi32, #tpu.memory_space<hbm>>) dst(%dma_wait3A_340 : memref<2x128xi32, #tpu.memory_space<vmem>>)
    %dma_start3A_343 = arith.constant 5 : i32
    %dma_start3A_344 = arith.constant 0 : i32
    %dma_start3A_345 = arith.constant 1 : i32
    %dma_start3A_346 = arith.constant 0 : i32
    %dma_start3A_347 = arith.constant 0 : i32
    %dma_start3A_348 = tpu.memref_slice %arg7[%dma_start3A_345, %dma_start3A_346, %dma_start3A_347] : memref<4x128x72xf32, #tpu.memory_space<vmem>> -> memref<1x128x72xf32, #tpu.memory_space<vmem>>
    %dma_start3A_349 = tpu.memref_squeeze %dma_start3A_348 : memref<1x128x72xf32, #tpu.memory_space<vmem>> -> memref<128x72xf32, #tpu.memory_space<vmem>>
    %dma_start3A_350 = arith.constant 0 : i32
    %dma_start3A_351 = tpu.memref_slice %arg6[%dma_start3A_343, %dma_start3A_344, %dma_start3A_350] : memref<8x2x128xi32, #tpu.memory_space<vmem>> -> memref<1x1x128xi32, #tpu.memory_space<vmem>>
    %dma_start3A_352 = tpu.memref_squeeze %dma_start3A_351 : memref<1x1x128xi32, #tpu.memory_space<vmem>> -> memref<128xi32, #tpu.memory_space<vmem>>
    %dma_start3A_353 = arith.constant 0 : i32
    %dma_start3A_354 = arith.constant 0 : i32
    %dma_start3A_355 = tpu.memref_slice %arg8[%dma_start3A_353, %dma_start3A_354] : memref<10112x72xf32, #tpu.memory_space<vmem_shared>> -> memref<10112x72xf32, #tpu.memory_space<vmem_shared>>
    tpu.enqueue_indirect_dma source(%dma_start3A_355 : memref<10112x72xf32, #tpu.memory_space<vmem_shared>>) target(%dma_start3A_349 : memref<128x72xf32, #tpu.memory_space<vmem>>) offsets(%dma_start3A_352 : memref<128xi32, #tpu.memory_space<vmem>>) semaphore(%arg19 : memref<!tpu.dma_semaphore, #tpu.memory_space<semaphore_mem>>)
    %dma_wait3A_356 = arith.constant 2 : i32
    %dma_wait3A_357 = arith.constant 0 : i32
    %dma_wait3A_358 = arith.constant 2 : i32
    %dma_wait3A_359 = arith.constant 0 : i32
    %dma_wait3A_360 = arith.constant 0 : i32
    %dma_wait3A_361 = tpu.memref_slice %arg7[%dma_wait3A_358, %dma_wait3A_359, %dma_wait3A_360] : memref<4x128x72xf32, #tpu.memory_space<vmem>> -> memref<1x128x72xf32, #tpu.memory_space<vmem>>
    %dma_wait3A_362 = tpu.memref_squeeze %dma_wait3A_361 : memref<1x128x72xf32, #tpu.memory_space<vmem>> -> memref<128x72xf32, #tpu.memory_space<vmem>>
    %dma_wait3A_363 = arith.constant 0 : i32
    %dma_wait3A_364 = tpu.memref_slice %arg6[%dma_wait3A_356, %dma_wait3A_357, %dma_wait3A_363] : memref<8x2x128xi32, #tpu.memory_space<vmem>> -> memref<1x1x128xi32, #tpu.memory_space<vmem>>
    %dma_wait3A_365 = tpu.memref_squeeze %dma_wait3A_364 : memref<1x1x128xi32, #tpu.memory_space<vmem>> -> memref<128xi32, #tpu.memory_space<vmem>>
    %dma_wait3A_366 = arith.constant 0 : i32
    %dma_wait3A_367 = arith.constant 0 : i32
    %dma_wait3A_368 = tpu.memref_slice %arg8[%dma_wait3A_366, %dma_wait3A_367] : memref<10112x72xf32, #tpu.memory_space<vmem_shared>> -> memref<10112x72xf32, #tpu.memory_space<vmem_shared>>
    tpu.wait_indirect_dma semaphore(%arg20 : memref<!tpu.dma_semaphore, #tpu.memory_space<semaphore_mem>>) src(%dma_wait3A_368 : memref<10112x72xf32, #tpu.memory_space<vmem_shared>>) dst(%dma_wait3A_362 : memref<128x72xf32, #tpu.memory_space<vmem>>)
    %run_scoped3A_369 = arith.constant 2 : i32
    %run_scoped3A_370 = arith.constant 2 : i32
    %run_scoped3A_371 = arith.constant 1 : i32
    "tpu.region"() ({
      %run_scoped3A_513 = tpu.sem_alloc : memref<!tpu.dma_semaphore, #tpu.memory_space<semaphore_mem>>
      %dma_start3A_514 = arith.constant 0 : i32
      %dma_start3A_515 = arith.constant 0 : i32
      %dma_start3A_516 = tpu.memref_slice %arg7[%run_scoped3A_369, %dma_start3A_514, %dma_start3A_515] : memref<4x128x72xf32, #tpu.memory_space<vmem>> -> memref<1x128x72xf32, #tpu.memory_space<vmem>>
      %dma_start3A_517 = tpu.memref_squeeze %dma_start3A_516 : memref<1x128x72xf32, #tpu.memory_space<vmem>> -> memref<128x72xf32, #tpu.memory_space<vmem>>
      %dma_start3A_518 = arith.constant 0 : i32
      %dma_start3A_519 = tpu.memref_slice %arg6[%run_scoped3A_370, %run_scoped3A_371, %dma_start3A_518] : memref<8x2x128xi32, #tpu.memory_space<vmem>> -> memref<1x1x128xi32, #tpu.memory_space<vmem>>
      %dma_start3A_520 = tpu.memref_squeeze %dma_start3A_519 : memref<1x1x128xi32, #tpu.memory_space<vmem>> -> memref<128xi32, #tpu.memory_space<vmem>>
      %dma_start3A_521 = arith.constant 0 : i32
      %dma_start3A_522 = arith.constant 0 : i32
      %dma_start3A_523 = tpu.memref_slice %arg9[%dma_start3A_521, %dma_start3A_522] : memref<10112x72xf32, #tpu.memory_space<vmem_shared>> -> memref<10112x72xf32, #tpu.memory_space<vmem_shared>>
      tpu.enqueue_indirect_dma source(%dma_start3A_517 : memref<128x72xf32, #tpu.memory_space<vmem>>) target(%dma_start3A_523 : memref<10112x72xf32, #tpu.memory_space<vmem_shared>>) offsets(%dma_start3A_520 : memref<128xi32, #tpu.memory_space<vmem>>) semaphore(%run_scoped3A_513 : memref<!tpu.dma_semaphore, #tpu.memory_space<semaphore_mem>>) {add = true}
      %dma_wait3A_524 = arith.constant 0 : i32
      %dma_wait3A_525 = arith.constant 0 : i32
      %dma_wait3A_526 = tpu.memref_slice %arg7[%run_scoped3A_369, %dma_wait3A_524, %dma_wait3A_525] : memref<4x128x72xf32, #tpu.memory_space<vmem>> -> memref<1x128x72xf32, #tpu.memory_space<vmem>>
      %dma_wait3A_527 = tpu.memref_squeeze %dma_wait3A_526 : memref<1x128x72xf32, #tpu.memory_space<vmem>> -> memref<128x72xf32, #tpu.memory_space<vmem>>
      %dma_wait3A_528 = arith.constant 0 : i32
      %dma_wait3A_529 = tpu.memref_slice %arg6[%run_scoped3A_370, %run_scoped3A_371, %dma_wait3A_528] : memref<8x2x128xi32, #tpu.memory_space<vmem>> -> memref<1x1x128xi32, #tpu.memory_space<vmem>>
      %dma_wait3A_530 = tpu.memref_squeeze %dma_wait3A_529 : memref<1x1x128xi32, #tpu.memory_space<vmem>> -> memref<128xi32, #tpu.memory_space<vmem>>
      %dma_wait3A_531 = arith.constant 0 : i32
      %dma_wait3A_532 = arith.constant 0 : i32
      %dma_wait3A_533 = tpu.memref_slice %arg9[%dma_wait3A_531, %dma_wait3A_532] : memref<10112x72xf32, #tpu.memory_space<vmem_shared>> -> memref<10112x72xf32, #tpu.memory_space<vmem_shared>>
      tpu.wait_indirect_dma semaphore(%run_scoped3A_513 : memref<!tpu.dma_semaphore, #tpu.memory_space<semaphore_mem>>) src(%dma_wait3A_527 : memref<128x72xf32, #tpu.memory_space<vmem>>) dst(%dma_wait3A_533 : memref<10112x72xf32, #tpu.memory_space<vmem_shared>>)
      tpu.yield
    }) : () -> ()
    %add3A_372 = arith.constant 158 : i32
    %add3A_373 = arith.addi %mul3A_0, %add3A_372 : i32
    %mul3A_374 = arith.constant 2 : i32
    %mul3A_375 = arith.muli %mul3A_374, %add3A_373 : i32
    %dma_wait3A_376 = arith.constant 6 : i32
    %dma_wait3A_377 = arith.constant 0 : i32
    %dma_wait3A_378 = arith.constant 0 : i32
    %dma_wait3A_379 = tpu.memref_slice %arg6[%dma_wait3A_376, %dma_wait3A_377, %dma_wait3A_378] : memref<8x2x128xi32, #tpu.memory_space<vmem>> -> memref<1x2x128xi32, #tpu.memory_space<vmem>>
    %dma_wait3A_380 = tpu.memref_squeeze %dma_wait3A_379 : memref<1x2x128xi32, #tpu.memory_space<vmem>> -> memref<2x128xi32, #tpu.memory_space<vmem>>
    %dma_wait3A_381 = arith.constant 0 : i32
    %dma_wait3A_382 = tpu.memref_slice %arg3[%mul3A_375, %dma_wait3A_381] : memref<5120x128xi32, #tpu.memory_space<hbm>> -> memref<2x128xi32, #tpu.memory_space<hbm>>
    %dma_wait3A_383 = arith.constant 0 : i32
    %dma_wait3A_384 = arith.constant 0 : i32
    %dma_wait3A_385 = tpu.memref_slice %arg6[%dma_wait3A_376, %dma_wait3A_383, %dma_wait3A_384] : memref<8x2x128xi32, #tpu.memory_space<vmem>> -> memref<1x2x128xi32, #tpu.memory_space<vmem>>
    %dma_wait3A_386 = tpu.memref_squeeze %dma_wait3A_385 : memref<1x2x128xi32, #tpu.memory_space<vmem>> -> memref<2x128xi32, #tpu.memory_space<vmem>>
    %dma_wait3A_387 = arith.constant 0 : i32
    %dma_wait3A_388 = tpu.memref_slice %arg3[%mul3A_375, %dma_wait3A_387] : memref<5120x128xi32, #tpu.memory_space<hbm>> -> memref<2x128xi32, #tpu.memory_space<hbm>>
    tpu.wait_dma2 semaphore(%arg16 : memref<!tpu.dma_semaphore, #tpu.memory_space<semaphore_mem>>) src(%dma_wait3A_388 : memref<2x128xi32, #tpu.memory_space<hbm>>) dst(%dma_wait3A_386 : memref<2x128xi32, #tpu.memory_space<vmem>>)
    %dma_start3A_389 = arith.constant 6 : i32
    %dma_start3A_390 = arith.constant 0 : i32
    %dma_start3A_391 = arith.constant 2 : i32
    %dma_start3A_392 = arith.constant 0 : i32
    %dma_start3A_393 = arith.constant 0 : i32
    %dma_start3A_394 = tpu.memref_slice %arg7[%dma_start3A_391, %dma_start3A_392, %dma_start3A_393] : memref<4x128x72xf32, #tpu.memory_space<vmem>> -> memref<1x128x72xf32, #tpu.memory_space<vmem>>
    %dma_start3A_395 = tpu.memref_squeeze %dma_start3A_394 : memref<1x128x72xf32, #tpu.memory_space<vmem>> -> memref<128x72xf32, #tpu.memory_space<vmem>>
    %dma_start3A_396 = arith.constant 0 : i32
    %dma_start3A_397 = tpu.memref_slice %arg6[%dma_start3A_389, %dma_start3A_390, %dma_start3A_396] : memref<8x2x128xi32, #tpu.memory_space<vmem>> -> memref<1x1x128xi32, #tpu.memory_space<vmem>>
    %dma_start3A_398 = tpu.memref_squeeze %dma_start3A_397 : memref<1x1x128xi32, #tpu.memory_space<vmem>> -> memref<128xi32, #tpu.memory_space<vmem>>
    %dma_start3A_399 = arith.constant 0 : i32
    %dma_start3A_400 = arith.constant 0 : i32
    %dma_start3A_401 = tpu.memref_slice %arg8[%dma_start3A_399, %dma_start3A_400] : memref<10112x72xf32, #tpu.memory_space<vmem_shared>> -> memref<10112x72xf32, #tpu.memory_space<vmem_shared>>
    tpu.enqueue_indirect_dma source(%dma_start3A_401 : memref<10112x72xf32, #tpu.memory_space<vmem_shared>>) target(%dma_start3A_395 : memref<128x72xf32, #tpu.memory_space<vmem>>) offsets(%dma_start3A_398 : memref<128xi32, #tpu.memory_space<vmem>>) semaphore(%arg20 : memref<!tpu.dma_semaphore, #tpu.memory_space<semaphore_mem>>)
    %dma_wait3A_402 = arith.constant 3 : i32
    %dma_wait3A_403 = arith.constant 0 : i32
    %dma_wait3A_404 = arith.constant 3 : i32
    %dma_wait3A_405 = arith.constant 0 : i32
    %dma_wait3A_406 = arith.constant 0 : i32
    %dma_wait3A_407 = tpu.memref_slice %arg7[%dma_wait3A_404, %dma_wait3A_405, %dma_wait3A_406] : memref<4x128x72xf32, #tpu.memory_space<vmem>> -> memref<1x128x72xf32, #tpu.memory_space<vmem>>
    %dma_wait3A_408 = tpu.memref_squeeze %dma_wait3A_407 : memref<1x128x72xf32, #tpu.memory_space<vmem>> -> memref<128x72xf32, #tpu.memory_space<vmem>>
    %dma_wait3A_409 = arith.constant 0 : i32
    %dma_wait3A_410 = tpu.memref_slice %arg6[%dma_wait3A_402, %dma_wait3A_403, %dma_wait3A_409] : memref<8x2x128xi32, #tpu.memory_space<vmem>> -> memref<1x1x128xi32, #tpu.memory_space<vmem>>
    %dma_wait3A_411 = tpu.memref_squeeze %dma_wait3A_410 : memref<1x1x128xi32, #tpu.memory_space<vmem>> -> memref<128xi32, #tpu.memory_space<vmem>>
    %dma_wait3A_412 = arith.constant 0 : i32
    %dma_wait3A_413 = arith.constant 0 : i32
    %dma_wait3A_414 = tpu.memref_slice %arg8[%dma_wait3A_412, %dma_wait3A_413] : memref<10112x72xf32, #tpu.memory_space<vmem_shared>> -> memref<10112x72xf32, #tpu.memory_space<vmem_shared>>
    tpu.wait_indirect_dma semaphore(%arg21 : memref<!tpu.dma_semaphore, #tpu.memory_space<semaphore_mem>>) src(%dma_wait3A_414 : memref<10112x72xf32, #tpu.memory_space<vmem_shared>>) dst(%dma_wait3A_408 : memref<128x72xf32, #tpu.memory_space<vmem>>)
    %run_scoped3A_415 = arith.constant 3 : i32
    %run_scoped3A_416 = arith.constant 3 : i32
    %run_scoped3A_417 = arith.constant 1 : i32
    "tpu.region"() ({
      %run_scoped3A_513 = tpu.sem_alloc : memref<!tpu.dma_semaphore, #tpu.memory_space<semaphore_mem>>
      %dma_start3A_514 = arith.constant 0 : i32
      %dma_start3A_515 = arith.constant 0 : i32
      %dma_start3A_516 = tpu.memref_slice %arg7[%run_scoped3A_415, %dma_start3A_514, %dma_start3A_515] : memref<4x128x72xf32, #tpu.memory_space<vmem>> -> memref<1x128x72xf32, #tpu.memory_space<vmem>>
      %dma_start3A_517 = tpu.memref_squeeze %dma_start3A_516 : memref<1x128x72xf32, #tpu.memory_space<vmem>> -> memref<128x72xf32, #tpu.memory_space<vmem>>
      %dma_start3A_518 = arith.constant 0 : i32
      %dma_start3A_519 = tpu.memref_slice %arg6[%run_scoped3A_416, %run_scoped3A_417, %dma_start3A_518] : memref<8x2x128xi32, #tpu.memory_space<vmem>> -> memref<1x1x128xi32, #tpu.memory_space<vmem>>
      %dma_start3A_520 = tpu.memref_squeeze %dma_start3A_519 : memref<1x1x128xi32, #tpu.memory_space<vmem>> -> memref<128xi32, #tpu.memory_space<vmem>>
      %dma_start3A_521 = arith.constant 0 : i32
      %dma_start3A_522 = arith.constant 0 : i32
      %dma_start3A_523 = tpu.memref_slice %arg9[%dma_start3A_521, %dma_start3A_522] : memref<10112x72xf32, #tpu.memory_space<vmem_shared>> -> memref<10112x72xf32, #tpu.memory_space<vmem_shared>>
      tpu.enqueue_indirect_dma source(%dma_start3A_517 : memref<128x72xf32, #tpu.memory_space<vmem>>) target(%dma_start3A_523 : memref<10112x72xf32, #tpu.memory_space<vmem_shared>>) offsets(%dma_start3A_520 : memref<128xi32, #tpu.memory_space<vmem>>) semaphore(%run_scoped3A_513 : memref<!tpu.dma_semaphore, #tpu.memory_space<semaphore_mem>>) {add = true}
      %dma_wait3A_524 = arith.constant 0 : i32
      %dma_wait3A_525 = arith.constant 0 : i32
      %dma_wait3A_526 = tpu.memref_slice %arg7[%run_scoped3A_415, %dma_wait3A_524, %dma_wait3A_525] : memref<4x128x72xf32, #tpu.memory_space<vmem>> -> memref<1x128x72xf32, #tpu.memory_space<vmem>>
      %dma_wait3A_527 = tpu.memref_squeeze %dma_wait3A_526 : memref<1x128x72xf32, #tpu.memory_space<vmem>> -> memref<128x72xf32, #tpu.memory_space<vmem>>
      %dma_wait3A_528 = arith.constant 0 : i32
      %dma_wait3A_529 = tpu.memref_slice %arg6[%run_scoped3A_416, %run_scoped3A_417, %dma_wait3A_528] : memref<8x2x128xi32, #tpu.memory_space<vmem>> -> memref<1x1x128xi32, #tpu.memory_space<vmem>>
      %dma_wait3A_530 = tpu.memref_squeeze %dma_wait3A_529 : memref<1x1x128xi32, #tpu.memory_space<vmem>> -> memref<128xi32, #tpu.memory_space<vmem>>
      %dma_wait3A_531 = arith.constant 0 : i32
      %dma_wait3A_532 = arith.constant 0 : i32
      %dma_wait3A_533 = tpu.memref_slice %arg9[%dma_wait3A_531, %dma_wait3A_532] : memref<10112x72xf32, #tpu.memory_space<vmem_shared>> -> memref<10112x72xf32, #tpu.memory_space<vmem_shared>>
      tpu.wait_indirect_dma semaphore(%run_scoped3A_513 : memref<!tpu.dma_semaphore, #tpu.memory_space<semaphore_mem>>) src(%dma_wait3A_527 : memref<128x72xf32, #tpu.memory_space<vmem>>) dst(%dma_wait3A_533 : memref<10112x72xf32, #tpu.memory_space<vmem_shared>>)
      tpu.yield
    }) : () -> ()
    %add3A_418 = arith.constant 159 : i32
    %add3A_419 = arith.addi %mul3A_0, %add3A_418 : i32
    %mul3A_420 = arith.constant 2 : i32
    %mul3A_421 = arith.muli %mul3A_420, %add3A_419 : i32
    %dma_wait3A_422 = arith.constant 7 : i32
    %dma_wait3A_423 = arith.constant 0 : i32
    %dma_wait3A_424 = arith.constant 0 : i32
    %dma_wait3A_425 = tpu.memref_slice %arg6[%dma_wait3A_422, %dma_wait3A_423, %dma_wait3A_424] : memref<8x2x128xi32, #tpu.memory_space<vmem>> -> memref<1x2x128xi32, #tpu.memory_space<vmem>>
    %dma_wait3A_426 = tpu.memref_squeeze %dma_wait3A_425 : memref<1x2x128xi32, #tpu.memory_space<vmem>> -> memref<2x128xi32, #tpu.memory_space<vmem>>
    %dma_wait3A_427 = arith.constant 0 : i32
    %dma_wait3A_428 = tpu.memref_slice %arg3[%mul3A_421, %dma_wait3A_427] : memref<5120x128xi32, #tpu.memory_space<hbm>> -> memref<2x128xi32, #tpu.memory_space<hbm>>
    %dma_wait3A_429 = arith.constant 0 : i32
    %dma_wait3A_430 = arith.constant 0 : i32
    %dma_wait3A_431 = tpu.memref_slice %arg6[%dma_wait3A_422, %dma_wait3A_429, %dma_wait3A_430] : memref<8x2x128xi32, #tpu.memory_space<vmem>> -> memref<1x2x128xi32, #tpu.memory_space<vmem>>
    %dma_wait3A_432 = tpu.memref_squeeze %dma_wait3A_431 : memref<1x2x128xi32, #tpu.memory_space<vmem>> -> memref<2x128xi32, #tpu.memory_space<vmem>>
    %dma_wait3A_433 = arith.constant 0 : i32
    %dma_wait3A_434 = tpu.memref_slice %arg3[%mul3A_421, %dma_wait3A_433] : memref<5120x128xi32, #tpu.memory_space<hbm>> -> memref<2x128xi32, #tpu.memory_space<hbm>>
    tpu.wait_dma2 semaphore(%arg17 : memref<!tpu.dma_semaphore, #tpu.memory_space<semaphore_mem>>) src(%dma_wait3A_434 : memref<2x128xi32, #tpu.memory_space<hbm>>) dst(%dma_wait3A_432 : memref<2x128xi32, #tpu.memory_space<vmem>>)
    %dma_start3A_435 = arith.constant 7 : i32
    %dma_start3A_436 = arith.constant 0 : i32
    %dma_start3A_437 = arith.constant 3 : i32
    %dma_start3A_438 = arith.constant 0 : i32
    %dma_start3A_439 = arith.constant 0 : i32
    %dma_start3A_440 = tpu.memref_slice %arg7[%dma_start3A_437, %dma_start3A_438, %dma_start3A_439] : memref<4x128x72xf32, #tpu.memory_space<vmem>> -> memref<1x128x72xf32, #tpu.memory_space<vmem>>
    %dma_start3A_441 = tpu.memref_squeeze %dma_start3A_440 : memref<1x128x72xf32, #tpu.memory_space<vmem>> -> memref<128x72xf32, #tpu.memory_space<vmem>>
    %dma_start3A_442 = arith.constant 0 : i32
    %dma_start3A_443 = tpu.memref_slice %arg6[%dma_start3A_435, %dma_start3A_436, %dma_start3A_442] : memref<8x2x128xi32, #tpu.memory_space<vmem>> -> memref<1x1x128xi32, #tpu.memory_space<vmem>>
    %dma_start3A_444 = tpu.memref_squeeze %dma_start3A_443 : memref<1x1x128xi32, #tpu.memory_space<vmem>> -> memref<128xi32, #tpu.memory_space<vmem>>
    %dma_start3A_445 = arith.constant 0 : i32
    %dma_start3A_446 = arith.constant 0 : i32
    %dma_start3A_447 = tpu.memref_slice %arg8[%dma_start3A_445, %dma_start3A_446] : memref<10112x72xf32, #tpu.memory_space<vmem_shared>> -> memref<10112x72xf32, #tpu.memory_space<vmem_shared>>
    tpu.enqueue_indirect_dma source(%dma_start3A_447 : memref<10112x72xf32, #tpu.memory_space<vmem_shared>>) target(%dma_start3A_441 : memref<128x72xf32, #tpu.memory_space<vmem>>) offsets(%dma_start3A_444 : memref<128xi32, #tpu.memory_space<vmem>>) semaphore(%arg21 : memref<!tpu.dma_semaphore, #tpu.memory_space<semaphore_mem>>)
    %dma_wait3A_448 = arith.constant 4 : i32
    %dma_wait3A_449 = arith.constant 0 : i32
    %dma_wait3A_450 = arith.constant 0 : i32
    %dma_wait3A_451 = arith.constant 0 : i32
    %dma_wait3A_452 = arith.constant 0 : i32
    %dma_wait3A_453 = tpu.memref_slice %arg7[%dma_wait3A_450, %dma_wait3A_451, %dma_wait3A_452] : memref<4x128x72xf32, #tpu.memory_space<vmem>> -> memref<1x128x72xf32, #tpu.memory_space<vmem>>
    %dma_wait3A_454 = tpu.memref_squeeze %dma_wait3A_453 : memref<1x128x72xf32, #tpu.memory_space<vmem>> -> memref<128x72xf32, #tpu.memory_space<vmem>>
    %dma_wait3A_455 = arith.constant 0 : i32
    %dma_wait3A_456 = tpu.memref_slice %arg6[%dma_wait3A_448, %dma_wait3A_449, %dma_wait3A_455] : memref<8x2x128xi32, #tpu.memory_space<vmem>> -> memref<1x1x128xi32, #tpu.memory_space<vmem>>
    %dma_wait3A_457 = tpu.memref_squeeze %dma_wait3A_456 : memref<1x1x128xi32, #tpu.memory_space<vmem>> -> memref<128xi32, #tpu.memory_space<vmem>>
    %dma_wait3A_458 = arith.constant 0 : i32
    %dma_wait3A_459 = arith.constant 0 : i32
    %dma_wait3A_460 = tpu.memref_slice %arg8[%dma_wait3A_458, %dma_wait3A_459] : memref<10112x72xf32, #tpu.memory_space<vmem_shared>> -> memref<10112x72xf32, #tpu.memory_space<vmem_shared>>
    tpu.wait_indirect_dma semaphore(%arg18 : memref<!tpu.dma_semaphore, #tpu.memory_space<semaphore_mem>>) src(%dma_wait3A_460 : memref<10112x72xf32, #tpu.memory_space<vmem_shared>>) dst(%dma_wait3A_454 : memref<128x72xf32, #tpu.memory_space<vmem>>)
    %run_scoped3A_461 = arith.constant 0 : i32
    %run_scoped3A_462 = arith.constant 4 : i32
    %run_scoped3A_463 = arith.constant 1 : i32
    "tpu.region"() ({
      %run_scoped3A_513 = tpu.sem_alloc : memref<!tpu.dma_semaphore, #tpu.memory_space<semaphore_mem>>
      %dma_start3A_514 = arith.constant 0 : i32
      %dma_start3A_515 = arith.constant 0 : i32
      %dma_start3A_516 = tpu.memref_slice %arg7[%run_scoped3A_461, %dma_start3A_514, %dma_start3A_515] : memref<4x128x72xf32, #tpu.memory_space<vmem>> -> memref<1x128x72xf32, #tpu.memory_space<vmem>>
      %dma_start3A_517 = tpu.memref_squeeze %dma_start3A_516 : memref<1x128x72xf32, #tpu.memory_space<vmem>> -> memref<128x72xf32, #tpu.memory_space<vmem>>
      %dma_start3A_518 = arith.constant 0 : i32
      %dma_start3A_519 = tpu.memref_slice %arg6[%run_scoped3A_462, %run_scoped3A_463, %dma_start3A_518] : memref<8x2x128xi32, #tpu.memory_space<vmem>> -> memref<1x1x128xi32, #tpu.memory_space<vmem>>
      %dma_start3A_520 = tpu.memref_squeeze %dma_start3A_519 : memref<1x1x128xi32, #tpu.memory_space<vmem>> -> memref<128xi32, #tpu.memory_space<vmem>>
      %dma_start3A_521 = arith.constant 0 : i32
      %dma_start3A_522 = arith.constant 0 : i32
      %dma_start3A_523 = tpu.memref_slice %arg9[%dma_start3A_521, %dma_start3A_522] : memref<10112x72xf32, #tpu.memory_space<vmem_shared>> -> memref<10112x72xf32, #tpu.memory_space<vmem_shared>>
      tpu.enqueue_indirect_dma source(%dma_start3A_517 : memref<128x72xf32, #tpu.memory_space<vmem>>) target(%dma_start3A_523 : memref<10112x72xf32, #tpu.memory_space<vmem_shared>>) offsets(%dma_start3A_520 : memref<128xi32, #tpu.memory_space<vmem>>) semaphore(%run_scoped3A_513 : memref<!tpu.dma_semaphore, #tpu.memory_space<semaphore_mem>>) {add = true}
      %dma_wait3A_524 = arith.constant 0 : i32
      %dma_wait3A_525 = arith.constant 0 : i32
      %dma_wait3A_526 = tpu.memref_slice %arg7[%run_scoped3A_461, %dma_wait3A_524, %dma_wait3A_525] : memref<4x128x72xf32, #tpu.memory_space<vmem>> -> memref<1x128x72xf32, #tpu.memory_space<vmem>>
      %dma_wait3A_527 = tpu.memref_squeeze %dma_wait3A_526 : memref<1x128x72xf32, #tpu.memory_space<vmem>> -> memref<128x72xf32, #tpu.memory_space<vmem>>
      %dma_wait3A_528 = arith.constant 0 : i32
      %dma_wait3A_529 = tpu.memref_slice %arg6[%run_scoped3A_462, %run_scoped3A_463, %dma_wait3A_528] : memref<8x2x128xi32, #tpu.memory_space<vmem>> -> memref<1x1x128xi32, #tpu.memory_space<vmem>>
      %dma_wait3A_530 = tpu.memref_squeeze %dma_wait3A_529 : memref<1x1x128xi32, #tpu.memory_space<vmem>> -> memref<128xi32, #tpu.memory_space<vmem>>
      %dma_wait3A_531 = arith.constant 0 : i32
      %dma_wait3A_532 = arith.constant 0 : i32
      %dma_wait3A_533 = tpu.memref_slice %arg9[%dma_wait3A_531, %dma_wait3A_532] : memref<10112x72xf32, #tpu.memory_space<vmem_shared>> -> memref<10112x72xf32, #tpu.memory_space<vmem_shared>>
      tpu.wait_indirect_dma semaphore(%run_scoped3A_513 : memref<!tpu.dma_semaphore, #tpu.memory_space<semaphore_mem>>) src(%dma_wait3A_527 : memref<128x72xf32, #tpu.memory_space<vmem>>) dst(%dma_wait3A_533 : memref<10112x72xf32, #tpu.memory_space<vmem_shared>>)
      tpu.yield
    }) : () -> ()
    %dma_wait3A_464 = arith.constant 5 : i32
    %dma_wait3A_465 = arith.constant 0 : i32
    %dma_wait3A_466 = arith.constant 1 : i32
    %dma_wait3A_467 = arith.constant 0 : i32
    %dma_wait3A_468 = arith.constant 0 : i32
    %dma_wait3A_469 = tpu.memref_slice %arg7[%dma_wait3A_466, %dma_wait3A_467, %dma_wait3A_468] : memref<4x128x72xf32, #tpu.memory_space<vmem>> -> memref<1x128x72xf32, #tpu.memory_space<vmem>>
    %dma_wait3A_470 = tpu.memref_squeeze %dma_wait3A_469 : memref<1x128x72xf32, #tpu.memory_space<vmem>> -> memref<128x72xf32, #tpu.memory_space<vmem>>
    %dma_wait3A_471 = arith.constant 0 : i32
    %dma_wait3A_472 = tpu.memref_slice %arg6[%dma_wait3A_464, %dma_wait3A_465, %dma_wait3A_471] : memref<8x2x128xi32, #tpu.memory_space<vmem>> -> memref<1x1x128xi32, #tpu.memory_space<vmem>>
    %dma_wait3A_473 = tpu.memref_squeeze %dma_wait3A_472 : memref<1x1x128xi32, #tpu.memory_space<vmem>> -> memref<128xi32, #tpu.memory_space<vmem>>
    %dma_wait3A_474 = arith.constant 0 : i32
    %dma_wait3A_475 = arith.constant 0 : i32
    %dma_wait3A_476 = tpu.memref_slice %arg8[%dma_wait3A_474, %dma_wait3A_475] : memref<10112x72xf32, #tpu.memory_space<vmem_shared>> -> memref<10112x72xf32, #tpu.memory_space<vmem_shared>>
    tpu.wait_indirect_dma semaphore(%arg19 : memref<!tpu.dma_semaphore, #tpu.memory_space<semaphore_mem>>) src(%dma_wait3A_476 : memref<10112x72xf32, #tpu.memory_space<vmem_shared>>) dst(%dma_wait3A_470 : memref<128x72xf32, #tpu.memory_space<vmem>>)
    %run_scoped3A_477 = arith.constant 1 : i32
    %run_scoped3A_478 = arith.constant 5 : i32
    %run_scoped3A_479 = arith.constant 1 : i32
    "tpu.region"() ({
      %run_scoped3A_513 = tpu.sem_alloc : memref<!tpu.dma_semaphore, #tpu.memory_space<semaphore_mem>>
      %dma_start3A_514 = arith.constant 0 : i32
      %dma_start3A_515 = arith.constant 0 : i32
      %dma_start3A_516 = tpu.memref_slice %arg7[%run_scoped3A_477, %dma_start3A_514, %dma_start3A_515] : memref<4x128x72xf32, #tpu.memory_space<vmem>> -> memref<1x128x72xf32, #tpu.memory_space<vmem>>
      %dma_start3A_517 = tpu.memref_squeeze %dma_start3A_516 : memref<1x128x72xf32, #tpu.memory_space<vmem>> -> memref<128x72xf32, #tpu.memory_space<vmem>>
      %dma_start3A_518 = arith.constant 0 : i32
      %dma_start3A_519 = tpu.memref_slice %arg6[%run_scoped3A_478, %run_scoped3A_479, %dma_start3A_518] : memref<8x2x128xi32, #tpu.memory_space<vmem>> -> memref<1x1x128xi32, #tpu.memory_space<vmem>>
      %dma_start3A_520 = tpu.memref_squeeze %dma_start3A_519 : memref<1x1x128xi32, #tpu.memory_space<vmem>> -> memref<128xi32, #tpu.memory_space<vmem>>
      %dma_start3A_521 = arith.constant 0 : i32
      %dma_start3A_522 = arith.constant 0 : i32
      %dma_start3A_523 = tpu.memref_slice %arg9[%dma_start3A_521, %dma_start3A_522] : memref<10112x72xf32, #tpu.memory_space<vmem_shared>> -> memref<10112x72xf32, #tpu.memory_space<vmem_shared>>
      tpu.enqueue_indirect_dma source(%dma_start3A_517 : memref<128x72xf32, #tpu.memory_space<vmem>>) target(%dma_start3A_523 : memref<10112x72xf32, #tpu.memory_space<vmem_shared>>) offsets(%dma_start3A_520 : memref<128xi32, #tpu.memory_space<vmem>>) semaphore(%run_scoped3A_513 : memref<!tpu.dma_semaphore, #tpu.memory_space<semaphore_mem>>) {add = true}
      %dma_wait3A_524 = arith.constant 0 : i32
      %dma_wait3A_525 = arith.constant 0 : i32
      %dma_wait3A_526 = tpu.memref_slice %arg7[%run_scoped3A_477, %dma_wait3A_524, %dma_wait3A_525] : memref<4x128x72xf32, #tpu.memory_space<vmem>> -> memref<1x128x72xf32, #tpu.memory_space<vmem>>
      %dma_wait3A_527 = tpu.memref_squeeze %dma_wait3A_526 : memref<1x128x72xf32, #tpu.memory_space<vmem>> -> memref<128x72xf32, #tpu.memory_space<vmem>>
      %dma_wait3A_528 = arith.constant 0 : i32
      %dma_wait3A_529 = tpu.memref_slice %arg6[%run_scoped3A_478, %run_scoped3A_479, %dma_wait3A_528] : memref<8x2x128xi32, #tpu.memory_space<vmem>> -> memref<1x1x128xi32, #tpu.memory_space<vmem>>
      %dma_wait3A_530 = tpu.memref_squeeze %dma_wait3A_529 : memref<1x1x128xi32, #tpu.memory_space<vmem>> -> memref<128xi32, #tpu.memory_space<vmem>>
      %dma_wait3A_531 = arith.constant 0 : i32
      %dma_wait3A_532 = arith.constant 0 : i32
      %dma_wait3A_533 = tpu.memref_slice %arg9[%dma_wait3A_531, %dma_wait3A_532] : memref<10112x72xf32, #tpu.memory_space<vmem_shared>> -> memref<10112x72xf32, #tpu.memory_space<vmem_shared>>
      tpu.wait_indirect_dma semaphore(%run_scoped3A_513 : memref<!tpu.dma_semaphore, #tpu.memory_space<semaphore_mem>>) src(%dma_wait3A_527 : memref<128x72xf32, #tpu.memory_space<vmem>>) dst(%dma_wait3A_533 : memref<10112x72xf32, #tpu.memory_space<vmem_shared>>)
      tpu.yield
    }) : () -> ()
    %dma_wait3A_480 = arith.constant 6 : i32
    %dma_wait3A_481 = arith.constant 0 : i32
    %dma_wait3A_482 = arith.constant 2 : i32
    %dma_wait3A_483 = arith.constant 0 : i32
    %dma_wait3A_484 = arith.constant 0 : i32
    %dma_wait3A_485 = tpu.memref_slice %arg7[%dma_wait3A_482, %dma_wait3A_483, %dma_wait3A_484] : memref<4x128x72xf32, #tpu.memory_space<vmem>> -> memref<1x128x72xf32, #tpu.memory_space<vmem>>
    %dma_wait3A_486 = tpu.memref_squeeze %dma_wait3A_485 : memref<1x128x72xf32, #tpu.memory_space<vmem>> -> memref<128x72xf32, #tpu.memory_space<vmem>>
    %dma_wait3A_487 = arith.constant 0 : i32
    %dma_wait3A_488 = tpu.memref_slice %arg6[%dma_wait3A_480, %dma_wait3A_481, %dma_wait3A_487] : memref<8x2x128xi32, #tpu.memory_space<vmem>> -> memref<1x1x128xi32, #tpu.memory_space<vmem>>
    %dma_wait3A_489 = tpu.memref_squeeze %dma_wait3A_488 : memref<1x1x128xi32, #tpu.memory_space<vmem>> -> memref<128xi32, #tpu.memory_space<vmem>>
    %dma_wait3A_490 = arith.constant 0 : i32
    %dma_wait3A_491 = arith.constant 0 : i32
    %dma_wait3A_492 = tpu.memref_slice %arg8[%dma_wait3A_490, %dma_wait3A_491] : memref<10112x72xf32, #tpu.memory_space<vmem_shared>> -> memref<10112x72xf32, #tpu.memory_space<vmem_shared>>
    tpu.wait_indirect_dma semaphore(%arg20 : memref<!tpu.dma_semaphore, #tpu.memory_space<semaphore_mem>>) src(%dma_wait3A_492 : memref<10112x72xf32, #tpu.memory_space<vmem_shared>>) dst(%dma_wait3A_486 : memref<128x72xf32, #tpu.memory_space<vmem>>)
    %run_scoped3A_493 = arith.constant 2 : i32
    %run_scoped3A_494 = arith.constant 6 : i32
    %run_scoped3A_495 = arith.constant 1 : i32
    "tpu.region"() ({
      %run_scoped3A_513 = tpu.sem_alloc : memref<!tpu.dma_semaphore, #tpu.memory_space<semaphore_mem>>
      %dma_start3A_514 = arith.constant 0 : i32
      %dma_start3A_515 = arith.constant 0 : i32
      %dma_start3A_516 = tpu.memref_slice %arg7[%run_scoped3A_493, %dma_start3A_514, %dma_start3A_515] : memref<4x128x72xf32, #tpu.memory_space<vmem>> -> memref<1x128x72xf32, #tpu.memory_space<vmem>>
      %dma_start3A_517 = tpu.memref_squeeze %dma_start3A_516 : memref<1x128x72xf32, #tpu.memory_space<vmem>> -> memref<128x72xf32, #tpu.memory_space<vmem>>
      %dma_start3A_518 = arith.constant 0 : i32
      %dma_start3A_519 = tpu.memref_slice %arg6[%run_scoped3A_494, %run_scoped3A_495, %dma_start3A_518] : memref<8x2x128xi32, #tpu.memory_space<vmem>> -> memref<1x1x128xi32, #tpu.memory_space<vmem>>
      %dma_start3A_520 = tpu.memref_squeeze %dma_start3A_519 : memref<1x1x128xi32, #tpu.memory_space<vmem>> -> memref<128xi32, #tpu.memory_space<vmem>>
      %dma_start3A_521 = arith.constant 0 : i32
      %dma_start3A_522 = arith.constant 0 : i32
      %dma_start3A_523 = tpu.memref_slice %arg9[%dma_start3A_521, %dma_start3A_522] : memref<10112x72xf32, #tpu.memory_space<vmem_shared>> -> memref<10112x72xf32, #tpu.memory_space<vmem_shared>>
      tpu.enqueue_indirect_dma source(%dma_start3A_517 : memref<128x72xf32, #tpu.memory_space<vmem>>) target(%dma_start3A_523 : memref<10112x72xf32, #tpu.memory_space<vmem_shared>>) offsets(%dma_start3A_520 : memref<128xi32, #tpu.memory_space<vmem>>) semaphore(%run_scoped3A_513 : memref<!tpu.dma_semaphore, #tpu.memory_space<semaphore_mem>>) {add = true}
      %dma_wait3A_524 = arith.constant 0 : i32
      %dma_wait3A_525 = arith.constant 0 : i32
      %dma_wait3A_526 = tpu.memref_slice %arg7[%run_scoped3A_493, %dma_wait3A_524, %dma_wait3A_525] : memref<4x128x72xf32, #tpu.memory_space<vmem>> -> memref<1x128x72xf32, #tpu.memory_space<vmem>>
      %dma_wait3A_527 = tpu.memref_squeeze %dma_wait3A_526 : memref<1x128x72xf32, #tpu.memory_space<vmem>> -> memref<128x72xf32, #tpu.memory_space<vmem>>
      %dma_wait3A_528 = arith.constant 0 : i32
      %dma_wait3A_529 = tpu.memref_slice %arg6[%run_scoped3A_494, %run_scoped3A_495, %dma_wait3A_528] : memref<8x2x128xi32, #tpu.memory_space<vmem>> -> memref<1x1x128xi32, #tpu.memory_space<vmem>>
      %dma_wait3A_530 = tpu.memref_squeeze %dma_wait3A_529 : memref<1x1x128xi32, #tpu.memory_space<vmem>> -> memref<128xi32, #tpu.memory_space<vmem>>
      %dma_wait3A_531 = arith.constant 0 : i32
      %dma_wait3A_532 = arith.constant 0 : i32
      %dma_wait3A_533 = tpu.memref_slice %arg9[%dma_wait3A_531, %dma_wait3A_532] : memref<10112x72xf32, #tpu.memory_space<vmem_shared>> -> memref<10112x72xf32, #tpu.memory_space<vmem_shared>>
      tpu.wait_indirect_dma semaphore(%run_scoped3A_513 : memref<!tpu.dma_semaphore, #tpu.memory_space<semaphore_mem>>) src(%dma_wait3A_527 : memref<128x72xf32, #tpu.memory_space<vmem>>) dst(%dma_wait3A_533 : memref<10112x72xf32, #tpu.memory_space<vmem_shared>>)
      tpu.yield
    }) : () -> ()
    %dma_wait3A_496 = arith.constant 7 : i32
    %dma_wait3A_497 = arith.constant 0 : i32
    %dma_wait3A_498 = arith.constant 3 : i32
    %dma_wait3A_499 = arith.constant 0 : i32
    %dma_wait3A_500 = arith.constant 0 : i32
    %dma_wait3A_501 = tpu.memref_slice %arg7[%dma_wait3A_498, %dma_wait3A_499, %dma_wait3A_500] : memref<4x128x72xf32, #tpu.memory_space<vmem>> -> memref<1x128x72xf32, #tpu.memory_space<vmem>>
    %dma_wait3A_502 = tpu.memref_squeeze %dma_wait3A_501 : memref<1x128x72xf32, #tpu.memory_space<vmem>> -> memref<128x72xf32, #tpu.memory_space<vmem>>
    %dma_wait3A_503 = arith.constant 0 : i32
    %dma_wait3A_504 = tpu.memref_slice %arg6[%dma_wait3A_496, %dma_wait3A_497, %dma_wait3A_503] : memref<8x2x128xi32, #tpu.memory_space<vmem>> -> memref<1x1x128xi32, #tpu.memory_space<vmem>>
    %dma_wait3A_505 = tpu.memref_squeeze %dma_wait3A_504 : memref<1x1x128xi32, #tpu.memory_space<vmem>> -> memref<128xi32, #tpu.memory_space<vmem>>
    %dma_wait3A_506 = arith.constant 0 : i32
    %dma_wait3A_507 = arith.constant 0 : i32
    %dma_wait3A_508 = tpu.memref_slice %arg8[%dma_wait3A_506, %dma_wait3A_507] : memref<10112x72xf32, #tpu.memory_space<vmem_shared>> -> memref<10112x72xf32, #tpu.memory_space<vmem_shared>>
    tpu.wait_indirect_dma semaphore(%arg21 : memref<!tpu.dma_semaphore, #tpu.memory_space<semaphore_mem>>) src(%dma_wait3A_508 : memref<10112x72xf32, #tpu.memory_space<vmem_shared>>) dst(%dma_wait3A_502 : memref<128x72xf32, #tpu.memory_space<vmem>>)
    %run_scoped3A_509 = arith.constant 3 : i32
    %run_scoped3A_510 = arith.constant 7 : i32
    %run_scoped3A_511 = arith.constant 1 : i32
    "tpu.region"() ({
      %run_scoped3A_513 = tpu.sem_alloc : memref<!tpu.dma_semaphore, #tpu.memory_space<semaphore_mem>>
      %dma_start3A_514 = arith.constant 0 : i32
      %dma_start3A_515 = arith.constant 0 : i32
      %dma_start3A_516 = tpu.memref_slice %arg7[%run_scoped3A_509, %dma_start3A_514, %dma_start3A_515] : memref<4x128x72xf32, #tpu.memory_space<vmem>> -> memref<1x128x72xf32, #tpu.memory_space<vmem>>
      %dma_start3A_517 = tpu.memref_squeeze %dma_start3A_516 : memref<1x128x72xf32, #tpu.memory_space<vmem>> -> memref<128x72xf32, #tpu.memory_space<vmem>>
      %dma_start3A_518 = arith.constant 0 : i32
      %dma_start3A_519 = tpu.memref_slice %arg6[%run_scoped3A_510, %run_scoped3A_511, %dma_start3A_518] : memref<8x2x128xi32, #tpu.memory_space<vmem>> -> memref<1x1x128xi32, #tpu.memory_space<vmem>>
      %dma_start3A_520 = tpu.memref_squeeze %dma_start3A_519 : memref<1x1x128xi32, #tpu.memory_space<vmem>> -> memref<128xi32, #tpu.memory_space<vmem>>
      %dma_start3A_521 = arith.constant 0 : i32
      %dma_start3A_522 = arith.constant 0 : i32
      %dma_start3A_523 = tpu.memref_slice %arg9[%dma_start3A_521, %dma_start3A_522] : memref<10112x72xf32, #tpu.memory_space<vmem_shared>> -> memref<10112x72xf32, #tpu.memory_space<vmem_shared>>
      tpu.enqueue_indirect_dma source(%dma_start3A_517 : memref<128x72xf32, #tpu.memory_space<vmem>>) target(%dma_start3A_523 : memref<10112x72xf32, #tpu.memory_space<vmem_shared>>) offsets(%dma_start3A_520 : memref<128xi32, #tpu.memory_space<vmem>>) semaphore(%run_scoped3A_513 : memref<!tpu.dma_semaphore, #tpu.memory_space<semaphore_mem>>) {add = true}
      %dma_wait3A_524 = arith.constant 0 : i32
      %dma_wait3A_525 = arith.constant 0 : i32
      %dma_wait3A_526 = tpu.memref_slice %arg7[%run_scoped3A_509, %dma_wait3A_524, %dma_wait3A_525] : memref<4x128x72xf32, #tpu.memory_space<vmem>> -> memref<1x128x72xf32, #tpu.memory_space<vmem>>
      %dma_wait3A_527 = tpu.memref_squeeze %dma_wait3A_526 : memref<1x128x72xf32, #tpu.memory_space<vmem>> -> memref<128x72xf32, #tpu.memory_space<vmem>>
      %dma_wait3A_528 = arith.constant 0 : i32
      %dma_wait3A_529 = tpu.memref_slice %arg6[%run_scoped3A_510, %run_scoped3A_511, %dma_wait3A_528] : memref<8x2x128xi32, #tpu.memory_space<vmem>> -> memref<1x1x128xi32, #tpu.memory_space<vmem>>
      %dma_wait3A_530 = tpu.memref_squeeze %dma_wait3A_529 : memref<1x1x128xi32, #tpu.memory_space<vmem>> -> memref<128xi32, #tpu.memory_space<vmem>>
      %dma_wait3A_531 = arith.constant 0 : i32
      %dma_wait3A_532 = arith.constant 0 : i32
      %dma_wait3A_533 = tpu.memref_slice %arg9[%dma_wait3A_531, %dma_wait3A_532] : memref<10112x72xf32, #tpu.memory_space<vmem_shared>> -> memref<10112x72xf32, #tpu.memory_space<vmem_shared>>
      tpu.wait_indirect_dma semaphore(%run_scoped3A_513 : memref<!tpu.dma_semaphore, #tpu.memory_space<semaphore_mem>>) src(%dma_wait3A_527 : memref<128x72xf32, #tpu.memory_space<vmem>>) dst(%dma_wait3A_533 : memref<10112x72xf32, #tpu.memory_space<vmem_shared>>)
      tpu.yield
    }) : () -> ()
    %barrier3A_512 = arith.constant 0 : index
    tpu.barrier barrier_id(%barrier3A_512)
    "tpu.region"() ({
      %run_scoped3A_513 = tpu.sem_alloc : memref<!tpu.dma_semaphore, #tpu.memory_space<semaphore_mem>>
      %dma_start3A_514 = arith.constant 0 : i32
      %dma_start3A_515 = tpu.memref_slice %arg5[%add3A, %dma_start3A_514] : memref<20224x128xf32, #tpu.memory_space<hbm>> -> memref<632x72xf32, #tpu.memory_space<hbm>>
      %dma_start3A_516 = arith.constant 0 : i32
      %dma_start3A_517 = tpu.memref_slice %arg9[%mul3A_2, %dma_start3A_516] : memref<10112x72xf32, #tpu.memory_space<vmem_shared>> -> memref<632x72xf32, #tpu.memory_space<vmem_shared>>
      tpu.enqueue_dma source(%dma_start3A_517 : memref<632x72xf32, #tpu.memory_space<vmem_shared>>) target(%dma_start3A_515 : memref<632x72xf32, #tpu.memory_space<hbm>>) target_semaphore(%run_scoped3A_513 : memref<!tpu.dma_semaphore, #tpu.memory_space<semaphore_mem>>)
      %dma_wait3A_518 = arith.constant 0 : i32
      %dma_wait3A_519 = tpu.memref_slice %arg5[%add3A, %dma_wait3A_518] : memref<20224x128xf32, #tpu.memory_space<hbm>> -> memref<632x72xf32, #tpu.memory_space<hbm>>
      %dma_wait3A_520 = arith.constant 0 : i32
      %dma_wait3A_521 = tpu.memref_slice %arg9[%mul3A_2, %dma_wait3A_520] : memref<10112x72xf32, #tpu.memory_space<vmem_shared>> -> memref<632x72xf32, #tpu.memory_space<vmem_shared>>
      tpu.wait_dma2 semaphore(%run_scoped3A_513 : memref<!tpu.dma_semaphore, #tpu.memory_space<semaphore_mem>>) src(%dma_wait3A_521 : memref<632x72xf32, #tpu.memory_space<vmem_shared>>) dst(%dma_wait3A_519 : memref<632x72xf32, #tpu.memory_space<hbm>>)
      tpu.yield
    }) : () -> ()
    return
  }
}

module attributes {stable_mosaic.version = 14 : i64} {
  func.func @body(%arg0: i32, %arg1: memref<1000x128xf32, #tpu.memory_space<vmem>>, %arg2: memref<1000x128xf32, #tpu.memory_space<vmem>>, %arg3: memref<1000x128xf32, #tpu.memory_space<vmem>>, %arg4: memref<256x128xf32, #tpu.memory_space<vmem>>, %arg5: memref<1x128xf32, #tpu.memory_space<vmem>>, %arg6: memref<1000x128xf32, #tpu.memory_space<vmem>>) attributes {dimension_semantics = [#tpu.dimension_semantics<arbitrary>], iteration_bounds = array<i64: 10>, scalar_prefetch = 0 : i64, scratch_operands = 0 : i64, tpu.core_type = #tpu.core_type<tc>, window_params = [{transform_indices = @transform_0, window_bounds = array<i64: 1000, 128>}, {transform_indices = @transform_1, window_bounds = array<i64: 1000, 128>}, {transform_indices = @transform_2, window_bounds = array<i64: 1000, 128>}, {pipeline_mode = #tpu.pipeline_mode<synchronous>, transform_indices = @transform_3, window_bounds = array<i64: 256, 128>}, {pipeline_mode = #tpu.pipeline_mode<synchronous>, transform_indices = @transform_4, window_bounds = array<i64: 1, 128>}, {transform_indices = @transform_5, window_bounds = array<i64: 1000, 128>}]} {
    %get3A = arith.constant 0 : index
    %get3A_0 = arith.constant 64 : index
    %get3A_1 = vector.load %arg2[%get3A, %get3A_0] : memref<1000x128xf32, #tpu.memory_space<vmem>>, vector<1000x1xf32>
    %get3A_2 = arith.constant 0 : index
    %get3A_3 = arith.constant 0 : index
    %get3A_4 = vector.load %arg1[%get3A_2, %get3A_3] : memref<1000x128xf32, #tpu.memory_space<vmem>>, vector<1000x128xf32>
    %get3A_5 = arith.constant 0 : index
    %get3A_6 = arith.constant 0 : index
    %get3A_7 = vector.load %arg4[%get3A_5, %get3A_6] : memref<256x128xf32, #tpu.memory_space<vmem>>, vector<128x128xf32>
    %dot_general3A = arith.constant dense<0.000000e+00> : vector<1000x128xf32>
    %dot_general3A_8 = tpu.matmul %get3A_4, %get3A_7, %dot_general3A {dimension_numbers = #tpu.dot_dimension_numbers<[1], [0], [0], [1], [0, 0, 1, 1], [], []>, transpose_lhs_hint = false} : vector<1000x128xf32>, vector<128x128xf32>, vector<1000x128xf32> -> vector<1000x128xf32>
    %get3A_9 = arith.constant 0 : index
    %get3A_10 = arith.constant 0 : index
    %get3A_11 = vector.load %arg2[%get3A_9, %get3A_10] : memref<1000x128xf32, #tpu.memory_space<vmem>>, vector<1000x64xf32>
    %get3A_12 = arith.constant 128 : index
    %get3A_13 = arith.constant 0 : index
    %get3A_14 = vector.load %arg4[%get3A_12, %get3A_13] : memref<256x128xf32, #tpu.memory_space<vmem>>, vector<64x128xf32>
    %dot_general3A_15 = arith.constant dense<0.000000e+00> : vector<1000x128xf32>
    %dot_general3A_16 = tpu.matmul %get3A_11, %get3A_14, %dot_general3A_15 {dimension_numbers = #tpu.dot_dimension_numbers<[1], [0], [0], [1], [0, 0, 1, 1], [], []>, transpose_lhs_hint = false} : vector<1000x64xf32>, vector<64x128xf32>, vector<1000x128xf32> -> vector<1000x128xf32>
    %get3A_17 = arith.constant 0 : index
    %get3A_18 = arith.constant 0 : index
    %get3A_19 = vector.load %arg3[%get3A_17, %get3A_18] : memref<1000x128xf32, #tpu.memory_space<vmem>>, vector<1000x64xf32>
    %get3A_20 = arith.constant 192 : index
    %get3A_21 = arith.constant 0 : index
    %get3A_22 = vector.load %arg4[%get3A_20, %get3A_21] : memref<256x128xf32, #tpu.memory_space<vmem>>, vector<64x128xf32>
    %dot_general3A_23 = arith.constant dense<0.000000e+00> : vector<1000x128xf32>
    %dot_general3A_24 = tpu.matmul %get3A_19, %get3A_22, %dot_general3A_23 {dimension_numbers = #tpu.dot_dimension_numbers<[1], [0], [0], [1], [0, 0, 1, 1], [], []>, transpose_lhs_hint = false} : vector<1000x64xf32>, vector<64x128xf32>, vector<1000x128xf32> -> vector<1000x128xf32>
    %add3A = arith.addf %dot_general3A_16, %dot_general3A_24 : vector<1000x128xf32>
    %get3A_25 = arith.constant 0 : index
    %get3A_26 = arith.constant 0 : index
    %get3A_27 = vector.load %arg5[%get3A_25, %get3A_26] : memref<1x128xf32, #tpu.memory_space<vmem>>, vector<1x128xf32>
    %add3A_28 = vector.broadcast %get3A_27 : vector<1x128xf32> to vector<1000x128xf32>
    %add3A_29 = arith.addf %dot_general3A_8, %add3A_28 : vector<1000x128xf32>
    %mul3A = vector.broadcast %get3A_1 : vector<1000x1xf32> to vector<1000x128xf32>
    %mul3A_30 = arith.mulf %mul3A, %add3A_29 : vector<1000x128xf32>
    %add3A_31 = arith.addf %mul3A_30, %add3A : vector<1000x128xf32>
    %swap3A = arith.constant 0 : index
    %swap3A_32 = arith.constant 0 : index
    %swap3A_33 = vector.load %arg6[%swap3A, %swap3A_32] : memref<1000x128xf32, #tpu.memory_space<vmem>>, vector<1000x128xf32>
    tpu.vector_store %arg6[%swap3A, %swap3A_32], %add3A_31 {strides = array<i32>} : memref<1000x128xf32, #tpu.memory_space<vmem>>, vector<1000x128xf32>,
    return
  }
  func.func @transform_0(%arg0: i32) -> (i32, i32) {
    %c0_i32 = arith.constant 0 : i32
    %c0_i32_0 = arith.constant 0 : i32
    return %arg0, %c0_i32 : i32, i32
  }
  func.func @transform_1(%arg0: i32) -> (i32, i32) {
    %c0_i32 = arith.constant 0 : i32
    %c0_i32_0 = arith.constant 0 : i32
    return %arg0, %c0_i32 : i32, i32
  }
  func.func @transform_2(%arg0: i32) -> (i32, i32) {
    %c0_i32 = arith.constant 0 : i32
    %c0_i32_0 = arith.constant 0 : i32
    return %arg0, %c0_i32 : i32, i32
  }
  func.func @transform_3(%arg0: i32) -> (i32, i32) {
    %c0_i32 = arith.constant 0 : i32
    %c0_i32_0 = arith.constant 0 : i32
    %c0_i32_1 = arith.constant 0 : i32
    return %c0_i32, %c0_i32_0 : i32, i32
  }
  func.func @transform_4(%arg0: i32) -> (i32, i32) {
    %c0_i32 = arith.constant 0 : i32
    %c0_i32_0 = arith.constant 0 : i32
    %c0_i32_1 = arith.constant 0 : i32
    return %c0_i32, %c0_i32_0 : i32, i32
  }
  func.func @transform_5(%arg0: i32) -> (i32, i32) {
    %c0_i32 = arith.constant 0 : i32
    %c0_i32_0 = arith.constant 0 : i32
    return %arg0, %c0_i32 : i32, i32
  }
}

</mosaic_0001>

<sc_bundles>
// kernel: kernel.4.cloned.1.call-start
scs
__scs_entry_jumppad:
0x0: {  	(pc) =	sbr.rel $0x88, $3  }
0x1: {  	(tag) =	ssettag $0x0;
	lr =	simm.s32 $0x1  }
0x2: {  	[smem:$0x3F9D] =	sst lr;
	_ =	strace $0xD0000000  }
0x3: {  	_ = 	snop  }
0x4: {  	_ = 	snop  }
0x5: {  	_ = 	snop  }
0x6: {  	_ = 	snop  }
0x7: {  	_ = 	snop  }
__scs_overlays_trampoline_lowered:
0x8: {  	[smem:$0x3FAC] =	sst s0  }
0x9: {  	[smem:$0x3FAD] =	sst s1  }
0xa: {  	[smem:$0x3FAE] =	sst s2  }
0xb: {  	[smem:$0x3FAF] =	sst s3  }
0xc: {  	[smem:$0x3FB0] =	sst s4  }
0xd: {  	[smem:$0x3FB1] =	sst s5  }
0xe: {  	[smem:$0x3FB2] =	sst s6  }
0xf: {  	[smem:$0x3FB3] =	sst s7  }
0x10: {  	[smem:$0x3FB4] =	sst s8  }
0x11: {  	[smem:$0x3FB5] =	sst s9;
	s0 =	simm.s32 @!p0 $0x0  }
0x12: {  	s1 =	sld [smem:$0x3F9B];
	s0 =	simm.s32 @p0 $0x1  }
0x13: {  	[smem:$0x3FB6] =	sst s0;
	s0 =	simm.s32 @!p1 $0x0  }
0x14: {  	s2 =	sld [smem:$0x3F9A];
	s0 =	simm.s32 @p1 $0x1  }
0x15: {  	[smem:$0x3FB7] =	sst s0;
	s0 =	simm.s32 @!p2 $0x0  }
0x16: {  	s3 =	sld [smem:$0x3FDB];
	s0 =	simm.s32 @p2 $0x1  }
0x17: {  	s4 =	simm.s32 $0x1BF5;
	[smem:$0x3FB9] =	sst s0  }
0x18: {  	s0 =	sld [smem:$0x3F9C];
	_ =	swait.ge [sflag:s4], $0x0  }
0x19: {  	s7 =	sld [smem:$0x3F9D]  }
0x1a: {  	s8 =	sadd.s32 $0xFFFFE003, lr  }
0x1b: {  	s9 =	sadd.s32 $0xFFFFFEF7, lr;
	s5 =	simm.s32 $0xFFFFFFFF;
	p2 =	slt.u32 s8, $0xFFFFF086  }
0x1c: {  	p1 =	slt.u32 s9, $0xF7A;
	s5 =	simm.s32 @!p2 $0x0  }
0x1d: {  	s5 =	simm.s32 @p1 $0x1;
	p0 =	seq.s32 s7, s2  }
0x1e: {  	s7 =	smul.u32 @!p0 $0xF7A, s2;
	p2 =	seq.s32 @!p0 s5, $0x0  }
0x1f: {  	s9 =	smul.u32 $0xF7A, s1;
	s8 =	simm.s32 @!p0 $0x1BF5;
	p2 =	por !p2, p0  }
0x20: {  	[sflag:s8] =	ssyncset.s32 @!p0 $0xFFFFF086;
	s6 =	sadd.s32 @!p0 s3, s7;
	s7 =	simm.s32 @!p0 $0x108  }
0x21: {  	s3 =	sadd.s32 s3, s9;
	s6 =	sadd.s32 @!p0 $0x88, s6;
	s7 =	simm.s32 @p2 $0x1082  }
0x22: {  	[simem:s7], [sflag:s8] =	dma.local @!p0 [hbm:s6], $0xF7A  }
0x23: {  	s9 =	sor.u32 $0xD0000000, s2;
	s6 =	simm.s32 $0x108;
	_ =	swait.ge @!p0 [sflag:s8], $0x0  }
0x24: {  	s3 =	sadd.s32 $0x88, s3;
	s6 =	simm.s32 @!p1 $0x1082;
	[sflag:s4] =	ssyncset.s32 $0xFFFFF086  }
0x25: {  	[simem:s6], [sflag:s4] =	dma.local [hbm:s3], $0xF7A  }
0x26: {  	[smem:$0x3F9D] =	sst s1;
	(tag) =	ssettag s2;
	_ =	strace s9  }
0x27: {  	s1 =	sld [smem:$0x3FAD]  }
0x28: {  	s2 =	sld [smem:$0x3FAE]  }
0x29: {  	s4 =	sld [smem:$0x3FB0]  }
0x2a: {  	p0 =	seq.s32 s5, $0x0;
	s5 =	sld [smem:$0x3FB1]  }
0x2b: {  	s6 =	sld [smem:$0x3FB2]  }
0x2c: {  	s7 =	sld [smem:$0x3FB3]  }
0x2d: {  	s3 =	simm.s32 $0x108;
	s8 =	sld [smem:$0x3FB4]  }
0x2e: {  	s3 =	simm.s32 @!p0 $0x1082;
	s9 =	sld [smem:$0x3FB5]  }
0x2f: {  	lr =	sadd.s32 s0, s3;
	s0 =	sld [smem:$0x3FAC]  }
0x30: {  	s3 =	sld [smem:$0x3FAF]  }
0x31: {  	[smem:$0x3FB8] =	sst s10  }
0x32: {  	s10 =	sld [smem:$0x3FB6];
	_ =	sdelay $0x3  }
0x33: {  	p0 =	seq.s32 s10, $0x1;
	s10 =	sld [smem:$0x3FB8];
	_ =	sdelay $0x3  }
0x34: {  	[smem:$0x3FB8] =	sst s10  }
0x35: {  	s10 =	sld [smem:$0x3FB7];
	_ =	sdelay $0x3  }
0x36: {  	p1 =	seq.s32 s10, $0x1;
	s10 =	sld [smem:$0x3FB8];
	_ =	sdelay $0x3  }
0x37: {  	[smem:$0x3FB8] =	sst s10  }
0x38: {  	s10 =	sld [smem:$0x3FB9]  }
0x39: {  	_ = 	snop;
	(pc) =	sbr.ind lr, $3  }
0x3a: {  	_ = 	snop  }
0x3b: {  	_ = 	snop  }
0x3c: {  	p2 =	seq.s32 s10, $0x1;
	s10 =	sld [smem:$0x3FB8]  }
0x3d: {  	_ =	shalt  }
0x3e: {  	_ =	shalt  }
0x3f: {  	_ =	shalt  }
0x40: {  	_ =	shalt  }
0x41: {  	_ =	shalt  }
0x42: {  	_ =	shalt  }
0x43: {  	_ =	shalt  }
0x44: {  	_ =	shalt  }
0x45: {  	_ =	shalt  }
0x46: {  	_ =	shalt  }
0x47: {  	_ =	shalt  }
0x48: {  	_ =	shalt  }
0x49: {  	_ =	shalt  }
0x4a: {  	_ =	shalt  }
0x4b: {  	_ =	shalt  }
0x4c: {  	_ =	shalt  }
0x4d: {  	_ =	shalt  }
0x4e: {  	_ =	shalt  }
0x4f: {  	_ =	shalt  }
0x50: {  	_ =	shalt  }
0x51: {  	_ =	shalt  }
0x52: {  	_ =	shalt  }
0x53: {  	_ =	shalt  }
0x54: {  	_ =	shalt  }
0x55: {  	_ =	shalt  }
0x56: {  	_ =	shalt  }
0x57: {  	_ =	shalt  }
0x58: {  	_ =	shalt  }
0x59: {  	_ =	shalt  }
0x5a: {  	_ =	shalt  }
0x5b: {  	_ =	shalt  }
0x5c: {  	_ =	shalt  }
0x5d: {  	_ =	shalt  }
0x5e: {  	_ =	shalt  }
0x5f: {  	_ =	shalt  }
0x60: {  	_ =	shalt  }
0x61: {  	_ =	shalt  }
0x62: {  	_ =	shalt  }
0x63: {  	_ =	shalt  }
0x64: {  	_ =	shalt  }
0x65: {  	_ =	shalt  }
0x66: {  	_ =	shalt  }
0x67: {  	_ =	shalt  }
0x68: {  	_ =	shalt  }
0x69: {  	_ =	shalt  }
0x6a: {  	_ =	shalt  }
0x6b: {  	_ =	shalt  }
0x6c: {  	_ =	shalt  }
0x6d: {  	_ =	shalt  }
0x6e: {  	_ =	shalt  }
0x6f: {  	_ =	shalt  }
0x70: {  	_ =	shalt  }
0x71: {  	_ =	shalt  }
0x72: {  	_ =	shalt  }
0x73: {  	_ =	shalt  }
0x74: {  	_ =	shalt  }
0x75: {  	_ =	shalt  }
0x76: {  	_ =	shalt  }
0x77: {  	_ =	shalt  }
0x78: {  	_ =	shalt  }
0x79: {  	_ =	shalt  }
0x7a: {  	_ =	shalt  }
0x7b: {  	_ =	shalt  }
0x7c: {  	_ =	shalt  }
0x7d: {  	_ =	shalt  }
0x7e: {  	_ =	shalt  }
0x7f: {  	_ =	shalt  }
0x80: {  	_ =	shalt  }
0x81: {  	_ =	shalt  }
0x82: {  	_ =	shalt  }
0x83: {  	_ =	shalt  }
0x84: {  	_ =	shalt  }
0x85: {  	_ =	shalt  }
0x86: {  	_ =	shalt  }
0x87: {  	_ =	shalt  }
.Lfunc_end0:
.L_simem_size_0:
called_computation_lowered:
.L_overlay_start_0:
0x88: {  	s2 =	sld [smem:$0x3FD9]  }
0x89: {  	s3 =	sld [smem:$0x3FFE];
	_ =	sdelay $0x1  }
0x8a: {  	s1 =	srdreg.scid  }
0x8b: {  	s0 =	sand.u32 $0x1, s1  }
0x8c: {  	s17 =	sshll.u32 s0, $0xA;
	s2 =	sadd.s32 s3, s2  }
0x8d: {  	s2 =	sadd.s32 s2, s17  }
0x8e: {  	[smem:$0x3FC4] =	sst s2  }
0x8f: {  	_ = 	snop  }
0x90: {  	s2 =	sld [smem:$0x3FD0];
	(tm) =	ssettm $0x1  }
0x91: {  	s18 =	sld [smem:$0x3FFB];
	_ =	sdelay $0x3  }
0x92: {  	_ =	strace s18  }
0x93: {  	s3 =	sld [smem:$0x3FFC];
	_ =	sdelay $0x3  }
0x94: {  	_ =	strace s3  }
0x95: {  	s3 =	sld [smem:$0x3FFD];
	_ =	sdelay $0x3  }
0x96: {  	_ =	strace s3  }
0x97: {  	_ =	strace $0x8FFFFFFF  }
0x98: {  	s19 =	sld [smem:$0x3FDB];
	_ =	sdelay $0x1  }
0x99: {  	s4 =	simm.s32 $_scs_section_size  }
0x9a: {  	s5 =	simm.s32 $_size__tile_overlayer_lowered;
	s6 =	simm.s32 $_tile_overlayer_lowered  }
0x9b: {  	s22 =	simm.s32 $0x1BFF;
	s21 =	sshll.u32 s6, $0x1;
	s3 =	sadd.s32 s4, s19  }
0x9c: {  	s7 =	simm.s32 $0x0;
	s20 =	sshll.u32 s5, $0x1;
	s5 =	sadd.s32 s21, s3  }
0x9d: {  	[timem:s7], [sflag:s22] =	dma.local [hbm:s5], s20  }
0x9e: {  	_ =	swait.ge [sflag:s22], s20  }
0x9f: {  	s4 =	ssub.s32 $0x0, s20;
	[sflag:s22] =	ssyncset.done $0x0  }
0xa0: {  	[sflag:s22] =	ssyncadd.s32 s4;
	_ =	sdelay $0x1  }
0xa1: {  	s23 =	simm.s32 $0x1B8B  }
0xa2: {  	_ =	swait.ge [sflag:s23], $0x1  }
0xa3: {  	[sflag:s23] =	ssyncset.done $0x0  }
0xa4: {  	s25 =	simm.s32 $0x1B8E;
	s24 =	sld [smem:$0x3FFE];
	[sflag:s23] =	ssyncadd.s32 $0xFFFFFFFF  }
0xa5: {  	s26 =	simm.s32 $execute0_lowered;
	[smem:$0x3FD2] =	sst s25  }
0xa6: {  	s5 =	sshll.u32 s26, $0x1;
	_ =	strace $0x80000046;
	[dreg:$0x1] =	wrdreg $0xFFFFFFFF  }
0xa7: {  	s28 =	simm.s32 $_size_execute0_lowered;
	s3 =	sadd.s32 s3, s5;
	[dreg:$0x0] =	wrdreg $0x0  }
0xa8: {  	s5 =	sshll.u32 s28, $0x1;
	[dreg:$0x2] =	wrdreg s3  }
0xa9: {  	[dreg:$0x3] =	wrdreg s5  }
0xaa: {  	[dreg:$0x4] =	wrdreg $0xC0  }
0xab: {  	_ =	task [dreg:s7], $0x5FFFF  }
0xac: {  	[dreg:$0x1] =	wrdreg $0xFFFFFFFF  }
0xad: {  	[dreg:$0x0] =	wrdreg $0x60  }
0xae: {  	[dreg:$0x2] =	wrdreg s24  }
0xaf: {  	[dreg:$0x3] =	wrdreg s2  }
0xb0: {  	[dreg:$0x4] =	wrdreg $0x98000  }
0xb1: {  	[dreg:$0x5] =	wrdreg $0x149C00  }
0xb2: {  	[dreg:$0x6] =	wrdreg $0x9  }
0xb3: {  	_ =	task.clear_ibuf [dreg:s7], $0x7FFFF;
	_ =	strace $0x90000046  }
0xb4: {  	s29 =	simm.s32 $0x9;
	_ =	strace $0x80000048  }
0xb5: {  	_ =	swait.ge [sflag:s29], $0x1  }
0xb6: {  	[sflag:s29] =	ssyncadd.s32 $0xFFFFFFFF  }
0xb7: {  	_ =	strace $0x90000048  }
0xb8: {  	_ =	sfence  }
0xb9: {  	s30 =	sld [smem:$0x0];
	_ =	sdelay $0x2  }
0xba: {  	s31 =	sshll.u32 s1, $0xD;
	s1 =	sshrl.u32 s1, $0x2  }
0xbb: {  	s3 =	sand.u32 $0x4000, s31;
	s1 =	sadd.s32 s1, s30  }
0xbc: {  	s0 =	sor.u32 s3, s0;
	s1 =	sshll.u32 s1, $0x11  }
0xbd: {  	s0 =	sor.u32 s1, s0  }
0xbe: {  	s0 =	sadd.s32 $0x8F2B, s0  }
0xbf: {  	[sflag:s0] =	ssyncadd.remote.s32 $0x1  }
0xc0: {  	_ =	sfence.sel $0xFFFF  }
0xc1: {  	[dreg:$0x0] =	wrdreg $0xFFFFFFFF;
	(pc) =	sbr.abs _section_cstart, $3  }
0xc2: {  	[dreg:$0x1] =	wrdreg $0xFFFFFFFF  }
0xc3: {  	_ =	task.clear_ibuf [dreg:s7], $0x2FFFF;
	_ =	strace $0x9FFFFFFF  }
0xc4: {  	(tm) =	ssettm $0x7FFFFFFF  }
0xc5: {  	_ =	shalt  }
tec
execute0_lowered:
.L_overlay_start_1:
0x0: {  	(tag) =	ssettag $0x1  }
0x1: {  	s0 =	rddreg [dreg:$0x0]  }
0x2: {  	s1 =	rddreg [dreg:$0x1]  }
0x3: {  	s2 =	rddreg [dreg:$0x2]  }
0x4: {  	s4 =	srdreg.scid;
	s9 =	stileid.u32  }
0x5: {  	s3 =	rddreg [dreg:$0x3];
	s22 =	simm.s32 $0xD;
	s7 =	smul.u32 $0x278, s9  }
0x6: {  	s12 =	simm.s32 $0x7400;
	s14 =	simm.s32 $0xA;
	s8 =	smul.u32 $0x2780, s9  }
0x7: {  	s16 =	simm.s32 $0x6;
	s5 =	sand.u32 $0x1, s4;
	s19 =	smul.u32 $0xB1C0, s9  }
0x8: {  	s4 =	simm.s32 $0x0;
	s20 =	sshll.u32 s9, $0x6;
	s9 =	smul.u32 $0x1400, s9  }
0x9: {  	s15 =	simm.s32 $0x8;
	s6 =	smul.u32 $0x2780, s5;
	[smem:$0x7FF] =	sst s4  }
0xa: {  	s5 =	ssub.s32 $0x2, s5;
	s13 =	sor.u32 $0x1C0D, s20;
	s20 =	simm.s32 $0x9  }
0xb: {  	_ =	strace $0x80000047;
	s17 =	sadd.s32 s8, s0;
	s8 =	sadd.s32 s1, s9  }
0xc: {  	[dreg:$0x6] =	wrdreg s13;
	s6 =	sadd.s32 s7, s6;
	s7 =	sadd.s32 $0x4FE00, s17  }
0xd: {  	s18 =	sshrl.u32 s5, $0x1;
	s1 =	sadd.s32 $0x20, s8;
	[dreg:$0x7] =	wrdreg s7  }
0xe: {  	s10 =	sadd.s32 s19, s2;
	s23 =	sadd.s32 $0x40, s8;
	[dreg:$0x8] =	wrdreg s1  }
0xf: {  	s21 =	sadd.s32 s19, s3;
	s24 =	sadd.s32 $0x60, s8;
	[dreg:$0x9] =	wrdreg s23  }
0x10: {  	s9 =	simm.s32 $0x2;
	s25 =	sadd.s32 $0x80, s8;
	[dreg:$0xa] =	wrdreg s24  }
0x11: {  	s5 =	ssub.s32 s5, s18;
	s26 =	sadd.s32 $0xA0, s8;
	[dreg:$0xb] =	wrdreg s25  }
0x12: {  	s28 =	sadd.s32 $0xC0, s8;
	s29 =	sadd.s32 $0xE0, s8;
	[dreg:$0xc] =	wrdreg s26  }
0x13: {  	s31 =	sshrl.u32 s10, $0x3;
	s10 =	simm.s32 $0x5000;
	[dreg:$0xd] =	wrdreg s28  }
0x14: {  	s17 =	simm.s32 $0xB;
	s18 =	simm.s32 $0x0;
	[dreg:$0xe] =	wrdreg s29  }
0x15: {  	s6 =	sshll.u32 s6, $0x4;
	s30 =	smax.u32 s5, $0x1;
	[dreg:$0x11] =	wrdreg s31  }
0x16: {  	s24 =	sshrl.u32 s21, $0x3;
	s1 =	simm.s32 $0x800;
	s7 =	simm.s32 $0x2C00  }
0x17: {  	s26 =	simm.s32 $0x4;
	s0 =	sadd.s32 s6, s0;
	[dreg:$0x10] =	wrdreg s30  }
0x18: {  	s21 =	simm.s32 $0x7;
	[dreg:$0x12] =	wrdreg s24;
	s11 =	sadd.s32 $0xE00, s0  }
0x19: {  	s23 =	simm.s32 $0xC;
	s0 =	sadd.s32 $0x77600, s0;
	[dreg:$0x5] =	wrdreg s11  }
0x1a: {  	[dreg:$0xf] =	wrdreg s0;
	s0 =	simm.s32 $0x80;
	s11 =	simm.s32 $0x3  }
.LBB2_1:
0x1b: {  	[dreg:$0x13] =	wrdreg s18  }
0x1c: {  	s6 =	rddreg [dreg:$0x5]  }
0x1d: {  	s19 =	simm.s32 $0x10;
	s30 =	rddreg [dreg:$0x11];
	s5 =	simm.s32 $0x1  }
0x1e: {  	[spmem:s30@s20], [sflag:s13] =	dma.strided [hbm:s6@s19], $0x1638, s5, $0x9   }
0x1f: {  	_ =	swait.ge [sflag:s22], $0x1638  }
0x20: {  	[sflag:s22] =	ssyncset.done $0x0  }
0x21: {  	s29 =	smov.u32 s24;
	s31 =	rddreg [dreg:$0x7];
	[sflag:s22] =	ssyncadd.s32 $0xFFFFE9C8  }
0x22: {  	[spmem:s29@s20], [sflag:s13] =	dma.strided [hbm:s31@s19], $0x1638, s5, $0x9   }
0x23: {  	_ =	swait.ge [sflag:s22], $0x1638  }
0x24: {  	[sflag:s22] =	ssyncset.done $0x0  }
0x25: {  	[sflag:s22] =	ssyncadd.s32 $0xFFFFE9C8  }
0x26: {  	[bflag:$0x0] =	sbarrier.arrive $0xFFFF  }
0x27: {  	[tilespmem:s4], [sflag:$0x1] =	stream.linear.gather [hbm4b:s8+s4], $0x100, $0x38;
	[tilespmem:$0x1FB80] =	vst v63  }
0x28: {  	s19 =	simm.s32 $0x100;
	s24 =	rddreg [dreg:$0x8]  }
0x29: {  	[tilespmem:s19], [sflag:$0x2] =	stream.linear.gather [hbm4b:s24+s4], $0x100, $0x38;
	[tilespmem:$0x1FB80] =	vst v63  }
0x2a: {  	s31 =	simm.s32 $0x200;
	s25 =	rddreg [dreg:$0x9]  }
0x2b: {  	[tilespmem:s31], [sflag:$0x3] =	stream.linear.gather [hbm4b:s25+s4], $0x100, $0x38;
	[tilespmem:$0x1FB80] =	vst v63  }
0x2c: {  	s28 =	rddreg [dreg:$0xa];
	s24 =	simm.s32 $0x300  }
0x2d: {  	[tilespmem:s24], [sflag:$0x4] =	stream.linear.gather [hbm4b:s28+s4], $0x100, $0x38;
	[tilespmem:$0x1FB80] =	vst v63  }
0x2e: {  	s29 =	rddreg [dreg:$0xb];
	s28 =	simm.s32 $0x400  }
0x2f: {  	[tilespmem:s28], [sflag:$0x5] =	stream.linear.gather [hbm4b:s29+s4], $0x100, $0x38;
	[tilespmem:$0x1FB80] =	vst v63  }
0x30: {  	s30 =	rddreg [dreg:$0xc];
	s29 =	simm.s32 $0x500  }
0x31: {  	[tilespmem:s29], [sflag:$0x6] =	stream.linear.gather [hbm4b:s30+s4], $0x100, $0x38;
	[tilespmem:$0x1FB80] =	vst v63  }
0x32: {  	s13 =	rddreg [dreg:$0xd];
	s30 =	simm.s32 $0x600  }
0x33: {  	[tilespmem:s30], [sflag:$0x7] =	stream.linear.gather [hbm4b:s13+s4], $0x100, $0x38;
	[tilespmem:$0x1FB80] =	vst v63  }
0x34: {  	s18 =	rddreg [dreg:$0xe];
	s25 =	simm.s32 $0x700  }
0x35: {  	[tilespmem:s25], [sflag:$0x8] =	stream.linear.gather [hbm4b:s18+s4], $0x100, $0x38;
	[tilespmem:$0x1FB80] =	vst v63  }
0x36: {  	_ =	swait.ge [sflag:s5], $0x100  }
0x37: {  	[sflag:s5] =	ssyncset.done $0x0  }
0x38: {  	[sflag:s5] =	ssyncadd.s32 $0xFFFFFF00  }
0x39: {  	[tilespmem:s1], [sflag:$0x9] =	stream.indirect.gather [spmem:s2], $0x48, s4, s0, $0xb8;
	[tilespmem:$0x1FB80] =	vst v63  }
0x3a: {  	_ =	swait.ge [sflag:s9], $0x100  }
0x3b: {  	[sflag:s9] =	ssyncset.done $0x0  }
0x3c: {  	[sflag:s9] =	ssyncadd.s32 $0xFFFFFF00  }
0x3d: {  	[tilespmem:s7], [sflag:$0xA] =	stream.indirect.gather [spmem:s2], $0x48, s19, s0, $0xb8;
	[tilespmem:$0x1FB80] =	vst v63  }
0x3e: {  	_ =	swait.ge [sflag:s11], $0x100  }
0x3f: {  	[sflag:s11] =	ssyncset.done $0x0  }
0x40: {  	[sflag:s11] =	ssyncadd.s32 $0xFFFFFF00  }
0x41: {  	[tilespmem:s10], [sflag:$0xB] =	stream.indirect.gather [spmem:s2], $0x48, s31, s0, $0xb8;
	[tilespmem:$0x1FB80] =	vst v63  }
0x42: {  	_ =	swait.ge [sflag:s26], $0x100  }
0x43: {  	[sflag:s26] =	ssyncset.done $0x0  }
0x44: {  	[sflag:s26] =	ssyncadd.s32 $0xFFFFFF00  }
0x45: {  	[tilespmem:s12], [sflag:$0xC] =	stream.indirect.gather [spmem:s2], $0x48, s24, s0, $0xb8;
	[tilespmem:$0x1FB80] =	vst v63  }
0x46: {  	_ =	swait.ge [sflag:s20], $0x2400  }
0x47: {  	[sflag:s20] =	ssyncset.done $0x0  }
0x48: {  	[sflag:s20] =	ssyncadd.s32 $0xFFFFDC00  }
0x49: {  	[spmem:s3] =	stream.indirect.scatter.add.f32 [tilespmem:s1], [sflag:$0xD], $0x48, s0, s0, $0xb8;
	[tilespmem:$0x1FB80] =	vst v63  }
0x4a: {  	_ =	swait.ge [sflag:s22], $0x2400  }
0x4b: {  	s6 =	sadd.s32 $0x0, s8;
	[sflag:s22] =	ssyncset.done $0x0  }
0x4c: {  	s13 =	sadd.s32 $0x100, s6;
	s18 =	simm.s32 $0x5;
	[sflag:s22] =	ssyncadd.s32 $0xFFFFDC00  }
0x4d: {  	[tilespmem:s4], [sflag:$0x1] =	stream.linear.gather [hbm4b:s13+s4], $0x100, $0x38;
	[tilespmem:$0x1FB80] =	vst v63  }
0x4e: {  	_ =	swait.ge [sflag:s18], $0x100  }
0x4f: {  	[sflag:s18] =	ssyncset.done $0x0  }
0x50: {  	[sflag:s18] =	ssyncadd.s32 $0xFFFFFF00  }
0x51: {  	[tilespmem:s1], [sflag:$0x9] =	stream.indirect.gather [spmem:s2], $0x48, s28, s0, $0xb8;
	[tilespmem:$0x1FB80] =	vst v63  }
0x52: {  	_ =	swait.ge [sflag:s14], $0x2400  }
0x53: {  	[sflag:s14] =	ssyncset.done $0x0  }
0x54: {  	s13 =	simm.s32 $0x180;
	[sflag:s14] =	ssyncadd.s32 $0xFFFFDC00  }
0x55: {  	[spmem:s3] =	stream.indirect.scatter.add.f32 [tilespmem:s7], [sflag:$0xD], $0x48, s13, s0, $0xb8;
	[tilespmem:$0x1FB80] =	vst v63  }
0x56: {  	_ =	swait.ge [sflag:s22], $0x2400  }
0x57: {  	[sflag:s22] =	ssyncset.done $0x0  }
0x58: {  	s13 =	sadd.s32 $0x120, s6;
	[sflag:s22] =	ssyncadd.s32 $0xFFFFDC00  }
0x59: {  	[tilespmem:s19], [sflag:$0x2] =	stream.linear.gather [hbm4b:s13+s4], $0x100, $0x38;
	[tilespmem:$0x1FB80] =	vst v63  }
0x5a: {  	_ =	swait.ge [sflag:s16], $0x100  }
0x5b: {  	[sflag:s16] =	ssyncset.done $0x0  }
0x5c: {  	[sflag:s16] =	ssyncadd.s32 $0xFFFFFF00  }
0x5d: {  	[tilespmem:s7], [sflag:$0xA] =	stream.indirect.gather [spmem:s2], $0x48, s29, s0, $0xb8;
	[tilespmem:$0x1FB80] =	vst v63  }
0x5e: {  	_ =	swait.ge [sflag:s17], $0x2400  }
0x5f: {  	[sflag:s17] =	ssyncset.done $0x0  }
0x60: {  	s13 =	simm.s32 $0x280;
	[sflag:s17] =	ssyncadd.s32 $0xFFFFDC00  }
0x61: {  	[spmem:s3] =	stream.indirect.scatter.add.f32 [tilespmem:s10], [sflag:$0xD], $0x48, s13, s0, $0xb8;
	[tilespmem:$0x1FB80] =	vst v63  }
0x62: {  	_ =	swait.ge [sflag:s22], $0x2400  }
0x63: {  	[sflag:s22] =	ssyncset.done $0x0  }
0x64: {  	s13 =	sadd.s32 $0x140, s6;
	[sflag:s22] =	ssyncadd.s32 $0xFFFFDC00  }
0x65: {  	[tilespmem:s31], [sflag:$0x3] =	stream.linear.gather [hbm4b:s13+s4], $0x100, $0x38;
	[tilespmem:$0x1FB80] =	vst v63  }
0x66: {  	_ =	swait.ge [sflag:s21], $0x100  }
0x67: {  	[sflag:s21] =	ssyncset.done $0x0  }
0x68: {  	[sflag:s21] =	ssyncadd.s32 $0xFFFFFF00  }
0x69: {  	[tilespmem:s10], [sflag:$0xB] =	stream.indirect.gather [spmem:s2], $0x48, s30, s0, $0xb8;
	[tilespmem:$0x1FB80] =	vst v63  }
0x6a: {  	_ =	swait.ge [sflag:s23], $0x2400  }
0x6b: {  	[sflag:s23] =	ssyncset.done $0x0  }
0x6c: {  	s13 =	simm.s32 $0x380;
	[sflag:s23] =	ssyncadd.s32 $0xFFFFDC00  }
0x6d: {  	[spmem:s3] =	stream.indirect.scatter.add.f32 [tilespmem:s12], [sflag:$0xD], $0x48, s13, s0, $0xb8;
	[tilespmem:$0x1FB80] =	vst v63  }
0x6e: {  	_ =	swait.ge [sflag:s22], $0x2400  }
0x6f: {  	[sflag:s22] =	ssyncset.done $0x0  }
0x70: {  	s13 =	sadd.s32 $0x160, s6;
	[sflag:s22] =	ssyncadd.s32 $0xFFFFDC00  }
0x71: {  	[tilespmem:s24], [sflag:$0x4] =	stream.linear.gather [hbm4b:s13+s4], $0x100, $0x38;
	[tilespmem:$0x1FB80] =	vst v63  }
0x72: {  	_ =	swait.ge [sflag:s15], $0x100  }
0x73: {  	[sflag:s15] =	ssyncset.done $0x0  }
0x74: {  	[sflag:s15] =	ssyncadd.s32 $0xFFFFFF00  }
0x75: {  	[tilespmem:s12], [sflag:$0xC] =	stream.indirect.gather [spmem:s2], $0x48, s25, s0, $0xb8;
	[tilespmem:$0x1FB80] =	vst v63  }
0x76: {  	_ =	swait.ge [sflag:s20], $0x2400  }
0x77: {  	[sflag:s20] =	ssyncset.done $0x0  }
0x78: {  	s13 =	simm.s32 $0x480;
	[sflag:s20] =	ssyncadd.s32 $0xFFFFDC00  }
0x79: {  	[spmem:s3] =	stream.indirect.scatter.add.f32 [tilespmem:s1], [sflag:$0xD], $0x48, s13, s0, $0xb8;
	[tilespmem:$0x1FB80] =	vst v63  }
0x7a: {  	_ =	swait.ge [sflag:s22], $0x2400  }
0x7b: {  	[sflag:s22] =	ssyncset.done $0x0  }
0x7c: {  	s24 =	sadd.s32 $0x180, s6;
	[sflag:s22] =	ssyncadd.s32 $0xFFFFDC00  }
0x7d: {  	[tilespmem:s28], [sflag:$0x5] =	stream.linear.gather [hbm4b:s24+s4], $0x100, $0x38;
	[tilespmem:$0x1FB80] =	vst v63  }
0x7e: {  	_ =	swait.ge [sflag:s5], $0x100  }
0x7f: {  	[sflag:s5] =	ssyncset.done $0x0  }
0x80: {  	[sflag:s5] =	ssyncadd.s32 $0xFFFFFF00  }
0x81: {  	[tilespmem:s1], [sflag:$0x9] =	stream.indirect.gather [spmem:s2], $0x48, s4, s0, $0xb8;
	[tilespmem:$0x1FB80] =	vst v63  }
0x82: {  	_ =	swait.ge [sflag:s14], $0x2400  }
0x83: {  	[sflag:s14] =	ssyncset.done $0x0  }
0x84: {  	s13 =	simm.s32 $0x580;
	[sflag:s14] =	ssyncadd.s32 $0xFFFFDC00  }
0x85: {  	[spmem:s3] =	stream.indirect.scatter.add.f32 [tilespmem:s7], [sflag:$0xD], $0x48, s13, s0, $0xb8;
	[tilespmem:$0x1FB80] =	vst v63  }
0x86: {  	_ =	swait.ge [sflag:s22], $0x2400  }
0x87: {  	[sflag:s22] =	ssyncset.done $0x0  }
0x88: {  	s24 =	sadd.s32 $0x1A0, s6;
	[sflag:s22] =	ssyncadd.s32 $0xFFFFDC00  }
0x89: {  	[tilespmem:s29], [sflag:$0x6] =	stream.linear.gather [hbm4b:s24+s4], $0x100, $0x38;
	[tilespmem:$0x1FB80] =	vst v63  }
0x8a: {  	_ =	swait.ge [sflag:s9], $0x100  }
0x8b: {  	[sflag:s9] =	ssyncset.done $0x0  }
0x8c: {  	[sflag:s9] =	ssyncadd.s32 $0xFFFFFF00  }
0x8d: {  	[tilespmem:s7], [sflag:$0xA] =	stream.indirect.gather [spmem:s2], $0x48, s19, s0, $0xb8;
	[tilespmem:$0x1FB80] =	vst v63  }
0x8e: {  	_ =	swait.ge [sflag:s17], $0x2400  }
0x8f: {  	[sflag:s17] =	ssyncset.done $0x0  }
0x90: {  	s28 =	simm.s32 $0x680;
	[sflag:s17] =	ssyncadd.s32 $0xFFFFDC00  }
0x91: {  	[spmem:s3] =	stream.indirect.scatter.add.f32 [tilespmem:s10], [sflag:$0xD], $0x48, s28, s0, $0xb8;
	[tilespmem:$0x1FB80] =	vst v63  }
0x92: {  	_ =	swait.ge [sflag:s22], $0x2400  }
0x93: {  	[sflag:s22] =	ssyncset.done $0x0  }
0x94: {  	s29 =	sadd.s32 $0x1C0, s6;
	[sflag:s22] =	ssyncadd.s32 $0xFFFFDC00  }
0x95: {  	[tilespmem:s30], [sflag:$0x7] =	stream.linear.gather [hbm4b:s29+s4], $0x100, $0x38;
	[tilespmem:$0x1FB80] =	vst v63  }
0x96: {  	_ =	swait.ge [sflag:s11], $0x100  }
0x97: {  	[sflag:s11] =	ssyncset.done $0x0  }
0x98: {  	[sflag:s11] =	ssyncadd.s32 $0xFFFFFF00  }
0x99: {  	[tilespmem:s10], [sflag:$0xB] =	stream.indirect.gather [spmem:s2], $0x48, s31, s0, $0xb8;
	[tilespmem:$0x1FB80] =	vst v63  }
0x9a: {  	_ =	swait.ge [sflag:s23], $0x2400  }
0x9b: {  	[sflag:s23] =	ssyncset.done $0x0  }
0x9c: {  	s31 =	simm.s32 $0x780;
	[sflag:s23] =	ssyncadd.s32 $0xFFFFDC00  }
0x9d: {  	[spmem:s3] =	stream.indirect.scatter.add.f32 [tilespmem:s12], [sflag:$0xD], $0x48, s31, s0, $0xb8;
	[tilespmem:$0x1FB80] =	vst v63  }
0x9e: {  	_ =	swait.ge [sflag:s22], $0x2400  }
0x9f: {  	[sflag:s22] =	ssyncset.done $0x0  }
0xa0: {  	s6 =	sadd.s32 $0x1E0, s6;
	[sflag:s22] =	ssyncadd.s32 $0xFFFFDC00  }
0xa1: {  	[tilespmem:s25], [sflag:$0x8] =	stream.linear.gather [hbm4b:s6+s4], $0x100, $0x38;
	[tilespmem:$0x1FB80] =	vst v63  }
0xa2: {  	_ =	swait.ge [sflag:s26], $0x100  }
0xa3: {  	s18 =	simm.s32 $0x100;
	[sflag:s26] =	ssyncset.done $0x0  }
0xa4: {  	s9 =	simm.s32 $0x2;
	s11 =	simm.s32 $0x3;
	[sflag:s26] =	ssyncadd.s32 $0xFFFFFF00  }
.LBB2_2:
0xa5: {  	s29 =	simm.s32 $0x300;
	s6 =	smov.u32 s18  }
0xa6: {  	[tilespmem:s12], [sflag:$0xC] =	stream.indirect.gather [spmem:s2], $0x48, s29, s0, $0xb8;
	[tilespmem:$0x1FB80] =	vst v63  }
0xa7: {  	p0 =	sne.s32 s18, $0x1200;
	s18 =	sadd.s32 $0x100, s18;
	_ =	swait.ge [sflag:s20], $0x2400  }
0xa8: {  	[sflag:s20] =	ssyncset.done $0x0  }
0xa9: {  	[sflag:s20] =	ssyncadd.s32 $0xFFFFDC00  }
0xaa: {  	[spmem:s3] =	stream.indirect.scatter.add.f32 [tilespmem:s1], [sflag:$0xD], $0x48, s0, s0, $0xb8;
	[tilespmem:$0x1FB80] =	vst v63  }
0xab: {  	_ =	swait.ge [sflag:s22], $0x2400  }
0xac: {  	s24 =	smov.u32 s8;
	s6 =	sadd.s32 s6, s8;
	[sflag:s22] =	ssyncset.done $0x0  }
0xad: {  	s5 =	simm.s32 $0x5;
	s8 =	sadd.s32 $0x100, s6;
	[sflag:s22] =	ssyncadd.s32 $0xFFFFDC00  }
0xae: {  	[tilespmem:s4], [sflag:$0x1] =	stream.linear.gather [hbm4b:s8+s4], $0x100, $0x38;
	[tilespmem:$0x1FB80] =	vst v63  }
0xaf: {  	_ =	swait.ge [sflag:s5], $0x100  }
0xb0: {  	[sflag:s5] =	ssyncset.done $0x0  }
0xb1: {  	s30 =	simm.s32 $0x400;
	[sflag:s5] =	ssyncadd.s32 $0xFFFFFF00  }
0xb2: {  	[tilespmem:s1], [sflag:$0x9] =	stream.indirect.gather [spmem:s2], $0x48, s30, s0, $0xb8;
	[tilespmem:$0x1FB80] =	vst v63  }
0xb3: {  	_ =	swait.ge [sflag:s14], $0x2400  }
0xb4: {  	[sflag:s14] =	ssyncset.done $0x0  }
0xb5: {  	s8 =	simm.s32 $0x180;
	[sflag:s14] =	ssyncadd.s32 $0xFFFFDC00  }
0xb6: {  	[spmem:s3] =	stream.indirect.scatter.add.f32 [tilespmem:s7], [sflag:$0xD], $0x48, s8, s0, $0xb8;
	[tilespmem:$0x1FB80] =	vst v63  }
0xb7: {  	_ =	swait.ge [sflag:s22], $0x2400  }
0xb8: {  	[sflag:s22] =	ssyncset.done $0x0  }
0xb9: {  	s19 =	simm.s32 $0x100;
	s8 =	sadd.s32 $0x120, s6;
	[sflag:s22] =	ssyncadd.s32 $0xFFFFDC00  }
0xba: {  	[tilespmem:s19], [sflag:$0x2] =	stream.linear.gather [hbm4b:s8+s4], $0x100, $0x38;
	[tilespmem:$0x1FB80] =	vst v63  }
0xbb: {  	_ =	swait.ge [sflag:s16], $0x100  }
0xbc: {  	[sflag:s16] =	ssyncset.done $0x0  }
0xbd: {  	s31 =	simm.s32 $0x500;
	[sflag:s16] =	ssyncadd.s32 $0xFFFFFF00  }
0xbe: {  	[tilespmem:s7], [sflag:$0xA] =	stream.indirect.gather [spmem:s2], $0x48, s31, s0, $0xb8;
	[tilespmem:$0x1FB80] =	vst v63  }
0xbf: {  	_ =	swait.ge [sflag:s17], $0x2400  }
0xc0: {  	[sflag:s17] =	ssyncset.done $0x0  }
0xc1: {  	s8 =	simm.s32 $0x280;
	[sflag:s17] =	ssyncadd.s32 $0xFFFFDC00  }
0xc2: {  	[spmem:s3] =	stream.indirect.scatter.add.f32 [tilespmem:s10], [sflag:$0xD], $0x48, s8, s0, $0xb8;
	[tilespmem:$0x1FB80] =	vst v63  }
0xc3: {  	_ =	swait.ge [sflag:s22], $0x2400  }
0xc4: {  	[sflag:s22] =	ssyncset.done $0x0  }
0xc5: {  	s13 =	simm.s32 $0x200;
	s8 =	sadd.s32 $0x140, s6;
	[sflag:s22] =	ssyncadd.s32 $0xFFFFDC00  }
0xc6: {  	[tilespmem:s13], [sflag:$0x3] =	stream.linear.gather [hbm4b:s8+s4], $0x100, $0x38;
	[tilespmem:$0x1FB80] =	vst v63  }
0xc7: {  	_ =	swait.ge [sflag:s21], $0x100  }
0xc8: {  	[sflag:s21] =	ssyncset.done $0x0  }
0xc9: {  	s25 =	simm.s32 $0x600;
	[sflag:s21] =	ssyncadd.s32 $0xFFFFFF00  }
0xca: {  	[tilespmem:s10], [sflag:$0xB] =	stream.indirect.gather [spmem:s2], $0x48, s25, s0, $0xb8;
	[tilespmem:$0x1FB80] =	vst v63  }
0xcb: {  	_ =	swait.ge [sflag:s23], $0x2400  }
0xcc: {  	[sflag:s23] =	ssyncset.done $0x0  }
0xcd: {  	s8 =	simm.s32 $0x380;
	[sflag:s23] =	ssyncadd.s32 $0xFFFFDC00  }
0xce: {  	[spmem:s3] =	stream.indirect.scatter.add.f32 [tilespmem:s12], [sflag:$0xD], $0x48, s8, s0, $0xb8;
	[tilespmem:$0x1FB80] =	vst v63  }
0xcf: {  	_ =	swait.ge [sflag:s22], $0x2400  }
0xd0: {  	[sflag:s22] =	ssyncset.done $0x0  }
0xd1: {  	s28 =	simm.s32 $0x300;
	s8 =	sadd.s32 $0x160, s6;
	[sflag:s22] =	ssyncadd.s32 $0xFFFFDC00  }
0xd2: {  	[tilespmem:s29], [sflag:$0x4] =	stream.linear.gather [hbm4b:s8+s4], $0x100, $0x38;
	[tilespmem:$0x1FB80] =	vst v63  }
0xd3: {  	_ =	swait.ge [sflag:s15], $0x100  }
0xd4: {  	[sflag:s15] =	ssyncset.done $0x0  }
0xd5: {  	s26 =	simm.s32 $0x700;
	[sflag:s15] =	ssyncadd.s32 $0xFFFFFF00  }
0xd6: {  	[tilespmem:s12], [sflag:$0xC] =	stream.indirect.gather [spmem:s2], $0x48, s26, s0, $0xb8;
	[tilespmem:$0x1FB80] =	vst v63  }
0xd7: {  	_ =	swait.ge [sflag:s20], $0x2400  }
0xd8: {  	[sflag:s20] =	ssyncset.done $0x0  }
0xd9: {  	s8 =	simm.s32 $0x480;
	[sflag:s20] =	ssyncadd.s32 $0xFFFFDC00  }
0xda: {  	[spmem:s3] =	stream.indirect.scatter.add.f32 [tilespmem:s1], [sflag:$0xD], $0x48, s8, s0, $0xb8;
	[tilespmem:$0x1FB80] =	vst v63  }
0xdb: {  	_ =	swait.ge [sflag:s22], $0x2400  }
0xdc: {  	[sflag:s22] =	ssyncset.done $0x0  }
0xdd: {  	s8 =	sadd.s32 $0x180, s6;
	[sflag:s22] =	ssyncadd.s32 $0xFFFFDC00  }
0xde: {  	[tilespmem:s30], [sflag:$0x5] =	stream.linear.gather [hbm4b:s8+s4], $0x100, $0x38;
	[tilespmem:$0x1FB80] =	vst v63  }
0xdf: {  	s29 =	simm.s32 $0x400;
	s8 =	simm.s32 $0x1  }
0xe0: {  	_ =	swait.ge [sflag:s8], $0x100  }
0xe1: {  	[sflag:s8] =	ssyncset.done $0x0  }
0xe2: {  	s5 =	simm.s32 $0x1;
	[sflag:s8] =	ssyncadd.s32 $0xFFFFFF00  }
0xe3: {  	[tilespmem:s1], [sflag:$0x9] =	stream.indirect.gather [spmem:s2], $0x48, s4, s0, $0xb8;
	[tilespmem:$0x1FB80] =	vst v63  }
0xe4: {  	_ =	swait.ge [sflag:s14], $0x2400  }
0xe5: {  	[sflag:s14] =	ssyncset.done $0x0  }
0xe6: {  	s8 =	simm.s32 $0x580;
	[sflag:s14] =	ssyncadd.s32 $0xFFFFDC00  }
0xe7: {  	[spmem:s3] =	stream.indirect.scatter.add.f32 [tilespmem:s7], [sflag:$0xD], $0x48, s8, s0, $0xb8;
	[tilespmem:$0x1FB80] =	vst v63  }
0xe8: {  	_ =	swait.ge [sflag:s22], $0x2400  }
0xe9: {  	[sflag:s22] =	ssyncset.done $0x0  }
0xea: {  	s30 =	simm.s32 $0x500;
	s8 =	sadd.s32 $0x1A0, s6;
	[sflag:s22] =	ssyncadd.s32 $0xFFFFDC00  }
0xeb: {  	[tilespmem:s31], [sflag:$0x6] =	stream.linear.gather [hbm4b:s8+s4], $0x100, $0x38;
	[tilespmem:$0x1FB80] =	vst v63  }
0xec: {  	_ =	swait.ge [sflag:s9], $0x100  }
0xed: {  	[sflag:s9] =	ssyncset.done $0x0  }
0xee: {  	[sflag:s9] =	ssyncadd.s32 $0xFFFFFF00  }
0xef: {  	[tilespmem:s7], [sflag:$0xA] =	stream.indirect.gather [spmem:s2], $0x48, s19, s0, $0xb8;
	[tilespmem:$0x1FB80] =	vst v63  }
0xf0: {  	_ =	swait.ge [sflag:s17], $0x2400  }
0xf1: {  	[sflag:s17] =	ssyncset.done $0x0  }
0xf2: {  	s8 =	simm.s32 $0x680;
	[sflag:s17] =	ssyncadd.s32 $0xFFFFDC00  }
0xf3: {  	[spmem:s3] =	stream.indirect.scatter.add.f32 [tilespmem:s10], [sflag:$0xD], $0x48, s8, s0, $0xb8;
	[tilespmem:$0x1FB80] =	vst v63  }
0xf4: {  	_ =	swait.ge [sflag:s22], $0x2400  }
0xf5: {  	[sflag:s22] =	ssyncset.done $0x0  }
0xf6: {  	s8 =	sadd.s32 $0x1C0, s6;
	[sflag:s22] =	ssyncadd.s32 $0xFFFFDC00  }
0xf7: {  	[tilespmem:s25], [sflag:$0x7] =	stream.linear.gather [hbm4b:s8+s4], $0x100, $0x38;
	[tilespmem:$0x1FB80] =	vst v63  }
0xf8: {  	s31 =	simm.s32 $0x600;
	s8 =	smov.u32 s24  }
0xf9: {  	_ =	swait.ge [sflag:s11], $0x100  }
0xfa: {  	[sflag:s11] =	ssyncset.done $0x0  }
0xfb: {  	[sflag:s11] =	ssyncadd.s32 $0xFFFFFF00  }
0xfc: {  	[tilespmem:s10], [sflag:$0xB] =	stream.indirect.gather [spmem:s2], $0x48, s13, s0, $0xb8;
	[tilespmem:$0x1FB80] =	vst v63  }
0xfd: {  	_ =	swait.ge [sflag:s23], $0x2400  }
0xfe: {  	[sflag:s23] =	ssyncset.done $0x0  }
0xff: {  	s24 =	simm.s32 $0x780;
	[sflag:s23] =	ssyncadd.s32 $0xFFFFDC00  }
0x100: {  	[spmem:s3] =	stream.indirect.scatter.add.f32 [tilespmem:s12], [sflag:$0xD], $0x48, s24, s0, $0xb8;
	[tilespmem:$0x1FB80] =	vst v63  }
0x101: {  	_ =	swait.ge [sflag:s22], $0x2400  }
0x102: {  	[sflag:s22] =	ssyncset.done $0x0  }
0x103: {  	s6 =	sadd.s32 $0x1E0, s6;
	[sflag:s22] =	ssyncadd.s32 $0xFFFFDC00  }
0x104: {  	[tilespmem:s26], [sflag:$0x8] =	stream.linear.gather [hbm4b:s6+s4], $0x100, $0x38;
	[tilespmem:$0x1FB80] =	vst v63  }
.Ltmp0:
0x105: {  	_ = 	snop;
	(pc) =	sbr.rel @p0 .LBB2_2-.Ltmp0, $4  }
0x106: {  	s24 =	simm.s32 $0x700;
	s26 =	simm.s32 $0x4  }
0x107: {  	_ =	swait.ge [sflag:s26], $0x100  }
0x108: {  	[sflag:s26] =	ssyncset.done $0x0  }
0x109: {  	[sflag:s26] =	ssyncadd.s32 $0xFFFFFF00  }
0x10a: {  	[tilespmem:s12], [sflag:$0xC] =	stream.indirect.gather [spmem:s2], $0x48, s28, s0, $0xb8;
	[tilespmem:$0x1FB80] =	vst v63  }
0x10b: {  	_ =	swait.ge [sflag:s20], $0x2400  }
0x10c: {  	[sflag:s20] =	ssyncset.done $0x0  }
0x10d: {  	[sflag:s20] =	ssyncadd.s32 $0xFFFFDC00  }
0x10e: {  	[spmem:s3] =	stream.indirect.scatter.add.f32 [tilespmem:s1], [sflag:$0xD], $0x48, s0, s0, $0xb8;
	[tilespmem:$0x1FB80] =	vst v63  }
0x10f: {  	_ =	swait.ge [sflag:s22], $0x2400  }
0x110: {  	[sflag:s22] =	ssyncset.done $0x0  }
0x111: {  	s6 =	simm.s32 $0x5;
	[sflag:s22] =	ssyncadd.s32 $0xFFFFDC00  }
0x112: {  	_ =	swait.ge [sflag:s6], $0x100  }
0x113: {  	[sflag:s6] =	ssyncset.done $0x0  }
0x114: {  	[sflag:s6] =	ssyncadd.s32 $0xFFFFFF00  }
0x115: {  	[tilespmem:s1], [sflag:$0x9] =	stream.indirect.gather [spmem:s2], $0x48, s29, s0, $0xb8;
	[tilespmem:$0x1FB80] =	vst v63  }
0x116: {  	_ =	swait.ge [sflag:s14], $0x2400  }
0x117: {  	[sflag:s14] =	ssyncset.done $0x0  }
0x118: {  	s9 =	simm.s32 $0x180;
	[sflag:s14] =	ssyncadd.s32 $0xFFFFDC00  }
0x119: {  	[spmem:s3] =	stream.indirect.scatter.add.f32 [tilespmem:s7], [sflag:$0xD], $0x48, s9, s0, $0xb8;
	[tilespmem:$0x1FB80] =	vst v63  }
0x11a: {  	_ =	swait.ge [sflag:s22], $0x2400  }
0x11b: {  	[sflag:s22] =	ssyncset.done $0x0  }
0x11c: {  	[sflag:s22] =	ssyncadd.s32 $0xFFFFDC00  }
0x11d: {  	_ =	swait.ge [sflag:s16], $0x100  }
0x11e: {  	[sflag:s16] =	ssyncset.done $0x0  }
0x11f: {  	[sflag:s16] =	ssyncadd.s32 $0xFFFFFF00  }
0x120: {  	[tilespmem:s7], [sflag:$0xA] =	stream.indirect.gather [spmem:s2], $0x48, s30, s0, $0xb8;
	[tilespmem:$0x1FB80] =	vst v63  }
0x121: {  	_ =	swait.ge [sflag:s17], $0x2400  }
0x122: {  	[sflag:s17] =	ssyncset.done $0x0  }
0x123: {  	s11 =	simm.s32 $0x280;
	[sflag:s17] =	ssyncadd.s32 $0xFFFFDC00  }
0x124: {  	[spmem:s3] =	stream.indirect.scatter.add.f32 [tilespmem:s10], [sflag:$0xD], $0x48, s11, s0, $0xb8;
	[tilespmem:$0x1FB80] =	vst v63  }
0x125: {  	_ =	swait.ge [sflag:s22], $0x2400  }
0x126: {  	[sflag:s22] =	ssyncset.done $0x0  }
0x127: {  	[sflag:s22] =	ssyncadd.s32 $0xFFFFDC00  }
0x128: {  	_ =	swait.ge [sflag:s21], $0x100  }
0x129: {  	[sflag:s21] =	ssyncset.done $0x0  }
0x12a: {  	[sflag:s21] =	ssyncadd.s32 $0xFFFFFF00  }
0x12b: {  	[tilespmem:s10], [sflag:$0xB] =	stream.indirect.gather [spmem:s2], $0x48, s31, s0, $0xb8;
	[tilespmem:$0x1FB80] =	vst v63  }
0x12c: {  	_ =	swait.ge [sflag:s23], $0x2400  }
0x12d: {  	[sflag:s23] =	ssyncset.done $0x0  }
0x12e: {  	s13 =	simm.s32 $0x380;
	[sflag:s23] =	ssyncadd.s32 $0xFFFFDC00  }
0x12f: {  	[spmem:s3] =	stream.indirect.scatter.add.f32 [tilespmem:s12], [sflag:$0xD], $0x48, s13, s0, $0xb8;
	[tilespmem:$0x1FB80] =	vst v63  }
0x130: {  	_ =	swait.ge [sflag:s22], $0x2400  }
0x131: {  	[sflag:s22] =	ssyncset.done $0x0  }
0x132: {  	[sflag:s22] =	ssyncadd.s32 $0xFFFFDC00  }
0x133: {  	_ =	swait.ge [sflag:s15], $0x100  }
0x134: {  	[sflag:s15] =	ssyncset.done $0x0  }
0x135: {  	[sflag:s15] =	ssyncadd.s32 $0xFFFFFF00  }
0x136: {  	[tilespmem:s12], [sflag:$0xC] =	stream.indirect.gather [spmem:s2], $0x48, s24, s0, $0xb8;
	[tilespmem:$0x1FB80] =	vst v63  }
0x137: {  	_ =	swait.ge [sflag:s20], $0x2400  }
0x138: {  	[sflag:s20] =	ssyncset.done $0x0  }
0x139: {  	s18 =	simm.s32 $0x480;
	[sflag:s20] =	ssyncadd.s32 $0xFFFFDC00  }
0x13a: {  	[spmem:s3] =	stream.indirect.scatter.add.f32 [tilespmem:s1], [sflag:$0xD], $0x48, s18, s0, $0xb8;
	[tilespmem:$0x1FB80] =	vst v63  }
0x13b: {  	_ =	swait.ge [sflag:s22], $0x2400  }
0x13c: {  	[sflag:s22] =	ssyncset.done $0x0  }
0x13d: {  	[sflag:s22] =	ssyncadd.s32 $0xFFFFDC00  }
0x13e: {  	_ =	swait.ge [sflag:s14], $0x2400  }
0x13f: {  	[sflag:s14] =	ssyncset.done $0x0  }
0x140: {  	s19 =	simm.s32 $0x580;
	[sflag:s14] =	ssyncadd.s32 $0xFFFFDC00  }
0x141: {  	[spmem:s3] =	stream.indirect.scatter.add.f32 [tilespmem:s7], [sflag:$0xD], $0x48, s19, s0, $0xb8;
	[tilespmem:$0x1FB80] =	vst v63  }
0x142: {  	_ =	swait.ge [sflag:s22], $0x2400  }
0x143: {  	[sflag:s22] =	ssyncset.done $0x0  }
0x144: {  	[sflag:s22] =	ssyncadd.s32 $0xFFFFDC00  }
0x145: {  	_ =	swait.ge [sflag:s17], $0x2400  }
0x146: {  	[sflag:s17] =	ssyncset.done $0x0  }
0x147: {  	s24 =	simm.s32 $0x680;
	[sflag:s17] =	ssyncadd.s32 $0xFFFFDC00  }
0x148: {  	[spmem:s3] =	stream.indirect.scatter.add.f32 [tilespmem:s10], [sflag:$0xD], $0x48, s24, s0, $0xb8;
	[tilespmem:$0x1FB80] =	vst v63  }
0x149: {  	_ =	swait.ge [sflag:s22], $0x2400  }
0x14a: {  	[sflag:s22] =	ssyncset.done $0x0  }
0x14b: {  	[sflag:s22] =	ssyncadd.s32 $0xFFFFDC00  }
0x14c: {  	_ =	swait.ge [sflag:s23], $0x2400  }
0x14d: {  	[sflag:s23] =	ssyncset.done $0x0  }
0x14e: {  	s25 =	simm.s32 $0x780;
	[sflag:s23] =	ssyncadd.s32 $0xFFFFDC00  }
0x14f: {  	[spmem:s3] =	stream.indirect.scatter.add.f32 [tilespmem:s12], [sflag:$0xD], $0x48, s25, s0, $0xb8;
	[tilespmem:$0x1FB80] =	vst v63  }
0x150: {  	_ =	swait.ge [sflag:s22], $0x2400  }
0x151: {  	[sflag:s22] =	ssyncset.done $0x0  }
0x152: {  	[sflag:s22] =	ssyncadd.s32 $0xFFFFDC00  }
0x153: {  	[bflag:$0x0] =	sbarrier.arrive $0xFFFF  }
0x154: {  	s13 =	rddreg [dreg:$0x6]  }
0x155: {  	s28 =	rddreg [dreg:$0xf]  }
0x156: {  	s29 =	simm.s32 $0x10;
	s18 =	rddreg [dreg:$0x12]  }
0x157: {  	[hbm:s28@s29], [sflag:s13] =	dma.strided [spmem:s18@s20], $0x1638, s5, $0x9   }
0x158: {  	_ =	swait.ge [sflag:s22], $0x1638  }
0x159: {  	s30 =	rddreg [dreg:$0x13]  }
0x15a: {  	s24 =	smov.u32 s18;
	s31 =	rddreg [dreg:$0x10];
	s18 =	sadd.s32 $0x1, s30  }
0x15b: {  	p0 =	sne.s32 s18, s31  }
.Ltmp1:
0x15c: {  	_ = 	snop;
	(pc) =	sbr.rel @p0 .LBB2_1-.Ltmp1, $3  }
0x15d: {  	_ =	sdelay $0x1  }
0x15e: {  	[sflag:s22] =	ssyncset.done $0x0  }
0x15f: {  	s9 =	simm.s32 $0x2;
	s11 =	simm.s32 $0x3;
	[sflag:s22] =	ssyncadd.s32 $0xFFFFE9C8  }
0x160: {  	_ =	sfence.sel $0x180000  }
0x161: {  	[bflag:$0x0] =	sbarrier.arrive $0xFFFF  }
0x162: {  	_ =	strace $0x90000047  }
0x163: {  	s0 =	stileid.u32;
	[bflag:$0x2] =	sbarrier.arrive $0xFFFF  }
0x164: {  	p0 =	sne.s32 s0, $0x0;
	s0 =	rddreg [dreg:$0x4]  }
0x165: {  	s0 =	sadd.s32 @!p0 $0x100000, s0  }
0x166: {  	[sflag:s0] =	ssyncadd.tile.s32 @!p0 $0x1;
	_ =	shalt  }
.Lfunc_end2:
_tile_overlayer_lowered:
.L_overlay_start_2:
0x167: {  	(tag) =	ssettag $0x2  }
0x168: {  	s0 =	rddreg [dreg:$0x0];
	s2 =	stileid.u32  }
0x169: {  	s1 =	rddreg [dreg:$0x1];
	p0 =	sne.s32 s2, $0x0  }
0x16a: {  	s3 =	rddreg [dreg:$0x2];
	[bflag:$0x3] =	sbarrier.arrive $0xFFFF;
	s2 =	simm.s32 @!p0 $0x1C0D  }
0x16b: {  	[timem:s3], [sflag:s2] =	dma.local @!p0 [hbm:s0], s1  }
0x16c: {  	s0 =	simm.s32 @!p0 $0xD  }
0x16d: {  	_ =	swait.ge @!p0 [sflag:s0], s1  }
0x16e: {  	s1 =	ssub.s32 @!p0 $0x0, s1;
	[sflag:s0] =	ssyncset.done @!p0 $0x0  }
0x16f: {  	[sflag:s0] =	ssyncadd.s32 @!p0 s1  }
0x170: {  	[bflag:$0x3] =	sbarrier.arrive $0xFFFF  }
0x171: {  	_ =	shalt  }

</sc_bundles>
